<compile_context>
chip_gen: v7x
topology: tpu7x:2x2x1
jax: 0.10.2.dev20260603
libtpu: 0.0.44.dev20260713+nightly
codegen_flags: <defaults>
</compile_context>

<pallas_src>
import functools

import jax
import jax.numpy as jnp
from jax import lax
from jax.experimental import pallas as pl
from jax.experimental.pallas import tpu as pltpu
from jax.experimental.pallas import tpu_sc as plsc

N = 10000
E = 320000
D = 128

N_PAD = 10240
E_PAD = 327680
NC = 2
NS = 16
NW = NC * NS
EPW = E_PAD // NW
CHUNK = 128
NCHUNK = EPW // CHUNK
NBUF = 2
SCHUNK = 16
NSUPER = NCHUNK // SCHUNK
ROWS_PER_SUB = N_PAD // NS
DEG_W = 16

_MESH = plsc.VectorSubcoreMesh(core_axis_name="c", subcore_axis_name="s")


def _zero_vmem_2d(buf, rows, cols):
    def row_body(i, _):
        def col_body(j, _):
            buf[i, pl.ds(j * 16, 16)] = jnp.zeros((16,), jnp.float32)
            return 0
        return lax.fori_loop(0, cols // 16, col_body, 0)
    lax.fori_loop(0, rows, row_body, 0)


@functools.partial(
    pl.kernel,
    out_type=jax.ShapeDtypeStruct((NC, N_PAD, DEG_W), jnp.float32),
    mesh=_MESH,
    scratch_types=[
        pltpu.VMEM((SCHUNK, CHUNK), jnp.int32),
        pltpu.VMEM((CHUNK, DEG_W), jnp.float32),
        pltpu.VMEM_SHARED((N_PAD, DEG_W), jnp.float32),
        pltpu.SemaphoreType.DMA,
    ],
)
def _sc_degree(dst_hbm, out_hbm, didx, ones, acc, sem):
    c = lax.axis_index("c")
    s = lax.axis_index("s")
    wid = s * NC + c

    _zero_vmem_2d(ones, CHUNK, DEG_W)
    for j in range(ROWS_PER_SUB // CHUNK):
        pltpu.sync_copy(ones, acc.at[pl.ds(s * ROWS_PER_SUB + j * CHUNK, CHUNK)])

    def ones_body(i, _):
        ones[i, :] = jnp.ones((DEG_W,), jnp.float32)
        return 0
    lax.fori_loop(0, CHUNK, ones_body, 0)
    plsc.subcore_barrier()

    def super_body(u, _):
        pltpu.sync_copy(dst_hbm.at[wid, u], didx)

        def body(i, _):
            pltpu.sync_copy(ones, acc.at[didx.at[i]], add=True)
            return 0
        lax.fori_loop(0, SCHUNK, body, 0)
        return 0
    lax.fori_loop(0, NSUPER, super_body, 0)
    plsc.subcore_barrier()

    row0 = s * ROWS_PER_SUB
    pltpu.sync_copy(acc.at[pl.ds(row0, ROWS_PER_SUB)],
                    out_hbm.at[c, pl.ds(row0, ROWS_PER_SUB)])


@functools.partial(
    pl.kernel,
    out_type=jax.ShapeDtypeStruct((NC, N_PAD, D), jnp.float32),
    mesh=_MESH,
    scratch_types=[
        pltpu.VMEM((SCHUNK, CHUNK), jnp.int32),
        pltpu.VMEM((SCHUNK, CHUNK), jnp.int32),
        pltpu.VMEM((CHUNK, D), jnp.float32),
        pltpu.VMEM((CHUNK, D), jnp.float32),
        pltpu.VMEM_SHARED((N_PAD, D), jnp.float32),
        pltpu.SemaphoreType.DMA,
        pltpu.SemaphoreType.DMA,
        pltpu.SemaphoreType.DMA,
        pltpu.SemaphoreType.DMA,
    ],
)
def _sc_segsum(g_hbm, src_hbm, dst_hbm, out_hbm, sidx, didx, buf0, buf1, acc,
               gsem0, gsem1, ssem0, ssem1):
    c = lax.axis_index("c")
    s = lax.axis_index("s")
    wid = s * NC + c
    bufs = [buf0, buf1]
    gsems = [gsem0, gsem1]
    ssems = [ssem0, ssem1]

    _zero_vmem_2d(buf0, CHUNK, D)
    for j in range(ROWS_PER_SUB // CHUNK):
        pltpu.sync_copy(buf0, acc.at[pl.ds(s * ROWS_PER_SUB + j * CHUNK, CHUNK)])
    plsc.subcore_barrier()

    def gather_start(b, i):
        pltpu.async_copy(g_hbm.at[sidx.at[i]], bufs[b], gsems[b])

    def gather_wait(b):
        pltpu.make_async_copy(g_hbm.at[sidx.at[0]], bufs[b], gsems[b]).wait()

    def scatter_start(b, i):
        return pltpu.async_copy(bufs[b], acc.at[didx.at[i]], ssems[b], add=True)

    def super_body(u, _):
        pltpu.sync_copy(src_hbm.at[wid, u], sidx)
        pltpu.sync_copy(dst_hbm.at[wid, u], didx)
        for b in range(NBUF):
            gather_start(b, b)

        def inner(g, _):
            descs = []
            for b in range(NBUF):
                gather_wait(b)
                descs.append(scatter_start(b, g * NBUF + b))
            for b in range(NBUF):
                descs[b].wait()
                gather_start(b, g * NBUF + b + NBUF)
            return 0
        lax.fori_loop(0, SCHUNK // NBUF - 1, inner, 0)
        descs = []
        for b in range(NBUF):
            gather_wait(b)
            descs.append(scatter_start(b, SCHUNK - NBUF + b))
        for d in descs:
            d.wait()
        return 0
    lax.fori_loop(0, NSUPER, super_body, 0)
    plsc.subcore_barrier()

    row0 = s * ROWS_PER_SUB
    pltpu.sync_copy(acc.at[pl.ds(row0, ROWS_PER_SUB)],
                    out_hbm.at[c, pl.ds(row0, ROWS_PER_SUB)])


ROW_BLK = 512
GRID = N_PAD // ROW_BLK


def _dinv_block(degp_ref):
    deg = degp_ref[0, :, 0:1] + degp_ref[1, :, 0:1] + 1.0
    return lax.rsqrt(deg)


def _tc_pre_body(x_ref, w_ref, degp_ref, g_ref):
    h = jnp.dot(x_ref[...], w_ref[...], preferred_element_type=jnp.float32)
    g_ref[...] = h * _dinv_block(degp_ref)


def _tc_mid_body(p_ref, g_ref, degp_ref, w_ref, b_ref, o_ref):
    dinv = _dinv_block(degp_ref)
    s = p_ref[0] + p_ref[1] + g_ref[...]
    h1 = jnp.maximum(s * dinv + b_ref[...], 0.0)
    o_ref[...] = jnp.dot(h1, w_ref[...], preferred_element_type=jnp.float32) * dinv


def _tc_post_body(p_ref, g_ref, degp_ref, b_ref, o_ref):
    dinv = _dinv_block(degp_ref)
    s = p_ref[0] + p_ref[1] + g_ref[...]
    o_ref[...] = s * dinv + b_ref[...]


_ROWS_SPEC = pl.BlockSpec((ROW_BLK, D), lambda i: (i, 0))
_PARTS_SPEC = pl.BlockSpec((NC, ROW_BLK, D), lambda i: (0, i, 0))
_DEGP_SPEC = pl.BlockSpec((NC, ROW_BLK, DEG_W), lambda i: (0, i, 0))
_W_SPEC = pl.BlockSpec((D, D), lambda i: (0, 0))
_B_SPEC = pl.BlockSpec((1, D), lambda i: (0, 0))
_OUT_SHAPE = jax.ShapeDtypeStruct((N_PAD, D), jnp.float32)

_tc_pre = pl.pallas_call(
    _tc_pre_body, grid=(GRID,),
    in_specs=[_ROWS_SPEC, _W_SPEC, _DEGP_SPEC],
    out_specs=_ROWS_SPEC, out_shape=_OUT_SHAPE)

_tc_mid = pl.pallas_call(
    _tc_mid_body, grid=(GRID,),
    in_specs=[_PARTS_SPEC, _ROWS_SPEC, _DEGP_SPEC, _W_SPEC, _B_SPEC],
    out_specs=_ROWS_SPEC, out_shape=_OUT_SHAPE)

_tc_post = pl.pallas_call(
    _tc_post_body, grid=(GRID,),
    in_specs=[_PARTS_SPEC, _ROWS_SPEC, _DEGP_SPEC, _B_SPEC],
    out_specs=_ROWS_SPEC, out_shape=_OUT_SHAPE)


@jax.jit
def kernel(x, edge_index, W1, b1, W2, b2):
    src = edge_index[0].astype(jnp.int32)
    dst = edge_index[1].astype(jnp.int32)
    pad = jnp.full((E_PAD - E,), N, dtype=jnp.int32)
    srcp = jnp.concatenate([src, pad]).reshape(NW, NSUPER, SCHUNK, CHUNK)
    dstp = jnp.concatenate([dst, pad]).reshape(NW, NSUPER, SCHUNK, CHUNK)
    xp = jnp.pad(x, ((0, N_PAD - N), (0, 0)))
    b1r = b1.reshape(1, D)
    b2r = b2.reshape(1, D)

    degp = _sc_degree(dstp)
    g1 = _tc_pre(xp, W1, degp)
    p1 = _sc_segsum(g1, srcp, dstp)
    g2 = _tc_mid(p1, g1, degp, W2, b1r)
    p2 = _sc_segsum(g2, srcp, dstp)
    out = _tc_post(p2, g2, degp, b2r)
    return out[:N]

# --- scband reference (transcript-rebuilt; emitter-appended) ---
"""Pipeline reference for scband-mesh-gnn-1838246002766 (READ-ONLY COPY).

The authoritative reference and input builder live on the scoring server;
editing this copy changes nothing except your own understanding.
"""

import jax, jax.numpy as jnp
import numpy as np

N = 10000
E = 320000
D_IN = 128
D_HID = 128
D_OUT = 128


def setup_inputs(seed: int = 0) -> dict:
    key = jax.random.key(seed)
    k_x, k_ei, k_w1, k_b1, k_w2, k_b2 = jax.random.split(key, 6)
    x = jax.random.normal(k_x, (N, D_IN), dtype=jnp.float32)
    edge_index = jax.random.randint(k_ei, (2, E), 0, N, dtype=jnp.int64)
    # GCNConv parameters (glorot-like scale)
    W1 = jax.random.normal(k_w1, (D_IN, D_HID), dtype=jnp.float32) * (1.0 / np.sqrt(D_IN))
    b1 = jnp.zeros((D_HID,), dtype=jnp.float32)
    W2 = jax.random.normal(k_w2, (D_HID, D_OUT), dtype=jnp.float32) * (1.0 / np.sqrt(D_HID))
    b2 = jnp.zeros((D_OUT,), dtype=jnp.float32)
    return {"x": x, "edge_index": edge_index, "W1": W1, "b1": b1, "W2": W2, "b2": b2}


def _gcn_conv(x, src, dst, W, b, n_nodes):
    # PyG GCNConv: add self-loops, symmetric degree normalization, linear transform,
    # message = norm * x_j, aggregate sum at dst, add bias.
    loop = jnp.arange(n_nodes, dtype=src.dtype)
    src_f = jnp.concatenate([src, loop])
    dst_f = jnp.concatenate([dst, loop])
    h = x @ W
    deg = jnp.zeros((n_nodes,), dtype=x.dtype).at[dst_f].add(1.0)
    dinv = jnp.where(deg > 0, 1.0 / jnp.sqrt(deg), 0.0)
    norm = dinv[src_f] * dinv[dst_f]
    msg = h[src_f] * norm[:, None]
    out = jnp.zeros((n_nodes, W.shape[1]), dtype=x.dtype).at[dst_f].add(msg)
    return out + b


def reference(x, edge_index, W1, b1, W2, b2):
    src = edge_index[0]
    dst = edge_index[1]
    h = _gcn_conv(x, src, dst, W1, b1, N)
    h = jax.nn.relu(h)
    out = _gcn_conv(h, src, dst, W2, b2, N)
    return out

if __name__ == "__main__":
    import jax
    _d = setup_inputs()
    print(jax.jit(kernel)(*tuple(_d.values())))

</pallas_src>

<mosaic_0001>
#map = affine_map<(d0, d1) -> (0, 0, 0, 0)>
#map1 = affine_map<(d0, d1) -> (0, 0, 0)>
module attributes {stable_mosaic.version = 14 : i64} {
  func.func @_sc_degree(%arg0: i32, %arg1: i32, %arg2: memref<32x5x16x128xi32, #tpu.memory_space<hbm>>, %arg3: memref<2x10240x16xf32, #tpu.memory_space<hbm>>, %arg4: memref<16x128xi32, #tpu.memory_space<vmem>>, %arg5: memref<128x16xf32, #tpu.memory_space<vmem>>, %arg6: memref<10240x16xf32, #tpu.memory_space<vmem_shared>>, %arg7: memref<!tpu.dma_semaphore, #tpu.memory_space<semaphore_mem>>) attributes {dimension_semantics = [#tpu.dimension_semantics<core_parallel>, #tpu.dimension_semantics<subcore_parallel>], iteration_bounds = array<i64: 2, 16>, scalar_prefetch = 0 : i64, scratch_operands = 4 : i64, tpu.core_type = #tpu.core_type<sc_vector_subcore>, window_params = [{transform_indices = #map}, {transform_indices = #map1}]} {
    %mul3A = arith.constant 2 : i32
    %mul3A_0 = arith.muli %arg1, %mul3A : i32
    %add3A = arith.addi %mul3A_0, %arg0 : i32
    %scan3A = arith.constant 0 : i32
    %scan3A_1 = arith.constant 0 : i32
    %scan3A_2 = arith.constant 128 : i32
    %scan3A_3 = arith.addi %scan3A_1, %scan3A_2 : i32
    %scan3A_4 = arith.constant 1 : i32
    %scan3A_5 = scf.for %scan3A_44 = %scan3A_1 to %scan3A_3 step %scan3A_4 iter_args(%scan3A_45 = %scan3A) -> (i32)  : i32 {
      %scan3A_46 = arith.constant 0 : i32
      %scan3A_47 = arith.constant 0 : i32
      %broadcast_in_dim3A = arith.constant 0.000000e+00 : f32
      %broadcast_in_dim3A_48 = vector.broadcast %broadcast_in_dim3A : f32 to vector<16xf32>
      %mul3A_49 = arith.constant 16 : i32
      %mul3A_50 = arith.muli %scan3A_47, %mul3A_49 : i32
      %swap3A = arith.index_cast %scan3A_44 : i32 to index
      %swap3A_51 = arith.index_cast %mul3A_50 : i32 to index
      %swap3A_52 = tpu.vector_load %arg5[%swap3A, %swap3A_51] {strides = array<i32>} : memref<128x16xf32, #tpu.memory_space<vmem>>, vector<1x16xf32>,
      %swap3A_53 = vector.shape_cast %swap3A_52 : vector<1x16xf32> to vector<16xf32>
      %swap3A_54 = vector.shape_cast %broadcast_in_dim3A_48 : vector<16xf32> to vector<1x16xf32>
      tpu.vector_store %arg5[%swap3A, %swap3A_51], %swap3A_54 {strides = array<i32>} : memref<128x16xf32, #tpu.memory_space<vmem>>, vector<1x16xf32>,
      %scan3A_55 = arith.constant 0 : i32
      %scan3A_56 = arith.constant 1 : i32
      scf.yield %scan3A_55 : i32
    }
    %scan3A_6 = arith.constant 128 : i32
    %mul3A_7 = arith.constant 640 : i32
    %mul3A_8 = arith.muli %arg1, %mul3A_7 : i32
    %add3A_9 = arith.constant 0 : i32
    %add3A_10 = arith.addi %mul3A_8, %add3A_9 : i32
    "tpu.region"() ({
      %run_scoped3A = tpu.sem_alloc : memref<!tpu.dma_semaphore, #tpu.memory_space<semaphore_mem>>
      %dma_start3A = arith.constant 0 : i32
      %dma_start3A_44 = tpu.memref_slice %arg6[%add3A_10, %dma_start3A] : memref<10240x16xf32, #tpu.memory_space<vmem_shared>> -> memref<128x16xf32, #tpu.memory_space<vmem_shared>>
      %dma_start3A_45 = arith.constant 0 : i32
      %dma_start3A_46 = tpu.memref_slice %arg6[%add3A_10, %dma_start3A_45] : memref<10240x16xf32, #tpu.memory_space<vmem_shared>> -> memref<128x16xf32, #tpu.memory_space<vmem_shared>>
      tpu.enqueue_dma source(%arg5 : memref<128x16xf32, #tpu.memory_space<vmem>>) target(%dma_start3A_46 : memref<128x16xf32, #tpu.memory_space<vmem_shared>>) target_semaphore(%run_scoped3A : memref<!tpu.dma_semaphore, #tpu.memory_space<semaphore_mem>>)
      %dma_wait3A = arith.constant 0 : i32
      %dma_wait3A_47 = tpu.memref_slice %arg6[%add3A_10, %dma_wait3A] : memref<10240x16xf32, #tpu.memory_space<vmem_shared>> -> memref<128x16xf32, #tpu.memory_space<vmem_shared>>
      %dma_wait3A_48 = arith.constant 0 : i32
      %dma_wait3A_49 = tpu.memref_slice %arg6[%add3A_10, %dma_wait3A_48] : memref<10240x16xf32, #tpu.memory_space<vmem_shared>> -> memref<128x16xf32, #tpu.memory_space<vmem_shared>>
      tpu.wait_dma2 semaphore(%run_scoped3A : memref<!tpu.dma_semaphore, #tpu.memory_space<semaphore_mem>>) src(%arg5 : memref<128x16xf32, #tpu.memory_space<vmem>>) dst(%dma_wait3A_49 : memref<128x16xf32, #tpu.memory_space<vmem_shared>>)
      tpu.yield
    }) : () -> ()
    %mul3A_11 = arith.constant 640 : i32
    %mul3A_12 = arith.muli %arg1, %mul3A_11 : i32
    %add3A_13 = arith.constant 128 : i32
    %add3A_14 = arith.addi %mul3A_12, %add3A_13 : i32
    "tpu.region"() ({
      %run_scoped3A = tpu.sem_alloc : memref<!tpu.dma_semaphore, #tpu.memory_space<semaphore_mem>>
      %dma_start3A = arith.constant 0 : i32
      %dma_start3A_44 = tpu.memref_slice %arg6[%add3A_14, %dma_start3A] : memref<10240x16xf32, #tpu.memory_space<vmem_shared>> -> memref<128x16xf32, #tpu.memory_space<vmem_shared>>
      %dma_start3A_45 = arith.constant 0 : i32
      %dma_start3A_46 = tpu.memref_slice %arg6[%add3A_14, %dma_start3A_45] : memref<10240x16xf32, #tpu.memory_space<vmem_shared>> -> memref<128x16xf32, #tpu.memory_space<vmem_shared>>
      tpu.enqueue_dma source(%arg5 : memref<128x16xf32, #tpu.memory_space<vmem>>) target(%dma_start3A_46 : memref<128x16xf32, #tpu.memory_space<vmem_shared>>) target_semaphore(%run_scoped3A : memref<!tpu.dma_semaphore, #tpu.memory_space<semaphore_mem>>)
      %dma_wait3A = arith.constant 0 : i32
      %dma_wait3A_47 = tpu.memref_slice %arg6[%add3A_14, %dma_wait3A] : memref<10240x16xf32, #tpu.memory_space<vmem_shared>> -> memref<128x16xf32, #tpu.memory_space<vmem_shared>>
      %dma_wait3A_48 = arith.constant 0 : i32
      %dma_wait3A_49 = tpu.memref_slice %arg6[%add3A_14, %dma_wait3A_48] : memref<10240x16xf32, #tpu.memory_space<vmem_shared>> -> memref<128x16xf32, #tpu.memory_space<vmem_shared>>
      tpu.wait_dma2 semaphore(%run_scoped3A : memref<!tpu.dma_semaphore, #tpu.memory_space<semaphore_mem>>) src(%arg5 : memref<128x16xf32, #tpu.memory_space<vmem>>) dst(%dma_wait3A_49 : memref<128x16xf32, #tpu.memory_space<vmem_shared>>)
      tpu.yield
    }) : () -> ()
    %mul3A_15 = arith.constant 640 : i32
    %mul3A_16 = arith.muli %arg1, %mul3A_15 : i32
    %add3A_17 = arith.constant 256 : i32
    %add3A_18 = arith.addi %mul3A_16, %add3A_17 : i32
    "tpu.region"() ({
      %run_scoped3A = tpu.sem_alloc : memref<!tpu.dma_semaphore, #tpu.memory_space<semaphore_mem>>
      %dma_start3A = arith.constant 0 : i32
      %dma_start3A_44 = tpu.memref_slice %arg6[%add3A_18, %dma_start3A] : memref<10240x16xf32, #tpu.memory_space<vmem_shared>> -> memref<128x16xf32, #tpu.memory_space<vmem_shared>>
      %dma_start3A_45 = arith.constant 0 : i32
      %dma_start3A_46 = tpu.memref_slice %arg6[%add3A_18, %dma_start3A_45] : memref<10240x16xf32, #tpu.memory_space<vmem_shared>> -> memref<128x16xf32, #tpu.memory_space<vmem_shared>>
      tpu.enqueue_dma source(%arg5 : memref<128x16xf32, #tpu.memory_space<vmem>>) target(%dma_start3A_46 : memref<128x16xf32, #tpu.memory_space<vmem_shared>>) target_semaphore(%run_scoped3A : memref<!tpu.dma_semaphore, #tpu.memory_space<semaphore_mem>>)
      %dma_wait3A = arith.constant 0 : i32
      %dma_wait3A_47 = tpu.memref_slice %arg6[%add3A_18, %dma_wait3A] : memref<10240x16xf32, #tpu.memory_space<vmem_shared>> -> memref<128x16xf32, #tpu.memory_space<vmem_shared>>
      %dma_wait3A_48 = arith.constant 0 : i32
      %dma_wait3A_49 = tpu.memref_slice %arg6[%add3A_18, %dma_wait3A_48] : memref<10240x16xf32, #tpu.memory_space<vmem_shared>> -> memref<128x16xf32, #tpu.memory_space<vmem_shared>>
      tpu.wait_dma2 semaphore(%run_scoped3A : memref<!tpu.dma_semaphore, #tpu.memory_space<semaphore_mem>>) src(%arg5 : memref<128x16xf32, #tpu.memory_space<vmem>>) dst(%dma_wait3A_49 : memref<128x16xf32, #tpu.memory_space<vmem_shared>>)
      tpu.yield
    }) : () -> ()
    %mul3A_19 = arith.constant 640 : i32
    %mul3A_20 = arith.muli %arg1, %mul3A_19 : i32
    %add3A_21 = arith.constant 384 : i32
    %add3A_22 = arith.addi %mul3A_20, %add3A_21 : i32
    "tpu.region"() ({
      %run_scoped3A = tpu.sem_alloc : memref<!tpu.dma_semaphore, #tpu.memory_space<semaphore_mem>>
      %dma_start3A = arith.constant 0 : i32
      %dma_start3A_44 = tpu.memref_slice %arg6[%add3A_22, %dma_start3A] : memref<10240x16xf32, #tpu.memory_space<vmem_shared>> -> memref<128x16xf32, #tpu.memory_space<vmem_shared>>
      %dma_start3A_45 = arith.constant 0 : i32
      %dma_start3A_46 = tpu.memref_slice %arg6[%add3A_22, %dma_start3A_45] : memref<10240x16xf32, #tpu.memory_space<vmem_shared>> -> memref<128x16xf32, #tpu.memory_space<vmem_shared>>
      tpu.enqueue_dma source(%arg5 : memref<128x16xf32, #tpu.memory_space<vmem>>) target(%dma_start3A_46 : memref<128x16xf32, #tpu.memory_space<vmem_shared>>) target_semaphore(%run_scoped3A : memref<!tpu.dma_semaphore, #tpu.memory_space<semaphore_mem>>)
      %dma_wait3A = arith.constant 0 : i32
      %dma_wait3A_47 = tpu.memref_slice %arg6[%add3A_22, %dma_wait3A] : memref<10240x16xf32, #tpu.memory_space<vmem_shared>> -> memref<128x16xf32, #tpu.memory_space<vmem_shared>>
      %dma_wait3A_48 = arith.constant 0 : i32
      %dma_wait3A_49 = tpu.memref_slice %arg6[%add3A_22, %dma_wait3A_48] : memref<10240x16xf32, #tpu.memory_space<vmem_shared>> -> memref<128x16xf32, #tpu.memory_space<vmem_shared>>
      tpu.wait_dma2 semaphore(%run_scoped3A : memref<!tpu.dma_semaphore, #tpu.memory_space<semaphore_mem>>) src(%arg5 : memref<128x16xf32, #tpu.memory_space<vmem>>) dst(%dma_wait3A_49 : memref<128x16xf32, #tpu.memory_space<vmem_shared>>)
      tpu.yield
    }) : () -> ()
    %mul3A_23 = arith.constant 640 : i32
    %mul3A_24 = arith.muli %arg1, %mul3A_23 : i32
    %add3A_25 = arith.constant 512 : i32
    %add3A_26 = arith.addi %mul3A_24, %add3A_25 : i32
    "tpu.region"() ({
      %run_scoped3A = tpu.sem_alloc : memref<!tpu.dma_semaphore, #tpu.memory_space<semaphore_mem>>
      %dma_start3A = arith.constant 0 : i32
      %dma_start3A_44 = tpu.memref_slice %arg6[%add3A_26, %dma_start3A] : memref<10240x16xf32, #tpu.memory_space<vmem_shared>> -> memref<128x16xf32, #tpu.memory_space<vmem_shared>>
      %dma_start3A_45 = arith.constant 0 : i32
      %dma_start3A_46 = tpu.memref_slice %arg6[%add3A_26, %dma_start3A_45] : memref<10240x16xf32, #tpu.memory_space<vmem_shared>> -> memref<128x16xf32, #tpu.memory_space<vmem_shared>>
      tpu.enqueue_dma source(%arg5 : memref<128x16xf32, #tpu.memory_space<vmem>>) target(%dma_start3A_46 : memref<128x16xf32, #tpu.memory_space<vmem_shared>>) target_semaphore(%run_scoped3A : memref<!tpu.dma_semaphore, #tpu.memory_space<semaphore_mem>>)
      %dma_wait3A = arith.constant 0 : i32
      %dma_wait3A_47 = tpu.memref_slice %arg6[%add3A_26, %dma_wait3A] : memref<10240x16xf32, #tpu.memory_space<vmem_shared>> -> memref<128x16xf32, #tpu.memory_space<vmem_shared>>
      %dma_wait3A_48 = arith.constant 0 : i32
      %dma_wait3A_49 = tpu.memref_slice %arg6[%add3A_26, %dma_wait3A_48] : memref<10240x16xf32, #tpu.memory_space<vmem_shared>> -> memref<128x16xf32, #tpu.memory_space<vmem_shared>>
      tpu.wait_dma2 semaphore(%run_scoped3A : memref<!tpu.dma_semaphore, #tpu.memory_space<semaphore_mem>>) src(%arg5 : memref<128x16xf32, #tpu.memory_space<vmem>>) dst(%dma_wait3A_49 : memref<128x16xf32, #tpu.memory_space<vmem_shared>>)
      tpu.yield
    }) : () -> ()
    %scan3A_27 = arith.constant 0 : i32
    %scan3A_28 = arith.constant 0 : i32
    %scan3A_29 = arith.constant 128 : i32
    %scan3A_30 = arith.addi %scan3A_28, %scan3A_29 : i32
    %scan3A_31 = arith.constant 1 : i32
    %scan3A_32 = scf.for %scan3A_44 = %scan3A_28 to %scan3A_30 step %scan3A_31 iter_args(%scan3A_45 = %scan3A_27) -> (i32)  : i32 {
      %broadcast_in_dim3A = arith.constant 1.000000e+00 : f32
      %broadcast_in_dim3A_46 = vector.broadcast %broadcast_in_dim3A : f32 to vector<16xf32>
      %swap3A = arith.index_cast %scan3A_44 : i32 to index
      %swap3A_47 = arith.constant 0 : index
      %swap3A_48 = tpu.vector_load %arg5[%swap3A, %swap3A_47] {strides = array<i32>} : memref<128x16xf32, #tpu.memory_space<vmem>>, vector<1x16xf32>,
      %swap3A_49 = vector.shape_cast %swap3A_48 : vector<1x16xf32> to vector<16xf32>
      %swap3A_50 = vector.shape_cast %broadcast_in_dim3A_46 : vector<16xf32> to vector<1x16xf32>
      tpu.vector_store %arg5[%swap3A, %swap3A_47], %swap3A_50 {strides = array<i32>} : memref<128x16xf32, #tpu.memory_space<vmem>>, vector<1x16xf32>,
      %scan3A_51 = arith.constant 0 : i32
      scf.yield %scan3A_51 : i32
    }
    %scan3A_33 = arith.constant 128 : i32
    %barrier3A = arith.constant 0 : index
    tpu.barrier barrier_id(%barrier3A)
    %scan3A_34 = arith.constant 0 : i32
    %scan3A_35 = arith.constant 0 : i32
    %scan3A_36 = arith.constant 5 : i32
    %scan3A_37 = arith.addi %scan3A_35, %scan3A_36 : i32
    %scan3A_38 = arith.constant 1 : i32
    %scan3A_39 = scf.for %scan3A_44 = %scan3A_35 to %scan3A_37 step %scan3A_38 iter_args(%scan3A_45 = %scan3A_34) -> (i32)  : i32 {
      "tpu.region"() ({
        %run_scoped3A = tpu.sem_alloc : memref<!tpu.dma_semaphore, #tpu.memory_space<semaphore_mem>>
        %dma_start3A = arith.constant 0 : i32
        %dma_start3A_54 = arith.constant 0 : i32
        %dma_start3A_55 = tpu.memref_slice %arg2[%add3A, %scan3A_44, %dma_start3A, %dma_start3A_54] : memref<32x5x16x128xi32, #tpu.memory_space<hbm>> -> memref<1x1x16x128xi32, #tpu.memory_space<hbm>>
        %dma_start3A_56 = tpu.memref_squeeze %dma_start3A_55 : memref<1x1x16x128xi32, #tpu.memory_space<hbm>> -> memref<16x128xi32, #tpu.memory_space<hbm>>
        %dma_start3A_57 = arith.constant 0 : i32
        %dma_start3A_58 = arith.constant 0 : i32
        %dma_start3A_59 = tpu.memref_slice %arg2[%add3A, %scan3A_44, %dma_start3A_57, %dma_start3A_58] : memref<32x5x16x128xi32, #tpu.memory_space<hbm>> -> memref<1x1x16x128xi32, #tpu.memory_space<hbm>>
        %dma_start3A_60 = tpu.memref_squeeze %dma_start3A_59 : memref<1x1x16x128xi32, #tpu.memory_space<hbm>> -> memref<16x128xi32, #tpu.memory_space<hbm>>
        tpu.enqueue_dma source(%dma_start3A_60 : memref<16x128xi32, #tpu.memory_space<hbm>>) target(%arg4 : memref<16x128xi32, #tpu.memory_space<vmem>>) target_semaphore(%run_scoped3A : memref<!tpu.dma_semaphore, #tpu.memory_space<semaphore_mem>>)
        %dma_wait3A = arith.constant 0 : i32
        %dma_wait3A_61 = arith.constant 0 : i32
        %dma_wait3A_62 = tpu.memref_slice %arg2[%add3A, %scan3A_44, %dma_wait3A, %dma_wait3A_61] : memref<32x5x16x128xi32, #tpu.memory_space<hbm>> -> memref<1x1x16x128xi32, #tpu.memory_space<hbm>>
        %dma_wait3A_63 = tpu.memref_squeeze %dma_wait3A_62 : memref<1x1x16x128xi32, #tpu.memory_space<hbm>> -> memref<16x128xi32, #tpu.memory_space<hbm>>
        %dma_wait3A_64 = arith.constant 0 : i32
        %dma_wait3A_65 = arith.constant 0 : i32
        %dma_wait3A_66 = tpu.memref_slice %arg2[%add3A, %scan3A_44, %dma_wait3A_64, %dma_wait3A_65] : memref<32x5x16x128xi32, #tpu.memory_space<hbm>> -> memref<1x1x16x128xi32, #tpu.memory_space<hbm>>
        %dma_wait3A_67 = tpu.memref_squeeze %dma_wait3A_66 : memref<1x1x16x128xi32, #tpu.memory_space<hbm>> -> memref<16x128xi32, #tpu.memory_space<hbm>>
        tpu.wait_dma2 semaphore(%run_scoped3A : memref<!tpu.dma_semaphore, #tpu.memory_space<semaphore_mem>>) src(%dma_wait3A_67 : memref<16x128xi32, #tpu.memory_space<hbm>>) dst(%arg4 : memref<16x128xi32, #tpu.memory_space<vmem>>)
        tpu.yield
      }) : () -> ()
      %scan3A_46 = arith.constant 0 : i32
      %scan3A_47 = arith.constant 0 : i32
      %scan3A_48 = arith.constant 16 : i32
      %scan3A_49 = arith.addi %scan3A_47, %scan3A_48 : i32
      %scan3A_50 = arith.constant 1 : i32
      %scan3A_51 = scf.for %scan3A_54 = %scan3A_47 to %scan3A_49 step %scan3A_50 iter_args(%scan3A_55 = %scan3A_46) -> (i32)  : i32 {
        "tpu.region"() ({
          %run_scoped3A = tpu.sem_alloc : memref<!tpu.dma_semaphore, #tpu.memory_space<semaphore_mem>>
          %dma_start3A = arith.constant 0 : i32
          %dma_start3A_57 = tpu.memref_slice %arg4[%scan3A_54, %dma_start3A] : memref<16x128xi32, #tpu.memory_space<vmem>> -> memref<1x128xi32, #tpu.memory_space<vmem>>
          %dma_start3A_58 = tpu.memref_squeeze %dma_start3A_57 : memref<1x128xi32, #tpu.memory_space<vmem>> -> memref<128xi32, #tpu.memory_space<vmem>>
          %dma_start3A_59 = arith.constant 0 : i32
          %dma_start3A_60 = arith.constant 0 : i32
          %dma_start3A_61 = tpu.memref_slice %arg6[%dma_start3A_59, %dma_start3A_60] : memref<10240x16xf32, #tpu.memory_space<vmem_shared>> -> memref<10240x16xf32, #tpu.memory_space<vmem_shared>>
          tpu.enqueue_indirect_dma source(%arg5 : memref<128x16xf32, #tpu.memory_space<vmem>>) target(%dma_start3A_61 : memref<10240x16xf32, #tpu.memory_space<vmem_shared>>) offsets(%dma_start3A_58 : memref<128xi32, #tpu.memory_space<vmem>>) semaphore(%run_scoped3A : memref<!tpu.dma_semaphore, #tpu.memory_space<semaphore_mem>>) {add = true}
          %dma_wait3A = arith.constant 0 : i32
          %dma_wait3A_62 = tpu.memref_slice %arg4[%scan3A_54, %dma_wait3A] : memref<16x128xi32, #tpu.memory_space<vmem>> -> memref<1x128xi32, #tpu.memory_space<vmem>>
          %dma_wait3A_63 = tpu.memref_squeeze %dma_wait3A_62 : memref<1x128xi32, #tpu.memory_space<vmem>> -> memref<128xi32, #tpu.memory_space<vmem>>
          %dma_wait3A_64 = arith.constant 0 : i32
          %dma_wait3A_65 = arith.constant 0 : i32
          %dma_wait3A_66 = tpu.memref_slice %arg6[%dma_wait3A_64, %dma_wait3A_65] : memref<10240x16xf32, #tpu.memory_space<vmem_shared>> -> memref<10240x16xf32, #tpu.memory_space<vmem_shared>>
          tpu.wait_indirect_dma semaphore(%run_scoped3A : memref<!tpu.dma_semaphore, #tpu.memory_space<semaphore_mem>>) src(%arg5 : memref<128x16xf32, #tpu.memory_space<vmem>>) dst(%dma_wait3A_66 : memref<10240x16xf32, #tpu.memory_space<vmem_shared>>)
          tpu.yield
        }) : () -> ()
        %scan3A_56 = arith.constant 0 : i32
        scf.yield %scan3A_56 : i32
      }
      %scan3A_52 = arith.constant 16 : i32
      %scan3A_53 = arith.constant 0 : i32
      scf.yield %scan3A_53 : i32
    }
    %scan3A_40 = arith.constant 5 : i32
    %barrier3A_41 = arith.constant 0 : index
    tpu.barrier barrier_id(%barrier3A_41)
    %mul3A_42 = arith.constant 640 : i32
    %mul3A_43 = arith.muli %arg1, %mul3A_42 : i32
    "tpu.region"() ({
      %run_scoped3A = tpu.sem_alloc : memref<!tpu.dma_semaphore, #tpu.memory_space<semaphore_mem>>
      %dma_start3A = arith.constant 0 : i32
      %dma_start3A_44 = tpu.memref_slice %arg3[%arg0, %mul3A_43, %dma_start3A] : memref<2x10240x16xf32, #tpu.memory_space<hbm>> -> memref<1x640x16xf32, #tpu.memory_space<hbm>>
      %dma_start3A_45 = tpu.memref_squeeze %dma_start3A_44 : memref<1x640x16xf32, #tpu.memory_space<hbm>> -> memref<640x16xf32, #tpu.memory_space<hbm>>
      %dma_start3A_46 = arith.constant 0 : i32
      %dma_start3A_47 = tpu.memref_slice %arg6[%mul3A_43, %dma_start3A_46] : memref<10240x16xf32, #tpu.memory_space<vmem_shared>> -> memref<640x16xf32, #tpu.memory_space<vmem_shared>>
      tpu.enqueue_dma source(%dma_start3A_47 : memref<640x16xf32, #tpu.memory_space<vmem_shared>>) target(%dma_start3A_45 : memref<640x16xf32, #tpu.memory_space<hbm>>) target_semaphore(%run_scoped3A : memref<!tpu.dma_semaphore, #tpu.memory_space<semaphore_mem>>)
      %dma_wait3A = arith.constant 0 : i32
      %dma_wait3A_48 = tpu.memref_slice %arg3[%arg0, %mul3A_43, %dma_wait3A] : memref<2x10240x16xf32, #tpu.memory_space<hbm>> -> memref<1x640x16xf32, #tpu.memory_space<hbm>>
      %dma_wait3A_49 = tpu.memref_squeeze %dma_wait3A_48 : memref<1x640x16xf32, #tpu.memory_space<hbm>> -> memref<640x16xf32, #tpu.memory_space<hbm>>
      %dma_wait3A_50 = arith.constant 0 : i32
      %dma_wait3A_51 = tpu.memref_slice %arg6[%mul3A_43, %dma_wait3A_50] : memref<10240x16xf32, #tpu.memory_space<vmem_shared>> -> memref<640x16xf32, #tpu.memory_space<vmem_shared>>
      tpu.wait_dma2 semaphore(%run_scoped3A : memref<!tpu.dma_semaphore, #tpu.memory_space<semaphore_mem>>) src(%dma_wait3A_51 : memref<640x16xf32, #tpu.memory_space<vmem_shared>>) dst(%dma_wait3A_49 : memref<640x16xf32, #tpu.memory_space<hbm>>)
      tpu.yield
    }) : () -> ()
    return
  }
}

#map = affine_map<(d0, d1) -> (0, 0)>
#map1 = affine_map<(d0, d1) -> (0, 0, 0, 0)>
#map2 = affine_map<(d0, d1) -> (0, 0, 0)>
module attributes {stable_mosaic.version = 14 : i64} {
  func.func @_sc_segsum(%arg0: i32, %arg1: i32, %arg2: memref<10240x128xf32, #tpu.memory_space<hbm>>, %arg3: memref<32x5x16x128xi32, #tpu.memory_space<hbm>>, %arg4: memref<32x5x16x128xi32, #tpu.memory_space<hbm>>, %arg5: memref<2x10240x128xf32, #tpu.memory_space<hbm>>, %arg6: memref<16x128xi32, #tpu.memory_space<vmem>>, %arg7: memref<16x128xi32, #tpu.memory_space<vmem>>, %arg8: memref<128x128xf32, #tpu.memory_space<vmem>>, %arg9: memref<128x128xf32, #tpu.memory_space<vmem>>, %arg10: memref<10240x128xf32, #tpu.memory_space<vmem_shared>>, %arg11: memref<!tpu.dma_semaphore, #tpu.memory_space<semaphore_mem>>, %arg12: memref<!tpu.dma_semaphore, #tpu.memory_space<semaphore_mem>>, %arg13: memref<!tpu.dma_semaphore, #tpu.memory_space<semaphore_mem>>, %arg14: memref<!tpu.dma_semaphore, #tpu.memory_space<semaphore_mem>>) attributes {dimension_semantics = [#tpu.dimension_semantics<core_parallel>, #tpu.dimension_semantics<subcore_parallel>], iteration_bounds = array<i64: 2, 16>, scalar_prefetch = 0 : i64, scratch_operands = 9 : i64, tpu.core_type = #tpu.core_type<sc_vector_subcore>, window_params = [{transform_indices = #map}, {transform_indices = #map1}, {transform_indices = #map1}, {transform_indices = #map2}]} {
    %mul3A = arith.constant 2 : i32
    %mul3A_0 = arith.muli %arg1, %mul3A : i32
    %add3A = arith.addi %mul3A_0, %arg0 : i32
    %scan3A = arith.constant 0 : i32
    %scan3A_1 = arith.constant 0 : i32
    %scan3A_2 = arith.constant 128 : i32
    %scan3A_3 = arith.addi %scan3A_1, %scan3A_2 : i32
    %scan3A_4 = arith.constant 1 : i32
    %scan3A_5 = scf.for %scan3A_37 = %scan3A_1 to %scan3A_3 step %scan3A_4 iter_args(%scan3A_38 = %scan3A) -> (i32)  : i32 {
      %scan3A_39 = arith.constant 0 : i32
      %scan3A_40 = arith.constant 0 : i32
      %scan3A_41 = arith.constant 8 : i32
      %scan3A_42 = arith.addi %scan3A_40, %scan3A_41 : i32
      %scan3A_43 = arith.constant 1 : i32
      %scan3A_44 = scf.for %scan3A_46 = %scan3A_40 to %scan3A_42 step %scan3A_43 iter_args(%scan3A_47 = %scan3A_39) -> (i32)  : i32 {
        %broadcast_in_dim3A = arith.constant 0.000000e+00 : f32
        %broadcast_in_dim3A_48 = vector.broadcast %broadcast_in_dim3A : f32 to vector<16xf32>
        %mul3A_49 = arith.constant 16 : i32
        %mul3A_50 = arith.muli %scan3A_46, %mul3A_49 : i32
        %swap3A = arith.index_cast %scan3A_37 : i32 to index
        %swap3A_51 = arith.index_cast %mul3A_50 : i32 to index
        %swap3A_52 = tpu.vector_load %arg8[%swap3A, %swap3A_51] {strides = array<i32>} : memref<128x128xf32, #tpu.memory_space<vmem>>, vector<1x16xf32>,
        %swap3A_53 = vector.shape_cast %swap3A_52 : vector<1x16xf32> to vector<16xf32>
        %swap3A_54 = vector.shape_cast %broadcast_in_dim3A_48 : vector<16xf32> to vector<1x16xf32>
        tpu.vector_store %arg8[%swap3A, %swap3A_51], %swap3A_54 {strides = array<i32>} : memref<128x128xf32, #tpu.memory_space<vmem>>, vector<1x16xf32>,
        %scan3A_55 = arith.constant 0 : i32
        scf.yield %scan3A_55 : i32
      }
      %scan3A_45 = arith.constant 8 : i32
      scf.yield %scan3A_44 : i32
    }
    %scan3A_6 = arith.constant 128 : i32
    %mul3A_7 = arith.constant 640 : i32
    %mul3A_8 = arith.muli %arg1, %mul3A_7 : i32
    %add3A_9 = arith.constant 0 : i32
    %add3A_10 = arith.addi %mul3A_8, %add3A_9 : i32
    "tpu.region"() ({
      %run_scoped3A = tpu.sem_alloc : memref<!tpu.dma_semaphore, #tpu.memory_space<semaphore_mem>>
      %dma_start3A = arith.constant 0 : i32
      %dma_start3A_37 = tpu.memref_slice %arg10[%add3A_10, %dma_start3A] : memref<10240x128xf32, #tpu.memory_space<vmem_shared>> -> memref<128x128xf32, #tpu.memory_space<vmem_shared>>
      %dma_start3A_38 = arith.constant 0 : i32
      %dma_start3A_39 = tpu.memref_slice %arg10[%add3A_10, %dma_start3A_38] : memref<10240x128xf32, #tpu.memory_space<vmem_shared>> -> memref<128x128xf32, #tpu.memory_space<vmem_shared>>
      tpu.enqueue_dma source(%arg8 : memref<128x128xf32, #tpu.memory_space<vmem>>) target(%dma_start3A_39 : memref<128x128xf32, #tpu.memory_space<vmem_shared>>) target_semaphore(%run_scoped3A : memref<!tpu.dma_semaphore, #tpu.memory_space<semaphore_mem>>)
      %dma_wait3A = arith.constant 0 : i32
      %dma_wait3A_40 = tpu.memref_slice %arg10[%add3A_10, %dma_wait3A] : memref<10240x128xf32, #tpu.memory_space<vmem_shared>> -> memref<128x128xf32, #tpu.memory_space<vmem_shared>>
      %dma_wait3A_41 = arith.constant 0 : i32
      %dma_wait3A_42 = tpu.memref_slice %arg10[%add3A_10, %dma_wait3A_41] : memref<10240x128xf32, #tpu.memory_space<vmem_shared>> -> memref<128x128xf32, #tpu.memory_space<vmem_shared>>
      tpu.wait_dma2 semaphore(%run_scoped3A : memref<!tpu.dma_semaphore, #tpu.memory_space<semaphore_mem>>) src(%arg8 : memref<128x128xf32, #tpu.memory_space<vmem>>) dst(%dma_wait3A_42 : memref<128x128xf32, #tpu.memory_space<vmem_shared>>)
      tpu.yield
    }) : () -> ()
    %mul3A_11 = arith.constant 640 : i32
    %mul3A_12 = arith.muli %arg1, %mul3A_11 : i32
    %add3A_13 = arith.constant 128 : i32
    %add3A_14 = arith.addi %mul3A_12, %add3A_13 : i32
    "tpu.region"() ({
      %run_scoped3A = tpu.sem_alloc : memref<!tpu.dma_semaphore, #tpu.memory_space<semaphore_mem>>
      %dma_start3A = arith.constant 0 : i32
      %dma_start3A_37 = tpu.memref_slice %arg10[%add3A_14, %dma_start3A] : memref<10240x128xf32, #tpu.memory_space<vmem_shared>> -> memref<128x128xf32, #tpu.memory_space<vmem_shared>>
      %dma_start3A_38 = arith.constant 0 : i32
      %dma_start3A_39 = tpu.memref_slice %arg10[%add3A_14, %dma_start3A_38] : memref<10240x128xf32, #tpu.memory_space<vmem_shared>> -> memref<128x128xf32, #tpu.memory_space<vmem_shared>>
      tpu.enqueue_dma source(%arg8 : memref<128x128xf32, #tpu.memory_space<vmem>>) target(%dma_start3A_39 : memref<128x128xf32, #tpu.memory_space<vmem_shared>>) target_semaphore(%run_scoped3A : memref<!tpu.dma_semaphore, #tpu.memory_space<semaphore_mem>>)
      %dma_wait3A = arith.constant 0 : i32
      %dma_wait3A_40 = tpu.memref_slice %arg10[%add3A_14, %dma_wait3A] : memref<10240x128xf32, #tpu.memory_space<vmem_shared>> -> memref<128x128xf32, #tpu.memory_space<vmem_shared>>
      %dma_wait3A_41 = arith.constant 0 : i32
      %dma_wait3A_42 = tpu.memref_slice %arg10[%add3A_14, %dma_wait3A_41] : memref<10240x128xf32, #tpu.memory_space<vmem_shared>> -> memref<128x128xf32, #tpu.memory_space<vmem_shared>>
      tpu.wait_dma2 semaphore(%run_scoped3A : memref<!tpu.dma_semaphore, #tpu.memory_space<semaphore_mem>>) src(%arg8 : memref<128x128xf32, #tpu.memory_space<vmem>>) dst(%dma_wait3A_42 : memref<128x128xf32, #tpu.memory_space<vmem_shared>>)
      tpu.yield
    }) : () -> ()
    %mul3A_15 = arith.constant 640 : i32
    %mul3A_16 = arith.muli %arg1, %mul3A_15 : i32
    %add3A_17 = arith.constant 256 : i32
    %add3A_18 = arith.addi %mul3A_16, %add3A_17 : i32
    "tpu.region"() ({
      %run_scoped3A = tpu.sem_alloc : memref<!tpu.dma_semaphore, #tpu.memory_space<semaphore_mem>>
      %dma_start3A = arith.constant 0 : i32
      %dma_start3A_37 = tpu.memref_slice %arg10[%add3A_18, %dma_start3A] : memref<10240x128xf32, #tpu.memory_space<vmem_shared>> -> memref<128x128xf32, #tpu.memory_space<vmem_shared>>
      %dma_start3A_38 = arith.constant 0 : i32
      %dma_start3A_39 = tpu.memref_slice %arg10[%add3A_18, %dma_start3A_38] : memref<10240x128xf32, #tpu.memory_space<vmem_shared>> -> memref<128x128xf32, #tpu.memory_space<vmem_shared>>
      tpu.enqueue_dma source(%arg8 : memref<128x128xf32, #tpu.memory_space<vmem>>) target(%dma_start3A_39 : memref<128x128xf32, #tpu.memory_space<vmem_shared>>) target_semaphore(%run_scoped3A : memref<!tpu.dma_semaphore, #tpu.memory_space<semaphore_mem>>)
      %dma_wait3A = arith.constant 0 : i32
      %dma_wait3A_40 = tpu.memref_slice %arg10[%add3A_18, %dma_wait3A] : memref<10240x128xf32, #tpu.memory_space<vmem_shared>> -> memref<128x128xf32, #tpu.memory_space<vmem_shared>>
      %dma_wait3A_41 = arith.constant 0 : i32
      %dma_wait3A_42 = tpu.memref_slice %arg10[%add3A_18, %dma_wait3A_41] : memref<10240x128xf32, #tpu.memory_space<vmem_shared>> -> memref<128x128xf32, #tpu.memory_space<vmem_shared>>
      tpu.wait_dma2 semaphore(%run_scoped3A : memref<!tpu.dma_semaphore, #tpu.memory_space<semaphore_mem>>) src(%arg8 : memref<128x128xf32, #tpu.memory_space<vmem>>) dst(%dma_wait3A_42 : memref<128x128xf32, #tpu.memory_space<vmem_shared>>)
      tpu.yield
    }) : () -> ()
    %mul3A_19 = arith.constant 640 : i32
    %mul3A_20 = arith.muli %arg1, %mul3A_19 : i32
    %add3A_21 = arith.constant 384 : i32
    %add3A_22 = arith.addi %mul3A_20, %add3A_21 : i32
    "tpu.region"() ({
      %run_scoped3A = tpu.sem_alloc : memref<!tpu.dma_semaphore, #tpu.memory_space<semaphore_mem>>
      %dma_start3A = arith.constant 0 : i32
      %dma_start3A_37 = tpu.memref_slice %arg10[%add3A_22, %dma_start3A] : memref<10240x128xf32, #tpu.memory_space<vmem_shared>> -> memref<128x128xf32, #tpu.memory_space<vmem_shared>>
      %dma_start3A_38 = arith.constant 0 : i32
      %dma_start3A_39 = tpu.memref_slice %arg10[%add3A_22, %dma_start3A_38] : memref<10240x128xf32, #tpu.memory_space<vmem_shared>> -> memref<128x128xf32, #tpu.memory_space<vmem_shared>>
      tpu.enqueue_dma source(%arg8 : memref<128x128xf32, #tpu.memory_space<vmem>>) target(%dma_start3A_39 : memref<128x128xf32, #tpu.memory_space<vmem_shared>>) target_semaphore(%run_scoped3A : memref<!tpu.dma_semaphore, #tpu.memory_space<semaphore_mem>>)
      %dma_wait3A = arith.constant 0 : i32
      %dma_wait3A_40 = tpu.memref_slice %arg10[%add3A_22, %dma_wait3A] : memref<10240x128xf32, #tpu.memory_space<vmem_shared>> -> memref<128x128xf32, #tpu.memory_space<vmem_shared>>
      %dma_wait3A_41 = arith.constant 0 : i32
      %dma_wait3A_42 = tpu.memref_slice %arg10[%add3A_22, %dma_wait3A_41] : memref<10240x128xf32, #tpu.memory_space<vmem_shared>> -> memref<128x128xf32, #tpu.memory_space<vmem_shared>>
      tpu.wait_dma2 semaphore(%run_scoped3A : memref<!tpu.dma_semaphore, #tpu.memory_space<semaphore_mem>>) src(%arg8 : memref<128x128xf32, #tpu.memory_space<vmem>>) dst(%dma_wait3A_42 : memref<128x128xf32, #tpu.memory_space<vmem_shared>>)
      tpu.yield
    }) : () -> ()
    %mul3A_23 = arith.constant 640 : i32
    %mul3A_24 = arith.muli %arg1, %mul3A_23 : i32
    %add3A_25 = arith.constant 512 : i32
    %add3A_26 = arith.addi %mul3A_24, %add3A_25 : i32
    "tpu.region"() ({
      %run_scoped3A = tpu.sem_alloc : memref<!tpu.dma_semaphore, #tpu.memory_space<semaphore_mem>>
      %dma_start3A = arith.constant 0 : i32
      %dma_start3A_37 = tpu.memref_slice %arg10[%add3A_26, %dma_start3A] : memref<10240x128xf32, #tpu.memory_space<vmem_shared>> -> memref<128x128xf32, #tpu.memory_space<vmem_shared>>
      %dma_start3A_38 = arith.constant 0 : i32
      %dma_start3A_39 = tpu.memref_slice %arg10[%add3A_26, %dma_start3A_38] : memref<10240x128xf32, #tpu.memory_space<vmem_shared>> -> memref<128x128xf32, #tpu.memory_space<vmem_shared>>
      tpu.enqueue_dma source(%arg8 : memref<128x128xf32, #tpu.memory_space<vmem>>) target(%dma_start3A_39 : memref<128x128xf32, #tpu.memory_space<vmem_shared>>) target_semaphore(%run_scoped3A : memref<!tpu.dma_semaphore, #tpu.memory_space<semaphore_mem>>)
      %dma_wait3A = arith.constant 0 : i32
      %dma_wait3A_40 = tpu.memref_slice %arg10[%add3A_26, %dma_wait3A] : memref<10240x128xf32, #tpu.memory_space<vmem_shared>> -> memref<128x128xf32, #tpu.memory_space<vmem_shared>>
      %dma_wait3A_41 = arith.constant 0 : i32
      %dma_wait3A_42 = tpu.memref_slice %arg10[%add3A_26, %dma_wait3A_41] : memref<10240x128xf32, #tpu.memory_space<vmem_shared>> -> memref<128x128xf32, #tpu.memory_space<vmem_shared>>
      tpu.wait_dma2 semaphore(%run_scoped3A : memref<!tpu.dma_semaphore, #tpu.memory_space<semaphore_mem>>) src(%arg8 : memref<128x128xf32, #tpu.memory_space<vmem>>) dst(%dma_wait3A_42 : memref<128x128xf32, #tpu.memory_space<vmem_shared>>)
      tpu.yield
    }) : () -> ()
    %barrier3A = arith.constant 0 : index
    tpu.barrier barrier_id(%barrier3A)
    %scan3A_27 = arith.constant 0 : i32
    %scan3A_28 = arith.constant 0 : i32
    %scan3A_29 = arith.constant 5 : i32
    %scan3A_30 = arith.addi %scan3A_28, %scan3A_29 : i32
    %scan3A_31 = arith.constant 1 : i32
    %scan3A_32 = scf.for %scan3A_37 = %scan3A_28 to %scan3A_30 step %scan3A_31 iter_args(%scan3A_38 = %scan3A_27) -> (i32)  : i32 {
      "tpu.region"() ({
        %run_scoped3A = tpu.sem_alloc : memref<!tpu.dma_semaphore, #tpu.memory_space<semaphore_mem>>
        %dma_start3A_101 = arith.constant 0 : i32
        %dma_start3A_102 = arith.constant 0 : i32
        %dma_start3A_103 = tpu.memref_slice %arg3[%add3A, %scan3A_37, %dma_start3A_101, %dma_start3A_102] : memref<32x5x16x128xi32, #tpu.memory_space<hbm>> -> memref<1x1x16x128xi32, #tpu.memory_space<hbm>>
        %dma_start3A_104 = tpu.memref_squeeze %dma_start3A_103 : memref<1x1x16x128xi32, #tpu.memory_space<hbm>> -> memref<16x128xi32, #tpu.memory_space<hbm>>
        %dma_start3A_105 = arith.constant 0 : i32
        %dma_start3A_106 = arith.constant 0 : i32
        %dma_start3A_107 = tpu.memref_slice %arg3[%add3A, %scan3A_37, %dma_start3A_105, %dma_start3A_106] : memref<32x5x16x128xi32, #tpu.memory_space<hbm>> -> memref<1x1x16x128xi32, #tpu.memory_space<hbm>>
        %dma_start3A_108 = tpu.memref_squeeze %dma_start3A_107 : memref<1x1x16x128xi32, #tpu.memory_space<hbm>> -> memref<16x128xi32, #tpu.memory_space<hbm>>
        tpu.enqueue_dma source(%dma_start3A_108 : memref<16x128xi32, #tpu.memory_space<hbm>>) target(%arg6 : memref<16x128xi32, #tpu.memory_space<vmem>>) target_semaphore(%run_scoped3A : memref<!tpu.dma_semaphore, #tpu.memory_space<semaphore_mem>>)
        %dma_wait3A_109 = arith.constant 0 : i32
        %dma_wait3A_110 = arith.constant 0 : i32
        %dma_wait3A_111 = tpu.memref_slice %arg3[%add3A, %scan3A_37, %dma_wait3A_109, %dma_wait3A_110] : memref<32x5x16x128xi32, #tpu.memory_space<hbm>> -> memref<1x1x16x128xi32, #tpu.memory_space<hbm>>
        %dma_wait3A_112 = tpu.memref_squeeze %dma_wait3A_111 : memref<1x1x16x128xi32, #tpu.memory_space<hbm>> -> memref<16x128xi32, #tpu.memory_space<hbm>>
        %dma_wait3A_113 = arith.constant 0 : i32
        %dma_wait3A_114 = arith.constant 0 : i32
        %dma_wait3A_115 = tpu.memref_slice %arg3[%add3A, %scan3A_37, %dma_wait3A_113, %dma_wait3A_114] : memref<32x5x16x128xi32, #tpu.memory_space<hbm>> -> memref<1x1x16x128xi32, #tpu.memory_space<hbm>>
        %dma_wait3A_116 = tpu.memref_squeeze %dma_wait3A_115 : memref<1x1x16x128xi32, #tpu.memory_space<hbm>> -> memref<16x128xi32, #tpu.memory_space<hbm>>
        tpu.wait_dma2 semaphore(%run_scoped3A : memref<!tpu.dma_semaphore, #tpu.memory_space<semaphore_mem>>) src(%dma_wait3A_116 : memref<16x128xi32, #tpu.memory_space<hbm>>) dst(%arg6 : memref<16x128xi32, #tpu.memory_space<vmem>>)
        tpu.yield
      }) : () -> ()
      "tpu.region"() ({
        %run_scoped3A = tpu.sem_alloc : memref<!tpu.dma_semaphore, #tpu.memory_space<semaphore_mem>>
        %dma_start3A_101 = arith.constant 0 : i32
        %dma_start3A_102 = arith.constant 0 : i32
        %dma_start3A_103 = tpu.memref_slice %arg4[%add3A, %scan3A_37, %dma_start3A_101, %dma_start3A_102] : memref<32x5x16x128xi32, #tpu.memory_space<hbm>> -> memref<1x1x16x128xi32, #tpu.memory_space<hbm>>
        %dma_start3A_104 = tpu.memref_squeeze %dma_start3A_103 : memref<1x1x16x128xi32, #tpu.memory_space<hbm>> -> memref<16x128xi32, #tpu.memory_space<hbm>>
        %dma_start3A_105 = arith.constant 0 : i32
        %dma_start3A_106 = arith.constant 0 : i32
        %dma_start3A_107 = tpu.memref_slice %arg4[%add3A, %scan3A_37, %dma_start3A_105, %dma_start3A_106] : memref<32x5x16x128xi32, #tpu.memory_space<hbm>> -> memref<1x1x16x128xi32, #tpu.memory_space<hbm>>
        %dma_start3A_108 = tpu.memref_squeeze %dma_start3A_107 : memref<1x1x16x128xi32, #tpu.memory_space<hbm>> -> memref<16x128xi32, #tpu.memory_space<hbm>>
        tpu.enqueue_dma source(%dma_start3A_108 : memref<16x128xi32, #tpu.memory_space<hbm>>) target(%arg7 : memref<16x128xi32, #tpu.memory_space<vmem>>) target_semaphore(%run_scoped3A : memref<!tpu.dma_semaphore, #tpu.memory_space<semaphore_mem>>)
        %dma_wait3A_109 = arith.constant 0 : i32
        %dma_wait3A_110 = arith.constant 0 : i32
        %dma_wait3A_111 = tpu.memref_slice %arg4[%add3A, %scan3A_37, %dma_wait3A_109, %dma_wait3A_110] : memref<32x5x16x128xi32, #tpu.memory_space<hbm>> -> memref<1x1x16x128xi32, #tpu.memory_space<hbm>>
        %dma_wait3A_112 = tpu.memref_squeeze %dma_wait3A_111 : memref<1x1x16x128xi32, #tpu.memory_space<hbm>> -> memref<16x128xi32, #tpu.memory_space<hbm>>
        %dma_wait3A_113 = arith.constant 0 : i32
        %dma_wait3A_114 = arith.constant 0 : i32
        %dma_wait3A_115 = tpu.memref_slice %arg4[%add3A, %scan3A_37, %dma_wait3A_113, %dma_wait3A_114] : memref<32x5x16x128xi32, #tpu.memory_space<hbm>> -> memref<1x1x16x128xi32, #tpu.memory_space<hbm>>
        %dma_wait3A_116 = tpu.memref_squeeze %dma_wait3A_115 : memref<1x1x16x128xi32, #tpu.memory_space<hbm>> -> memref<16x128xi32, #tpu.memory_space<hbm>>
        tpu.wait_dma2 semaphore(%run_scoped3A : memref<!tpu.dma_semaphore, #tpu.memory_space<semaphore_mem>>) src(%dma_wait3A_116 : memref<16x128xi32, #tpu.memory_space<hbm>>) dst(%arg7 : memref<16x128xi32, #tpu.memory_space<vmem>>)
        tpu.yield
      }) : () -> ()
      %dma_start3A = arith.constant 0 : i32
      %dma_start3A_39 = arith.constant 0 : i32
      %dma_start3A_40 = tpu.memref_slice %arg6[%dma_start3A, %dma_start3A_39] : memref<16x128xi32, #tpu.memory_space<vmem>> -> memref<1x128xi32, #tpu.memory_space<vmem>>
      %dma_start3A_41 = tpu.memref_squeeze %dma_start3A_40 : memref<1x128xi32, #tpu.memory_space<vmem>> -> memref<128xi32, #tpu.memory_space<vmem>>
      %dma_start3A_42 = arith.constant 0 : i32
      %dma_start3A_43 = arith.constant 0 : i32
      %dma_start3A_44 = tpu.memref_slice %arg2[%dma_start3A_42, %dma_start3A_43] : memref<10240x128xf32, #tpu.memory_space<hbm>> -> memref<10240x128xf32, #tpu.memory_space<hbm>>
      tpu.enqueue_indirect_dma source(%dma_start3A_44 : memref<10240x128xf32, #tpu.memory_space<hbm>>) target(%arg8 : memref<128x128xf32, #tpu.memory_space<vmem>>) offsets(%dma_start3A_41 : memref<128xi32, #tpu.memory_space<vmem>>) semaphore(%arg11 : memref<!tpu.dma_semaphore, #tpu.memory_space<semaphore_mem>>)
      %dma_start3A_45 = arith.constant 1 : i32
      %dma_start3A_46 = arith.constant 0 : i32
      %dma_start3A_47 = tpu.memref_slice %arg6[%dma_start3A_45, %dma_start3A_46] : memref<16x128xi32, #tpu.memory_space<vmem>> -> memref<1x128xi32, #tpu.memory_space<vmem>>
      %dma_start3A_48 = tpu.memref_squeeze %dma_start3A_47 : memref<1x128xi32, #tpu.memory_space<vmem>> -> memref<128xi32, #tpu.memory_space<vmem>>
      %dma_start3A_49 = arith.constant 0 : i32
      %dma_start3A_50 = arith.constant 0 : i32
      %dma_start3A_51 = tpu.memref_slice %arg2[%dma_start3A_49, %dma_start3A_50] : memref<10240x128xf32, #tpu.memory_space<hbm>> -> memref<10240x128xf32, #tpu.memory_space<hbm>>
      tpu.enqueue_indirect_dma source(%dma_start3A_51 : memref<10240x128xf32, #tpu.memory_space<hbm>>) target(%arg9 : memref<128x128xf32, #tpu.memory_space<vmem>>) offsets(%dma_start3A_48 : memref<128xi32, #tpu.memory_space<vmem>>) semaphore(%arg12 : memref<!tpu.dma_semaphore, #tpu.memory_space<semaphore_mem>>)
      %scan3A_52 = arith.constant 0 : i32
      %scan3A_53 = arith.constant 0 : i32
      %scan3A_54 = arith.constant 7 : i32
      %scan3A_55 = arith.addi %scan3A_53, %scan3A_54 : i32
      %scan3A_56 = arith.constant 1 : i32
      %scan3A_57 = scf.for %scan3A_101 = %scan3A_53 to %scan3A_55 step %scan3A_56 iter_args(%scan3A_102 = %scan3A_52) -> (i32)  : i32 {
        %dma_wait3A_103 = arith.constant 0 : i32
        %dma_wait3A_104 = arith.constant 0 : i32
        %dma_wait3A_105 = tpu.memref_slice %arg6[%dma_wait3A_103, %dma_wait3A_104] : memref<16x128xi32, #tpu.memory_space<vmem>> -> memref<1x128xi32, #tpu.memory_space<vmem>>
        %dma_wait3A_106 = tpu.memref_squeeze %dma_wait3A_105 : memref<1x128xi32, #tpu.memory_space<vmem>> -> memref<128xi32, #tpu.memory_space<vmem>>
        %dma_wait3A_107 = arith.constant 0 : i32
        %dma_wait3A_108 = arith.constant 0 : i32
        %dma_wait3A_109 = tpu.memref_slice %arg2[%dma_wait3A_107, %dma_wait3A_108] : memref<10240x128xf32, #tpu.memory_space<hbm>> -> memref<10240x128xf32, #tpu.memory_space<hbm>>
        tpu.wait_indirect_dma semaphore(%arg11 : memref<!tpu.dma_semaphore, #tpu.memory_space<semaphore_mem>>) src(%dma_wait3A_109 : memref<10240x128xf32, #tpu.memory_space<hbm>>) dst(%arg8 : memref<128x128xf32, #tpu.memory_space<vmem>>)
        %mul3A_110 = arith.constant 2 : i32
        %mul3A_111 = arith.muli %scan3A_101, %mul3A_110 : i32
        %add3A_112 = arith.constant 0 : i32
        %add3A_113 = arith.addi %mul3A_111, %add3A_112 : i32
        %dma_start3A_114 = arith.constant 0 : i32
        %dma_start3A_115 = tpu.memref_slice %arg7[%add3A_113, %dma_start3A_114] : memref<16x128xi32, #tpu.memory_space<vmem>> -> memref<1x128xi32, #tpu.memory_space<vmem>>
        %dma_start3A_116 = tpu.memref_squeeze %dma_start3A_115 : memref<1x128xi32, #tpu.memory_space<vmem>> -> memref<128xi32, #tpu.memory_space<vmem>>
        %dma_start3A_117 = arith.constant 0 : i32
        %dma_start3A_118 = arith.constant 0 : i32
        %dma_start3A_119 = tpu.memref_slice %arg10[%dma_start3A_117, %dma_start3A_118] : memref<10240x128xf32, #tpu.memory_space<vmem_shared>> -> memref<10240x128xf32, #tpu.memory_space<vmem_shared>>
        tpu.enqueue_indirect_dma source(%arg8 : memref<128x128xf32, #tpu.memory_space<vmem>>) target(%dma_start3A_119 : memref<10240x128xf32, #tpu.memory_space<vmem_shared>>) offsets(%dma_start3A_116 : memref<128xi32, #tpu.memory_space<vmem>>) semaphore(%arg13 : memref<!tpu.dma_semaphore, #tpu.memory_space<semaphore_mem>>) {add = true}
        %dma_wait3A_120 = arith.constant 0 : i32
        %dma_wait3A_121 = arith.constant 0 : i32
        %dma_wait3A_122 = tpu.memref_slice %arg6[%dma_wait3A_120, %dma_wait3A_121] : memref<16x128xi32, #tpu.memory_space<vmem>> -> memref<1x128xi32, #tpu.memory_space<vmem>>
        %dma_wait3A_123 = tpu.memref_squeeze %dma_wait3A_122 : memref<1x128xi32, #tpu.memory_space<vmem>> -> memref<128xi32, #tpu.memory_space<vmem>>
        %dma_wait3A_124 = arith.constant 0 : i32
        %dma_wait3A_125 = arith.constant 0 : i32
        %dma_wait3A_126 = tpu.memref_slice %arg2[%dma_wait3A_124, %dma_wait3A_125] : memref<10240x128xf32, #tpu.memory_space<hbm>> -> memref<10240x128xf32, #tpu.memory_space<hbm>>
        tpu.wait_indirect_dma semaphore(%arg12 : memref<!tpu.dma_semaphore, #tpu.memory_space<semaphore_mem>>) src(%dma_wait3A_126 : memref<10240x128xf32, #tpu.memory_space<hbm>>) dst(%arg9 : memref<128x128xf32, #tpu.memory_space<vmem>>)
        %mul3A_127 = arith.constant 2 : i32
        %mul3A_128 = arith.muli %scan3A_101, %mul3A_127 : i32
        %add3A_129 = arith.constant 1 : i32
        %add3A_130 = arith.addi %mul3A_128, %add3A_129 : i32
        %dma_start3A_131 = arith.constant 0 : i32
        %dma_start3A_132 = tpu.memref_slice %arg7[%add3A_130, %dma_start3A_131] : memref<16x128xi32, #tpu.memory_space<vmem>> -> memref<1x128xi32, #tpu.memory_space<vmem>>
        %dma_start3A_133 = tpu.memref_squeeze %dma_start3A_132 : memref<1x128xi32, #tpu.memory_space<vmem>> -> memref<128xi32, #tpu.memory_space<vmem>>
        %dma_start3A_134 = arith.constant 0 : i32
        %dma_start3A_135 = arith.constant 0 : i32
        %dma_start3A_136 = tpu.memref_slice %arg10[%dma_start3A_134, %dma_start3A_135] : memref<10240x128xf32, #tpu.memory_space<vmem_shared>> -> memref<10240x128xf32, #tpu.memory_space<vmem_shared>>
        tpu.enqueue_indirect_dma source(%arg9 : memref<128x128xf32, #tpu.memory_space<vmem>>) target(%dma_start3A_136 : memref<10240x128xf32, #tpu.memory_space<vmem_shared>>) offsets(%dma_start3A_133 : memref<128xi32, #tpu.memory_space<vmem>>) semaphore(%arg14 : memref<!tpu.dma_semaphore, #tpu.memory_space<semaphore_mem>>) {add = true}
        %dma_wait3A_137 = arith.constant 0 : i32
        %dma_wait3A_138 = tpu.memref_slice %arg7[%add3A_113, %dma_wait3A_137] : memref<16x128xi32, #tpu.memory_space<vmem>> -> memref<1x128xi32, #tpu.memory_space<vmem>>
        %dma_wait3A_139 = tpu.memref_squeeze %dma_wait3A_138 : memref<1x128xi32, #tpu.memory_space<vmem>> -> memref<128xi32, #tpu.memory_space<vmem>>
        %dma_wait3A_140 = arith.constant 0 : i32
        %dma_wait3A_141 = arith.constant 0 : i32
        %dma_wait3A_142 = tpu.memref_slice %arg10[%dma_wait3A_140, %dma_wait3A_141] : memref<10240x128xf32, #tpu.memory_space<vmem_shared>> -> memref<10240x128xf32, #tpu.memory_space<vmem_shared>>
        tpu.wait_indirect_dma semaphore(%arg13 : memref<!tpu.dma_semaphore, #tpu.memory_space<semaphore_mem>>) src(%arg8 : memref<128x128xf32, #tpu.memory_space<vmem>>) dst(%dma_wait3A_142 : memref<10240x128xf32, #tpu.memory_space<vmem_shared>>)
        %mul3A_143 = arith.constant 2 : i32
        %mul3A_144 = arith.muli %scan3A_101, %mul3A_143 : i32
        %add3A_145 = arith.constant 0 : i32
        %add3A_146 = arith.addi %mul3A_144, %add3A_145 : i32
        %add3A_147 = arith.constant 2 : i32
        %add3A_148 = arith.addi %add3A_146, %add3A_147 : i32
        %dma_start3A_149 = arith.constant 0 : i32
        %dma_start3A_150 = tpu.memref_slice %arg6[%add3A_148, %dma_start3A_149] : memref<16x128xi32, #tpu.memory_space<vmem>> -> memref<1x128xi32, #tpu.memory_space<vmem>>
        %dma_start3A_151 = tpu.memref_squeeze %dma_start3A_150 : memref<1x128xi32, #tpu.memory_space<vmem>> -> memref<128xi32, #tpu.memory_space<vmem>>
        %dma_start3A_152 = arith.constant 0 : i32
        %dma_start3A_153 = arith.constant 0 : i32
        %dma_start3A_154 = tpu.memref_slice %arg2[%dma_start3A_152, %dma_start3A_153] : memref<10240x128xf32, #tpu.memory_space<hbm>> -> memref<10240x128xf32, #tpu.memory_space<hbm>>
        tpu.enqueue_indirect_dma source(%dma_start3A_154 : memref<10240x128xf32, #tpu.memory_space<hbm>>) target(%arg8 : memref<128x128xf32, #tpu.memory_space<vmem>>) offsets(%dma_start3A_151 : memref<128xi32, #tpu.memory_space<vmem>>) semaphore(%arg11 : memref<!tpu.dma_semaphore, #tpu.memory_space<semaphore_mem>>)
        %dma_wait3A_155 = arith.constant 0 : i32
        %dma_wait3A_156 = tpu.memref_slice %arg7[%add3A_130, %dma_wait3A_155] : memref<16x128xi32, #tpu.memory_space<vmem>> -> memref<1x128xi32, #tpu.memory_space<vmem>>
        %dma_wait3A_157 = tpu.memref_squeeze %dma_wait3A_156 : memref<1x128xi32, #tpu.memory_space<vmem>> -> memref<128xi32, #tpu.memory_space<vmem>>
        %dma_wait3A_158 = arith.constant 0 : i32
        %dma_wait3A_159 = arith.constant 0 : i32
        %dma_wait3A_160 = tpu.memref_slice %arg10[%dma_wait3A_158, %dma_wait3A_159] : memref<10240x128xf32, #tpu.memory_space<vmem_shared>> -> memref<10240x128xf32, #tpu.memory_space<vmem_shared>>
        tpu.wait_indirect_dma semaphore(%arg14 : memref<!tpu.dma_semaphore, #tpu.memory_space<semaphore_mem>>) src(%arg9 : memref<128x128xf32, #tpu.memory_space<vmem>>) dst(%dma_wait3A_160 : memref<10240x128xf32, #tpu.memory_space<vmem_shared>>)
        %mul3A_161 = arith.constant 2 : i32
        %mul3A_162 = arith.muli %scan3A_101, %mul3A_161 : i32
        %add3A_163 = arith.constant 1 : i32
        %add3A_164 = arith.addi %mul3A_162, %add3A_163 : i32
        %add3A_165 = arith.constant 2 : i32
        %add3A_166 = arith.addi %add3A_164, %add3A_165 : i32
        %dma_start3A_167 = arith.constant 0 : i32
        %dma_start3A_168 = tpu.memref_slice %arg6[%add3A_166, %dma_start3A_167] : memref<16x128xi32, #tpu.memory_space<vmem>> -> memref<1x128xi32, #tpu.memory_space<vmem>>
        %dma_start3A_169 = tpu.memref_squeeze %dma_start3A_168 : memref<1x128xi32, #tpu.memory_space<vmem>> -> memref<128xi32, #tpu.memory_space<vmem>>
        %dma_start3A_170 = arith.constant 0 : i32
        %dma_start3A_171 = arith.constant 0 : i32
        %dma_start3A_172 = tpu.memref_slice %arg2[%dma_start3A_170, %dma_start3A_171] : memref<10240x128xf32, #tpu.memory_space<hbm>> -> memref<10240x128xf32, #tpu.memory_space<hbm>>
        tpu.enqueue_indirect_dma source(%dma_start3A_172 : memref<10240x128xf32, #tpu.memory_space<hbm>>) target(%arg9 : memref<128x128xf32, #tpu.memory_space<vmem>>) offsets(%dma_start3A_169 : memref<128xi32, #tpu.memory_space<vmem>>) semaphore(%arg12 : memref<!tpu.dma_semaphore, #tpu.memory_space<semaphore_mem>>)
        %scan3A_173 = arith.constant 0 : i32
        scf.yield %scan3A_173 : i32
      }
      %scan3A_58 = arith.constant 7 : i32
      %dma_wait3A = arith.constant 0 : i32
      %dma_wait3A_59 = arith.constant 0 : i32
      %dma_wait3A_60 = tpu.memref_slice %arg6[%dma_wait3A, %dma_wait3A_59] : memref<16x128xi32, #tpu.memory_space<vmem>> -> memref<1x128xi32, #tpu.memory_space<vmem>>
      %dma_wait3A_61 = tpu.memref_squeeze %dma_wait3A_60 : memref<1x128xi32, #tpu.memory_space<vmem>> -> memref<128xi32, #tpu.memory_space<vmem>>
      %dma_wait3A_62 = arith.constant 0 : i32
      %dma_wait3A_63 = arith.constant 0 : i32
      %dma_wait3A_64 = tpu.memref_slice %arg2[%dma_wait3A_62, %dma_wait3A_63] : memref<10240x128xf32, #tpu.memory_space<hbm>> -> memref<10240x128xf32, #tpu.memory_space<hbm>>
      tpu.wait_indirect_dma semaphore(%arg11 : memref<!tpu.dma_semaphore, #tpu.memory_space<semaphore_mem>>) src(%dma_wait3A_64 : memref<10240x128xf32, #tpu.memory_space<hbm>>) dst(%arg8 : memref<128x128xf32, #tpu.memory_space<vmem>>)
      %dma_start3A_65 = arith.constant 14 : i32
      %dma_start3A_66 = arith.constant 0 : i32
      %dma_start3A_67 = tpu.memref_slice %arg7[%dma_start3A_65, %dma_start3A_66] : memref<16x128xi32, #tpu.memory_space<vmem>> -> memref<1x128xi32, #tpu.memory_space<vmem>>
      %dma_start3A_68 = tpu.memref_squeeze %dma_start3A_67 : memref<1x128xi32, #tpu.memory_space<vmem>> -> memref<128xi32, #tpu.memory_space<vmem>>
      %dma_start3A_69 = arith.constant 0 : i32
      %dma_start3A_70 = arith.constant 0 : i32
      %dma_start3A_71 = tpu.memref_slice %arg10[%dma_start3A_69, %dma_start3A_70] : memref<10240x128xf32, #tpu.memory_space<vmem_shared>> -> memref<10240x128xf32, #tpu.memory_space<vmem_shared>>
      tpu.enqueue_indirect_dma source(%arg8 : memref<128x128xf32, #tpu.memory_space<vmem>>) target(%dma_start3A_71 : memref<10240x128xf32, #tpu.memory_space<vmem_shared>>) offsets(%dma_start3A_68 : memref<128xi32, #tpu.memory_space<vmem>>) semaphore(%arg13 : memref<!tpu.dma_semaphore, #tpu.memory_space<semaphore_mem>>) {add = true}
      %dma_wait3A_72 = arith.constant 0 : i32
      %dma_wait3A_73 = arith.constant 0 : i32
      %dma_wait3A_74 = tpu.memref_slice %arg6[%dma_wait3A_72, %dma_wait3A_73] : memref<16x128xi32, #tpu.memory_space<vmem>> -> memref<1x128xi32, #tpu.memory_space<vmem>>
      %dma_wait3A_75 = tpu.memref_squeeze %dma_wait3A_74 : memref<1x128xi32, #tpu.memory_space<vmem>> -> memref<128xi32, #tpu.memory_space<vmem>>
      %dma_wait3A_76 = arith.constant 0 : i32
      %dma_wait3A_77 = arith.constant 0 : i32
      %dma_wait3A_78 = tpu.memref_slice %arg2[%dma_wait3A_76, %dma_wait3A_77] : memref<10240x128xf32, #tpu.memory_space<hbm>> -> memref<10240x128xf32, #tpu.memory_space<hbm>>
      tpu.wait_indirect_dma semaphore(%arg12 : memref<!tpu.dma_semaphore, #tpu.memory_space<semaphore_mem>>) src(%dma_wait3A_78 : memref<10240x128xf32, #tpu.memory_space<hbm>>) dst(%arg9 : memref<128x128xf32, #tpu.memory_space<vmem>>)
      %dma_start3A_79 = arith.constant 15 : i32
      %dma_start3A_80 = arith.constant 0 : i32
      %dma_start3A_81 = tpu.memref_slice %arg7[%dma_start3A_79, %dma_start3A_80] : memref<16x128xi32, #tpu.memory_space<vmem>> -> memref<1x128xi32, #tpu.memory_space<vmem>>
      %dma_start3A_82 = tpu.memref_squeeze %dma_start3A_81 : memref<1x128xi32, #tpu.memory_space<vmem>> -> memref<128xi32, #tpu.memory_space<vmem>>
      %dma_start3A_83 = arith.constant 0 : i32
      %dma_start3A_84 = arith.constant 0 : i32
      %dma_start3A_85 = tpu.memref_slice %arg10[%dma_start3A_83, %dma_start3A_84] : memref<10240x128xf32, #tpu.memory_space<vmem_shared>> -> memref<10240x128xf32, #tpu.memory_space<vmem_shared>>
      tpu.enqueue_indirect_dma source(%arg9 : memref<128x128xf32, #tpu.memory_space<vmem>>) target(%dma_start3A_85 : memref<10240x128xf32, #tpu.memory_space<vmem_shared>>) offsets(%dma_start3A_82 : memref<128xi32, #tpu.memory_space<vmem>>) semaphore(%arg14 : memref<!tpu.dma_semaphore, #tpu.memory_space<semaphore_mem>>) {add = true}
      %dma_wait3A_86 = arith.constant 14 : i32
      %dma_wait3A_87 = arith.constant 0 : i32
      %dma_wait3A_88 = tpu.memref_slice %arg7[%dma_wait3A_86, %dma_wait3A_87] : memref<16x128xi32, #tpu.memory_space<vmem>> -> memref<1x128xi32, #tpu.memory_space<vmem>>
      %dma_wait3A_89 = tpu.memref_squeeze %dma_wait3A_88 : memref<1x128xi32, #tpu.memory_space<vmem>> -> memref<128xi32, #tpu.memory_space<vmem>>
      %dma_wait3A_90 = arith.constant 0 : i32
      %dma_wait3A_91 = arith.constant 0 : i32
      %dma_wait3A_92 = tpu.memref_slice %arg10[%dma_wait3A_90, %dma_wait3A_91] : memref<10240x128xf32, #tpu.memory_space<vmem_shared>> -> memref<10240x128xf32, #tpu.memory_space<vmem_shared>>
      tpu.wait_indirect_dma semaphore(%arg13 : memref<!tpu.dma_semaphore, #tpu.memory_space<semaphore_mem>>) src(%arg8 : memref<128x128xf32, #tpu.memory_space<vmem>>) dst(%dma_wait3A_92 : memref<10240x128xf32, #tpu.memory_space<vmem_shared>>)
      %dma_wait3A_93 = arith.constant 15 : i32
      %dma_wait3A_94 = arith.constant 0 : i32
      %dma_wait3A_95 = tpu.memref_slice %arg7[%dma_wait3A_93, %dma_wait3A_94] : memref<16x128xi32, #tpu.memory_space<vmem>> -> memref<1x128xi32, #tpu.memory_space<vmem>>
      %dma_wait3A_96 = tpu.memref_squeeze %dma_wait3A_95 : memref<1x128xi32, #tpu.memory_space<vmem>> -> memref<128xi32, #tpu.memory_space<vmem>>
      %dma_wait3A_97 = arith.constant 0 : i32
      %dma_wait3A_98 = arith.constant 0 : i32
      %dma_wait3A_99 = tpu.memref_slice %arg10[%dma_wait3A_97, %dma_wait3A_98] : memref<10240x128xf32, #tpu.memory_space<vmem_shared>> -> memref<10240x128xf32, #tpu.memory_space<vmem_shared>>
      tpu.wait_indirect_dma semaphore(%arg14 : memref<!tpu.dma_semaphore, #tpu.memory_space<semaphore_mem>>) src(%arg9 : memref<128x128xf32, #tpu.memory_space<vmem>>) dst(%dma_wait3A_99 : memref<10240x128xf32, #tpu.memory_space<vmem_shared>>)
      %scan3A_100 = arith.constant 0 : i32
      scf.yield %scan3A_100 : i32
    }
    %scan3A_33 = arith.constant 5 : i32
    %barrier3A_34 = arith.constant 0 : index
    tpu.barrier barrier_id(%barrier3A_34)
    %mul3A_35 = arith.constant 640 : i32
    %mul3A_36 = arith.muli %arg1, %mul3A_35 : i32
    "tpu.region"() ({
      %run_scoped3A = tpu.sem_alloc : memref<!tpu.dma_semaphore, #tpu.memory_space<semaphore_mem>>
      %dma_start3A = arith.constant 0 : i32
      %dma_start3A_37 = tpu.memref_slice %arg5[%arg0, %mul3A_36, %dma_start3A] : memref<2x10240x128xf32, #tpu.memory_space<hbm>> -> memref<1x640x128xf32, #tpu.memory_space<hbm>>
      %dma_start3A_38 = tpu.memref_squeeze %dma_start3A_37 : memref<1x640x128xf32, #tpu.memory_space<hbm>> -> memref<640x128xf32, #tpu.memory_space<hbm>>
      %dma_start3A_39 = arith.constant 0 : i32
      %dma_start3A_40 = tpu.memref_slice %arg10[%mul3A_36, %dma_start3A_39] : memref<10240x128xf32, #tpu.memory_space<vmem_shared>> -> memref<640x128xf32, #tpu.memory_space<vmem_shared>>
      tpu.enqueue_dma source(%dma_start3A_40 : memref<640x128xf32, #tpu.memory_space<vmem_shared>>) target(%dma_start3A_38 : memref<640x128xf32, #tpu.memory_space<hbm>>) target_semaphore(%run_scoped3A : memref<!tpu.dma_semaphore, #tpu.memory_space<semaphore_mem>>)
      %dma_wait3A = arith.constant 0 : i32
      %dma_wait3A_41 = tpu.memref_slice %arg5[%arg0, %mul3A_36, %dma_wait3A] : memref<2x10240x128xf32, #tpu.memory_space<hbm>> -> memref<1x640x128xf32, #tpu.memory_space<hbm>>
      %dma_wait3A_42 = tpu.memref_squeeze %dma_wait3A_41 : memref<1x640x128xf32, #tpu.memory_space<hbm>> -> memref<640x128xf32, #tpu.memory_space<hbm>>
      %dma_wait3A_43 = arith.constant 0 : i32
      %dma_wait3A_44 = tpu.memref_slice %arg10[%mul3A_36, %dma_wait3A_43] : memref<10240x128xf32, #tpu.memory_space<vmem_shared>> -> memref<640x128xf32, #tpu.memory_space<vmem_shared>>
      tpu.wait_dma2 semaphore(%run_scoped3A : memref<!tpu.dma_semaphore, #tpu.memory_space<semaphore_mem>>) src(%dma_wait3A_44 : memref<640x128xf32, #tpu.memory_space<vmem_shared>>) dst(%dma_wait3A_42 : memref<640x128xf32, #tpu.memory_space<hbm>>)
      tpu.yield
    }) : () -> ()
    return
  }
}

#map = affine_map<(d0, d1) -> (0, 0)>
#map1 = affine_map<(d0, d1) -> (0, 0, 0, 0)>
#map2 = affine_map<(d0, d1) -> (0, 0, 0)>
module attributes {stable_mosaic.version = 14 : i64} {
  func.func @_sc_segsum(%arg0: i32, %arg1: i32, %arg2: memref<10240x128xf32, #tpu.memory_space<hbm>>, %arg3: memref<32x5x16x128xi32, #tpu.memory_space<hbm>>, %arg4: memref<32x5x16x128xi32, #tpu.memory_space<hbm>>, %arg5: memref<2x10240x128xf32, #tpu.memory_space<hbm>>, %arg6: memref<16x128xi32, #tpu.memory_space<vmem>>, %arg7: memref<16x128xi32, #tpu.memory_space<vmem>>, %arg8: memref<128x128xf32, #tpu.memory_space<vmem>>, %arg9: memref<128x128xf32, #tpu.memory_space<vmem>>, %arg10: memref<10240x128xf32, #tpu.memory_space<vmem_shared>>, %arg11: memref<!tpu.dma_semaphore, #tpu.memory_space<semaphore_mem>>, %arg12: memref<!tpu.dma_semaphore, #tpu.memory_space<semaphore_mem>>, %arg13: memref<!tpu.dma_semaphore, #tpu.memory_space<semaphore_mem>>, %arg14: memref<!tpu.dma_semaphore, #tpu.memory_space<semaphore_mem>>) attributes {dimension_semantics = [#tpu.dimension_semantics<core_parallel>, #tpu.dimension_semantics<subcore_parallel>], iteration_bounds = array<i64: 2, 16>, scalar_prefetch = 0 : i64, scratch_operands = 9 : i64, tpu.core_type = #tpu.core_type<sc_vector_subcore>, window_params = [{transform_indices = #map}, {transform_indices = #map1}, {transform_indices = #map1}, {transform_indices = #map2}]} {
    %mul3A = arith.constant 2 : i32
    %mul3A_0 = arith.muli %arg1, %mul3A : i32
    %add3A = arith.addi %mul3A_0, %arg0 : i32
    %scan3A = arith.constant 0 : i32
    %scan3A_1 = arith.constant 0 : i32
    %scan3A_2 = arith.constant 128 : i32
    %scan3A_3 = arith.addi %scan3A_1, %scan3A_2 : i32
    %scan3A_4 = arith.constant 1 : i32
    %scan3A_5 = scf.for %scan3A_37 = %scan3A_1 to %scan3A_3 step %scan3A_4 iter_args(%scan3A_38 = %scan3A) -> (i32)  : i32 {
      %scan3A_39 = arith.constant 0 : i32
      %scan3A_40 = arith.constant 0 : i32
      %scan3A_41 = arith.constant 8 : i32
      %scan3A_42 = arith.addi %scan3A_40, %scan3A_41 : i32
      %scan3A_43 = arith.constant 1 : i32
      %scan3A_44 = scf.for %scan3A_46 = %scan3A_40 to %scan3A_42 step %scan3A_43 iter_args(%scan3A_47 = %scan3A_39) -> (i32)  : i32 {
        %broadcast_in_dim3A = arith.constant 0.000000e+00 : f32
        %broadcast_in_dim3A_48 = vector.broadcast %broadcast_in_dim3A : f32 to vector<16xf32>
        %mul3A_49 = arith.constant 16 : i32
        %mul3A_50 = arith.muli %scan3A_46, %mul3A_49 : i32
        %swap3A = arith.index_cast %scan3A_37 : i32 to index
        %swap3A_51 = arith.index_cast %mul3A_50 : i32 to index
        %swap3A_52 = tpu.vector_load %arg8[%swap3A, %swap3A_51] {strides = array<i32>} : memref<128x128xf32, #tpu.memory_space<vmem>>, vector<1x16xf32>,
        %swap3A_53 = vector.shape_cast %swap3A_52 : vector<1x16xf32> to vector<16xf32>
        %swap3A_54 = vector.shape_cast %broadcast_in_dim3A_48 : vector<16xf32> to vector<1x16xf32>
        tpu.vector_store %arg8[%swap3A, %swap3A_51], %swap3A_54 {strides = array<i32>} : memref<128x128xf32, #tpu.memory_space<vmem>>, vector<1x16xf32>,
        %scan3A_55 = arith.constant 0 : i32
        scf.yield %scan3A_55 : i32
      }
      %scan3A_45 = arith.constant 8 : i32
      scf.yield %scan3A_44 : i32
    }
    %scan3A_6 = arith.constant 128 : i32
    %mul3A_7 = arith.constant 640 : i32
    %mul3A_8 = arith.muli %arg1, %mul3A_7 : i32
    %add3A_9 = arith.constant 0 : i32
    %add3A_10 = arith.addi %mul3A_8, %add3A_9 : i32
    "tpu.region"() ({
      %run_scoped3A = tpu.sem_alloc : memref<!tpu.dma_semaphore, #tpu.memory_space<semaphore_mem>>
      %dma_start3A = arith.constant 0 : i32
      %dma_start3A_37 = tpu.memref_slice %arg10[%add3A_10, %dma_start3A] : memref<10240x128xf32, #tpu.memory_space<vmem_shared>> -> memref<128x128xf32, #tpu.memory_space<vmem_shared>>
      %dma_start3A_38 = arith.constant 0 : i32
      %dma_start3A_39 = tpu.memref_slice %arg10[%add3A_10, %dma_start3A_38] : memref<10240x128xf32, #tpu.memory_space<vmem_shared>> -> memref<128x128xf32, #tpu.memory_space<vmem_shared>>
      tpu.enqueue_dma source(%arg8 : memref<128x128xf32, #tpu.memory_space<vmem>>) target(%dma_start3A_39 : memref<128x128xf32, #tpu.memory_space<vmem_shared>>) target_semaphore(%run_scoped3A : memref<!tpu.dma_semaphore, #tpu.memory_space<semaphore_mem>>)
      %dma_wait3A = arith.constant 0 : i32
      %dma_wait3A_40 = tpu.memref_slice %arg10[%add3A_10, %dma_wait3A] : memref<10240x128xf32, #tpu.memory_space<vmem_shared>> -> memref<128x128xf32, #tpu.memory_space<vmem_shared>>
      %dma_wait3A_41 = arith.constant 0 : i32
      %dma_wait3A_42 = tpu.memref_slice %arg10[%add3A_10, %dma_wait3A_41] : memref<10240x128xf32, #tpu.memory_space<vmem_shared>> -> memref<128x128xf32, #tpu.memory_space<vmem_shared>>
      tpu.wait_dma2 semaphore(%run_scoped3A : memref<!tpu.dma_semaphore, #tpu.memory_space<semaphore_mem>>) src(%arg8 : memref<128x128xf32, #tpu.memory_space<vmem>>) dst(%dma_wait3A_42 : memref<128x128xf32, #tpu.memory_space<vmem_shared>>)
      tpu.yield
    }) : () -> ()
    %mul3A_11 = arith.constant 640 : i32
    %mul3A_12 = arith.muli %arg1, %mul3A_11 : i32
    %add3A_13 = arith.constant 128 : i32
    %add3A_14 = arith.addi %mul3A_12, %add3A_13 : i32
    "tpu.region"() ({
      %run_scoped3A = tpu.sem_alloc : memref<!tpu.dma_semaphore, #tpu.memory_space<semaphore_mem>>
      %dma_start3A = arith.constant 0 : i32
      %dma_start3A_37 = tpu.memref_slice %arg10[%add3A_14, %dma_start3A] : memref<10240x128xf32, #tpu.memory_space<vmem_shared>> -> memref<128x128xf32, #tpu.memory_space<vmem_shared>>
      %dma_start3A_38 = arith.constant 0 : i32
      %dma_start3A_39 = tpu.memref_slice %arg10[%add3A_14, %dma_start3A_38] : memref<10240x128xf32, #tpu.memory_space<vmem_shared>> -> memref<128x128xf32, #tpu.memory_space<vmem_shared>>
      tpu.enqueue_dma source(%arg8 : memref<128x128xf32, #tpu.memory_space<vmem>>) target(%dma_start3A_39 : memref<128x128xf32, #tpu.memory_space<vmem_shared>>) target_semaphore(%run_scoped3A : memref<!tpu.dma_semaphore, #tpu.memory_space<semaphore_mem>>)
      %dma_wait3A = arith.constant 0 : i32
      %dma_wait3A_40 = tpu.memref_slice %arg10[%add3A_14, %dma_wait3A] : memref<10240x128xf32, #tpu.memory_space<vmem_shared>> -> memref<128x128xf32, #tpu.memory_space<vmem_shared>>
      %dma_wait3A_41 = arith.constant 0 : i32
      %dma_wait3A_42 = tpu.memref_slice %arg10[%add3A_14, %dma_wait3A_41] : memref<10240x128xf32, #tpu.memory_space<vmem_shared>> -> memref<128x128xf32, #tpu.memory_space<vmem_shared>>
      tpu.wait_dma2 semaphore(%run_scoped3A : memref<!tpu.dma_semaphore, #tpu.memory_space<semaphore_mem>>) src(%arg8 : memref<128x128xf32, #tpu.memory_space<vmem>>) dst(%dma_wait3A_42 : memref<128x128xf32, #tpu.memory_space<vmem_shared>>)
      tpu.yield
    }) : () -> ()
    %mul3A_15 = arith.constant 640 : i32
    %mul3A_16 = arith.muli %arg1, %mul3A_15 : i32
    %add3A_17 = arith.constant 256 : i32
    %add3A_18 = arith.addi %mul3A_16, %add3A_17 : i32
    "tpu.region"() ({
      %run_scoped3A = tpu.sem_alloc : memref<!tpu.dma_semaphore, #tpu.memory_space<semaphore_mem>>
      %dma_start3A = arith.constant 0 : i32
      %dma_start3A_37 = tpu.memref_slice %arg10[%add3A_18, %dma_start3A] : memref<10240x128xf32, #tpu.memory_space<vmem_shared>> -> memref<128x128xf32, #tpu.memory_space<vmem_shared>>
      %dma_start3A_38 = arith.constant 0 : i32
      %dma_start3A_39 = tpu.memref_slice %arg10[%add3A_18, %dma_start3A_38] : memref<10240x128xf32, #tpu.memory_space<vmem_shared>> -> memref<128x128xf32, #tpu.memory_space<vmem_shared>>
      tpu.enqueue_dma source(%arg8 : memref<128x128xf32, #tpu.memory_space<vmem>>) target(%dma_start3A_39 : memref<128x128xf32, #tpu.memory_space<vmem_shared>>) target_semaphore(%run_scoped3A : memref<!tpu.dma_semaphore, #tpu.memory_space<semaphore_mem>>)
      %dma_wait3A = arith.constant 0 : i32
      %dma_wait3A_40 = tpu.memref_slice %arg10[%add3A_18, %dma_wait3A] : memref<10240x128xf32, #tpu.memory_space<vmem_shared>> -> memref<128x128xf32, #tpu.memory_space<vmem_shared>>
      %dma_wait3A_41 = arith.constant 0 : i32
      %dma_wait3A_42 = tpu.memref_slice %arg10[%add3A_18, %dma_wait3A_41] : memref<10240x128xf32, #tpu.memory_space<vmem_shared>> -> memref<128x128xf32, #tpu.memory_space<vmem_shared>>
      tpu.wait_dma2 semaphore(%run_scoped3A : memref<!tpu.dma_semaphore, #tpu.memory_space<semaphore_mem>>) src(%arg8 : memref<128x128xf32, #tpu.memory_space<vmem>>) dst(%dma_wait3A_42 : memref<128x128xf32, #tpu.memory_space<vmem_shared>>)
      tpu.yield
    }) : () -> ()
    %mul3A_19 = arith.constant 640 : i32
    %mul3A_20 = arith.muli %arg1, %mul3A_19 : i32
    %add3A_21 = arith.constant 384 : i32
    %add3A_22 = arith.addi %mul3A_20, %add3A_21 : i32
    "tpu.region"() ({
      %run_scoped3A = tpu.sem_alloc : memref<!tpu.dma_semaphore, #tpu.memory_space<semaphore_mem>>
      %dma_start3A = arith.constant 0 : i32
      %dma_start3A_37 = tpu.memref_slice %arg10[%add3A_22, %dma_start3A] : memref<10240x128xf32, #tpu.memory_space<vmem_shared>> -> memref<128x128xf32, #tpu.memory_space<vmem_shared>>
      %dma_start3A_38 = arith.constant 0 : i32
      %dma_start3A_39 = tpu.memref_slice %arg10[%add3A_22, %dma_start3A_38] : memref<10240x128xf32, #tpu.memory_space<vmem_shared>> -> memref<128x128xf32, #tpu.memory_space<vmem_shared>>
      tpu.enqueue_dma source(%arg8 : memref<128x128xf32, #tpu.memory_space<vmem>>) target(%dma_start3A_39 : memref<128x128xf32, #tpu.memory_space<vmem_shared>>) target_semaphore(%run_scoped3A : memref<!tpu.dma_semaphore, #tpu.memory_space<semaphore_mem>>)
      %dma_wait3A = arith.constant 0 : i32
      %dma_wait3A_40 = tpu.memref_slice %arg10[%add3A_22, %dma_wait3A] : memref<10240x128xf32, #tpu.memory_space<vmem_shared>> -> memref<128x128xf32, #tpu.memory_space<vmem_shared>>
      %dma_wait3A_41 = arith.constant 0 : i32
      %dma_wait3A_42 = tpu.memref_slice %arg10[%add3A_22, %dma_wait3A_41] : memref<10240x128xf32, #tpu.memory_space<vmem_shared>> -> memref<128x128xf32, #tpu.memory_space<vmem_shared>>
      tpu.wait_dma2 semaphore(%run_scoped3A : memref<!tpu.dma_semaphore, #tpu.memory_space<semaphore_mem>>) src(%arg8 : memref<128x128xf32, #tpu.memory_space<vmem>>) dst(%dma_wait3A_42 : memref<128x128xf32, #tpu.memory_space<vmem_shared>>)
      tpu.yield
    }) : () -> ()
    %mul3A_23 = arith.constant 640 : i32
    %mul3A_24 = arith.muli %arg1, %mul3A_23 : i32
    %add3A_25 = arith.constant 512 : i32
    %add3A_26 = arith.addi %mul3A_24, %add3A_25 : i32
    "tpu.region"() ({
      %run_scoped3A = tpu.sem_alloc : memref<!tpu.dma_semaphore, #tpu.memory_space<semaphore_mem>>
      %dma_start3A = arith.constant 0 : i32
      %dma_start3A_37 = tpu.memref_slice %arg10[%add3A_26, %dma_start3A] : memref<10240x128xf32, #tpu.memory_space<vmem_shared>> -> memref<128x128xf32, #tpu.memory_space<vmem_shared>>
      %dma_start3A_38 = arith.constant 0 : i32
      %dma_start3A_39 = tpu.memref_slice %arg10[%add3A_26, %dma_start3A_38] : memref<10240x128xf32, #tpu.memory_space<vmem_shared>> -> memref<128x128xf32, #tpu.memory_space<vmem_shared>>
      tpu.enqueue_dma source(%arg8 : memref<128x128xf32, #tpu.memory_space<vmem>>) target(%dma_start3A_39 : memref<128x128xf32, #tpu.memory_space<vmem_shared>>) target_semaphore(%run_scoped3A : memref<!tpu.dma_semaphore, #tpu.memory_space<semaphore_mem>>)
      %dma_wait3A = arith.constant 0 : i32
      %dma_wait3A_40 = tpu.memref_slice %arg10[%add3A_26, %dma_wait3A] : memref<10240x128xf32, #tpu.memory_space<vmem_shared>> -> memref<128x128xf32, #tpu.memory_space<vmem_shared>>
      %dma_wait3A_41 = arith.constant 0 : i32
      %dma_wait3A_42 = tpu.memref_slice %arg10[%add3A_26, %dma_wait3A_41] : memref<10240x128xf32, #tpu.memory_space<vmem_shared>> -> memref<128x128xf32, #tpu.memory_space<vmem_shared>>
      tpu.wait_dma2 semaphore(%run_scoped3A : memref<!tpu.dma_semaphore, #tpu.memory_space<semaphore_mem>>) src(%arg8 : memref<128x128xf32, #tpu.memory_space<vmem>>) dst(%dma_wait3A_42 : memref<128x128xf32, #tpu.memory_space<vmem_shared>>)
      tpu.yield
    }) : () -> ()
    %barrier3A = arith.constant 0 : index
    tpu.barrier barrier_id(%barrier3A)
    %scan3A_27 = arith.constant 0 : i32
    %scan3A_28 = arith.constant 0 : i32
    %scan3A_29 = arith.constant 5 : i32
    %scan3A_30 = arith.addi %scan3A_28, %scan3A_29 : i32
    %scan3A_31 = arith.constant 1 : i32
    %scan3A_32 = scf.for %scan3A_37 = %scan3A_28 to %scan3A_30 step %scan3A_31 iter_args(%scan3A_38 = %scan3A_27) -> (i32)  : i32 {
      "tpu.region"() ({
        %run_scoped3A = tpu.sem_alloc : memref<!tpu.dma_semaphore, #tpu.memory_space<semaphore_mem>>
        %dma_start3A_101 = arith.constant 0 : i32
        %dma_start3A_102 = arith.constant 0 : i32
        %dma_start3A_103 = tpu.memref_slice %arg3[%add3A, %scan3A_37, %dma_start3A_101, %dma_start3A_102] : memref<32x5x16x128xi32, #tpu.memory_space<hbm>> -> memref<1x1x16x128xi32, #tpu.memory_space<hbm>>
        %dma_start3A_104 = tpu.memref_squeeze %dma_start3A_103 : memref<1x1x16x128xi32, #tpu.memory_space<hbm>> -> memref<16x128xi32, #tpu.memory_space<hbm>>
        %dma_start3A_105 = arith.constant 0 : i32
        %dma_start3A_106 = arith.constant 0 : i32
        %dma_start3A_107 = tpu.memref_slice %arg3[%add3A, %scan3A_37, %dma_start3A_105, %dma_start3A_106] : memref<32x5x16x128xi32, #tpu.memory_space<hbm>> -> memref<1x1x16x128xi32, #tpu.memory_space<hbm>>
        %dma_start3A_108 = tpu.memref_squeeze %dma_start3A_107 : memref<1x1x16x128xi32, #tpu.memory_space<hbm>> -> memref<16x128xi32, #tpu.memory_space<hbm>>
        tpu.enqueue_dma source(%dma_start3A_108 : memref<16x128xi32, #tpu.memory_space<hbm>>) target(%arg6 : memref<16x128xi32, #tpu.memory_space<vmem>>) target_semaphore(%run_scoped3A : memref<!tpu.dma_semaphore, #tpu.memory_space<semaphore_mem>>)
        %dma_wait3A_109 = arith.constant 0 : i32
        %dma_wait3A_110 = arith.constant 0 : i32
        %dma_wait3A_111 = tpu.memref_slice %arg3[%add3A, %scan3A_37, %dma_wait3A_109, %dma_wait3A_110] : memref<32x5x16x128xi32, #tpu.memory_space<hbm>> -> memref<1x1x16x128xi32, #tpu.memory_space<hbm>>
        %dma_wait3A_112 = tpu.memref_squeeze %dma_wait3A_111 : memref<1x1x16x128xi32, #tpu.memory_space<hbm>> -> memref<16x128xi32, #tpu.memory_space<hbm>>
        %dma_wait3A_113 = arith.constant 0 : i32
        %dma_wait3A_114 = arith.constant 0 : i32
        %dma_wait3A_115 = tpu.memref_slice %arg3[%add3A, %scan3A_37, %dma_wait3A_113, %dma_wait3A_114] : memref<32x5x16x128xi32, #tpu.memory_space<hbm>> -> memref<1x1x16x128xi32, #tpu.memory_space<hbm>>
        %dma_wait3A_116 = tpu.memref_squeeze %dma_wait3A_115 : memref<1x1x16x128xi32, #tpu.memory_space<hbm>> -> memref<16x128xi32, #tpu.memory_space<hbm>>
        tpu.wait_dma2 semaphore(%run_scoped3A : memref<!tpu.dma_semaphore, #tpu.memory_space<semaphore_mem>>) src(%dma_wait3A_116 : memref<16x128xi32, #tpu.memory_space<hbm>>) dst(%arg6 : memref<16x128xi32, #tpu.memory_space<vmem>>)
        tpu.yield
      }) : () -> ()
      "tpu.region"() ({
        %run_scoped3A = tpu.sem_alloc : memref<!tpu.dma_semaphore, #tpu.memory_space<semaphore_mem>>
        %dma_start3A_101 = arith.constant 0 : i32
        %dma_start3A_102 = arith.constant 0 : i32
        %dma_start3A_103 = tpu.memref_slice %arg4[%add3A, %scan3A_37, %dma_start3A_101, %dma_start3A_102] : memref<32x5x16x128xi32, #tpu.memory_space<hbm>> -> memref<1x1x16x128xi32, #tpu.memory_space<hbm>>
        %dma_start3A_104 = tpu.memref_squeeze %dma_start3A_103 : memref<1x1x16x128xi32, #tpu.memory_space<hbm>> -> memref<16x128xi32, #tpu.memory_space<hbm>>
        %dma_start3A_105 = arith.constant 0 : i32
        %dma_start3A_106 = arith.constant 0 : i32
        %dma_start3A_107 = tpu.memref_slice %arg4[%add3A, %scan3A_37, %dma_start3A_105, %dma_start3A_106] : memref<32x5x16x128xi32, #tpu.memory_space<hbm>> -> memref<1x1x16x128xi32, #tpu.memory_space<hbm>>
        %dma_start3A_108 = tpu.memref_squeeze %dma_start3A_107 : memref<1x1x16x128xi32, #tpu.memory_space<hbm>> -> memref<16x128xi32, #tpu.memory_space<hbm>>
        tpu.enqueue_dma source(%dma_start3A_108 : memref<16x128xi32, #tpu.memory_space<hbm>>) target(%arg7 : memref<16x128xi32, #tpu.memory_space<vmem>>) target_semaphore(%run_scoped3A : memref<!tpu.dma_semaphore, #tpu.memory_space<semaphore_mem>>)
        %dma_wait3A_109 = arith.constant 0 : i32
        %dma_wait3A_110 = arith.constant 0 : i32
        %dma_wait3A_111 = tpu.memref_slice %arg4[%add3A, %scan3A_37, %dma_wait3A_109, %dma_wait3A_110] : memref<32x5x16x128xi32, #tpu.memory_space<hbm>> -> memref<1x1x16x128xi32, #tpu.memory_space<hbm>>
        %dma_wait3A_112 = tpu.memref_squeeze %dma_wait3A_111 : memref<1x1x16x128xi32, #tpu.memory_space<hbm>> -> memref<16x128xi32, #tpu.memory_space<hbm>>
        %dma_wait3A_113 = arith.constant 0 : i32
        %dma_wait3A_114 = arith.constant 0 : i32
        %dma_wait3A_115 = tpu.memref_slice %arg4[%add3A, %scan3A_37, %dma_wait3A_113, %dma_wait3A_114] : memref<32x5x16x128xi32, #tpu.memory_space<hbm>> -> memref<1x1x16x128xi32, #tpu.memory_space<hbm>>
        %dma_wait3A_116 = tpu.memref_squeeze %dma_wait3A_115 : memref<1x1x16x128xi32, #tpu.memory_space<hbm>> -> memref<16x128xi32, #tpu.memory_space<hbm>>
        tpu.wait_dma2 semaphore(%run_scoped3A : memref<!tpu.dma_semaphore, #tpu.memory_space<semaphore_mem>>) src(%dma_wait3A_116 : memref<16x128xi32, #tpu.memory_space<hbm>>) dst(%arg7 : memref<16x128xi32, #tpu.memory_space<vmem>>)
        tpu.yield
      }) : () -> ()
      %dma_start3A = arith.constant 0 : i32
      %dma_start3A_39 = arith.constant 0 : i32
      %dma_start3A_40 = tpu.memref_slice %arg6[%dma_start3A, %dma_start3A_39] : memref<16x128xi32, #tpu.memory_space<vmem>> -> memref<1x128xi32, #tpu.memory_space<vmem>>
      %dma_start3A_41 = tpu.memref_squeeze %dma_start3A_40 : memref<1x128xi32, #tpu.memory_space<vmem>> -> memref<128xi32, #tpu.memory_space<vmem>>
      %dma_start3A_42 = arith.constant 0 : i32
      %dma_start3A_43 = arith.constant 0 : i32
      %dma_start3A_44 = tpu.memref_slice %arg2[%dma_start3A_42, %dma_start3A_43] : memref<10240x128xf32, #tpu.memory_space<hbm>> -> memref<10240x128xf32, #tpu.memory_space<hbm>>
      tpu.enqueue_indirect_dma source(%dma_start3A_44 : memref<10240x128xf32, #tpu.memory_space<hbm>>) target(%arg8 : memref<128x128xf32, #tpu.memory_space<vmem>>) offsets(%dma_start3A_41 : memref<128xi32, #tpu.memory_space<vmem>>) semaphore(%arg11 : memref<!tpu.dma_semaphore, #tpu.memory_space<semaphore_mem>>)
      %dma_start3A_45 = arith.constant 1 : i32
      %dma_start3A_46 = arith.constant 0 : i32
      %dma_start3A_47 = tpu.memref_slice %arg6[%dma_start3A_45, %dma_start3A_46] : memref<16x128xi32, #tpu.memory_space<vmem>> -> memref<1x128xi32, #tpu.memory_space<vmem>>
      %dma_start3A_48 = tpu.memref_squeeze %dma_start3A_47 : memref<1x128xi32, #tpu.memory_space<vmem>> -> memref<128xi32, #tpu.memory_space<vmem>>
      %dma_start3A_49 = arith.constant 0 : i32
      %dma_start3A_50 = arith.constant 0 : i32
      %dma_start3A_51 = tpu.memref_slice %arg2[%dma_start3A_49, %dma_start3A_50] : memref<10240x128xf32, #tpu.memory_space<hbm>> -> memref<10240x128xf32, #tpu.memory_space<hbm>>
      tpu.enqueue_indirect_dma source(%dma_start3A_51 : memref<10240x128xf32, #tpu.memory_space<hbm>>) target(%arg9 : memref<128x128xf32, #tpu.memory_space<vmem>>) offsets(%dma_start3A_48 : memref<128xi32, #tpu.memory_space<vmem>>) semaphore(%arg12 : memref<!tpu.dma_semaphore, #tpu.memory_space<semaphore_mem>>)
      %scan3A_52 = arith.constant 0 : i32
      %scan3A_53 = arith.constant 0 : i32
      %scan3A_54 = arith.constant 7 : i32
      %scan3A_55 = arith.addi %scan3A_53, %scan3A_54 : i32
      %scan3A_56 = arith.constant 1 : i32
      %scan3A_57 = scf.for %scan3A_101 = %scan3A_53 to %scan3A_55 step %scan3A_56 iter_args(%scan3A_102 = %scan3A_52) -> (i32)  : i32 {
        %dma_wait3A_103 = arith.constant 0 : i32
        %dma_wait3A_104 = arith.constant 0 : i32
        %dma_wait3A_105 = tpu.memref_slice %arg6[%dma_wait3A_103, %dma_wait3A_104] : memref<16x128xi32, #tpu.memory_space<vmem>> -> memref<1x128xi32, #tpu.memory_space<vmem>>
        %dma_wait3A_106 = tpu.memref_squeeze %dma_wait3A_105 : memref<1x128xi32, #tpu.memory_space<vmem>> -> memref<128xi32, #tpu.memory_space<vmem>>
        %dma_wait3A_107 = arith.constant 0 : i32
        %dma_wait3A_108 = arith.constant 0 : i32
        %dma_wait3A_109 = tpu.memref_slice %arg2[%dma_wait3A_107, %dma_wait3A_108] : memref<10240x128xf32, #tpu.memory_space<hbm>> -> memref<10240x128xf32, #tpu.memory_space<hbm>>
        tpu.wait_indirect_dma semaphore(%arg11 : memref<!tpu.dma_semaphore, #tpu.memory_space<semaphore_mem>>) src(%dma_wait3A_109 : memref<10240x128xf32, #tpu.memory_space<hbm>>) dst(%arg8 : memref<128x128xf32, #tpu.memory_space<vmem>>)
        %mul3A_110 = arith.constant 2 : i32
        %mul3A_111 = arith.muli %scan3A_101, %mul3A_110 : i32
        %add3A_112 = arith.constant 0 : i32
        %add3A_113 = arith.addi %mul3A_111, %add3A_112 : i32
        %dma_start3A_114 = arith.constant 0 : i32
        %dma_start3A_115 = tpu.memref_slice %arg7[%add3A_113, %dma_start3A_114] : memref<16x128xi32, #tpu.memory_space<vmem>> -> memref<1x128xi32, #tpu.memory_space<vmem>>
        %dma_start3A_116 = tpu.memref_squeeze %dma_start3A_115 : memref<1x128xi32, #tpu.memory_space<vmem>> -> memref<128xi32, #tpu.memory_space<vmem>>
        %dma_start3A_117 = arith.constant 0 : i32
        %dma_start3A_118 = arith.constant 0 : i32
        %dma_start3A_119 = tpu.memref_slice %arg10[%dma_start3A_117, %dma_start3A_118] : memref<10240x128xf32, #tpu.memory_space<vmem_shared>> -> memref<10240x128xf32, #tpu.memory_space<vmem_shared>>
        tpu.enqueue_indirect_dma source(%arg8 : memref<128x128xf32, #tpu.memory_space<vmem>>) target(%dma_start3A_119 : memref<10240x128xf32, #tpu.memory_space<vmem_shared>>) offsets(%dma_start3A_116 : memref<128xi32, #tpu.memory_space<vmem>>) semaphore(%arg13 : memref<!tpu.dma_semaphore, #tpu.memory_space<semaphore_mem>>) {add = true}
        %dma_wait3A_120 = arith.constant 0 : i32
        %dma_wait3A_121 = arith.constant 0 : i32
        %dma_wait3A_122 = tpu.memref_slice %arg6[%dma_wait3A_120, %dma_wait3A_121] : memref<16x128xi32, #tpu.memory_space<vmem>> -> memref<1x128xi32, #tpu.memory_space<vmem>>
        %dma_wait3A_123 = tpu.memref_squeeze %dma_wait3A_122 : memref<1x128xi32, #tpu.memory_space<vmem>> -> memref<128xi32, #tpu.memory_space<vmem>>
        %dma_wait3A_124 = arith.constant 0 : i32
        %dma_wait3A_125 = arith.constant 0 : i32
        %dma_wait3A_126 = tpu.memref_slice %arg2[%dma_wait3A_124, %dma_wait3A_125] : memref<10240x128xf32, #tpu.memory_space<hbm>> -> memref<10240x128xf32, #tpu.memory_space<hbm>>
        tpu.wait_indirect_dma semaphore(%arg12 : memref<!tpu.dma_semaphore, #tpu.memory_space<semaphore_mem>>) src(%dma_wait3A_126 : memref<10240x128xf32, #tpu.memory_space<hbm>>) dst(%arg9 : memref<128x128xf32, #tpu.memory_space<vmem>>)
        %mul3A_127 = arith.constant 2 : i32
        %mul3A_128 = arith.muli %scan3A_101, %mul3A_127 : i32
        %add3A_129 = arith.constant 1 : i32
        %add3A_130 = arith.addi %mul3A_128, %add3A_129 : i32
        %dma_start3A_131 = arith.constant 0 : i32
        %dma_start3A_132 = tpu.memref_slice %arg7[%add3A_130, %dma_start3A_131] : memref<16x128xi32, #tpu.memory_space<vmem>> -> memref<1x128xi32, #tpu.memory_space<vmem>>
        %dma_start3A_133 = tpu.memref_squeeze %dma_start3A_132 : memref<1x128xi32, #tpu.memory_space<vmem>> -> memref<128xi32, #tpu.memory_space<vmem>>
        %dma_start3A_134 = arith.constant 0 : i32
        %dma_start3A_135 = arith.constant 0 : i32
        %dma_start3A_136 = tpu.memref_slice %arg10[%dma_start3A_134, %dma_start3A_135] : memref<10240x128xf32, #tpu.memory_space<vmem_shared>> -> memref<10240x128xf32, #tpu.memory_space<vmem_shared>>
        tpu.enqueue_indirect_dma source(%arg9 : memref<128x128xf32, #tpu.memory_space<vmem>>) target(%dma_start3A_136 : memref<10240x128xf32, #tpu.memory_space<vmem_shared>>) offsets(%dma_start3A_133 : memref<128xi32, #tpu.memory_space<vmem>>) semaphore(%arg14 : memref<!tpu.dma_semaphore, #tpu.memory_space<semaphore_mem>>) {add = true}
        %dma_wait3A_137 = arith.constant 0 : i32
        %dma_wait3A_138 = tpu.memref_slice %arg7[%add3A_113, %dma_wait3A_137] : memref<16x128xi32, #tpu.memory_space<vmem>> -> memref<1x128xi32, #tpu.memory_space<vmem>>
        %dma_wait3A_139 = tpu.memref_squeeze %dma_wait3A_138 : memref<1x128xi32, #tpu.memory_space<vmem>> -> memref<128xi32, #tpu.memory_space<vmem>>
        %dma_wait3A_140 = arith.constant 0 : i32
        %dma_wait3A_141 = arith.constant 0 : i32
        %dma_wait3A_142 = tpu.memref_slice %arg10[%dma_wait3A_140, %dma_wait3A_141] : memref<10240x128xf32, #tpu.memory_space<vmem_shared>> -> memref<10240x128xf32, #tpu.memory_space<vmem_shared>>
        tpu.wait_indirect_dma semaphore(%arg13 : memref<!tpu.dma_semaphore, #tpu.memory_space<semaphore_mem>>) src(%arg8 : memref<128x128xf32, #tpu.memory_space<vmem>>) dst(%dma_wait3A_142 : memref<10240x128xf32, #tpu.memory_space<vmem_shared>>)
        %mul3A_143 = arith.constant 2 : i32
        %mul3A_144 = arith.muli %scan3A_101, %mul3A_143 : i32
        %add3A_145 = arith.constant 0 : i32
        %add3A_146 = arith.addi %mul3A_144, %add3A_145 : i32
        %add3A_147 = arith.constant 2 : i32
        %add3A_148 = arith.addi %add3A_146, %add3A_147 : i32
        %dma_start3A_149 = arith.constant 0 : i32
        %dma_start3A_150 = tpu.memref_slice %arg6[%add3A_148, %dma_start3A_149] : memref<16x128xi32, #tpu.memory_space<vmem>> -> memref<1x128xi32, #tpu.memory_space<vmem>>
        %dma_start3A_151 = tpu.memref_squeeze %dma_start3A_150 : memref<1x128xi32, #tpu.memory_space<vmem>> -> memref<128xi32, #tpu.memory_space<vmem>>
        %dma_start3A_152 = arith.constant 0 : i32
        %dma_start3A_153 = arith.constant 0 : i32
        %dma_start3A_154 = tpu.memref_slice %arg2[%dma_start3A_152, %dma_start3A_153] : memref<10240x128xf32, #tpu.memory_space<hbm>> -> memref<10240x128xf32, #tpu.memory_space<hbm>>
        tpu.enqueue_indirect_dma source(%dma_start3A_154 : memref<10240x128xf32, #tpu.memory_space<hbm>>) target(%arg8 : memref<128x128xf32, #tpu.memory_space<vmem>>) offsets(%dma_start3A_151 : memref<128xi32, #tpu.memory_space<vmem>>) semaphore(%arg11 : memref<!tpu.dma_semaphore, #tpu.memory_space<semaphore_mem>>)
        %dma_wait3A_155 = arith.constant 0 : i32
        %dma_wait3A_156 = tpu.memref_slice %arg7[%add3A_130, %dma_wait3A_155] : memref<16x128xi32, #tpu.memory_space<vmem>> -> memref<1x128xi32, #tpu.memory_space<vmem>>
        %dma_wait3A_157 = tpu.memref_squeeze %dma_wait3A_156 : memref<1x128xi32, #tpu.memory_space<vmem>> -> memref<128xi32, #tpu.memory_space<vmem>>
        %dma_wait3A_158 = arith.constant 0 : i32
        %dma_wait3A_159 = arith.constant 0 : i32
        %dma_wait3A_160 = tpu.memref_slice %arg10[%dma_wait3A_158, %dma_wait3A_159] : memref<10240x128xf32, #tpu.memory_space<vmem_shared>> -> memref<10240x128xf32, #tpu.memory_space<vmem_shared>>
        tpu.wait_indirect_dma semaphore(%arg14 : memref<!tpu.dma_semaphore, #tpu.memory_space<semaphore_mem>>) src(%arg9 : memref<128x128xf32, #tpu.memory_space<vmem>>) dst(%dma_wait3A_160 : memref<10240x128xf32, #tpu.memory_space<vmem_shared>>)
        %mul3A_161 = arith.constant 2 : i32
        %mul3A_162 = arith.muli %scan3A_101, %mul3A_161 : i32
        %add3A_163 = arith.constant 1 : i32
        %add3A_164 = arith.addi %mul3A_162, %add3A_163 : i32
        %add3A_165 = arith.constant 2 : i32
        %add3A_166 = arith.addi %add3A_164, %add3A_165 : i32
        %dma_start3A_167 = arith.constant 0 : i32
        %dma_start3A_168 = tpu.memref_slice %arg6[%add3A_166, %dma_start3A_167] : memref<16x128xi32, #tpu.memory_space<vmem>> -> memref<1x128xi32, #tpu.memory_space<vmem>>
        %dma_start3A_169 = tpu.memref_squeeze %dma_start3A_168 : memref<1x128xi32, #tpu.memory_space<vmem>> -> memref<128xi32, #tpu.memory_space<vmem>>
        %dma_start3A_170 = arith.constant 0 : i32
        %dma_start3A_171 = arith.constant 0 : i32
        %dma_start3A_172 = tpu.memref_slice %arg2[%dma_start3A_170, %dma_start3A_171] : memref<10240x128xf32, #tpu.memory_space<hbm>> -> memref<10240x128xf32, #tpu.memory_space<hbm>>
        tpu.enqueue_indirect_dma source(%dma_start3A_172 : memref<10240x128xf32, #tpu.memory_space<hbm>>) target(%arg9 : memref<128x128xf32, #tpu.memory_space<vmem>>) offsets(%dma_start3A_169 : memref<128xi32, #tpu.memory_space<vmem>>) semaphore(%arg12 : memref<!tpu.dma_semaphore, #tpu.memory_space<semaphore_mem>>)
        %scan3A_173 = arith.constant 0 : i32
        scf.yield %scan3A_173 : i32
      }
      %scan3A_58 = arith.constant 7 : i32
      %dma_wait3A = arith.constant 0 : i32
      %dma_wait3A_59 = arith.constant 0 : i32
      %dma_wait3A_60 = tpu.memref_slice %arg6[%dma_wait3A, %dma_wait3A_59] : memref<16x128xi32, #tpu.memory_space<vmem>> -> memref<1x128xi32, #tpu.memory_space<vmem>>
      %dma_wait3A_61 = tpu.memref_squeeze %dma_wait3A_60 : memref<1x128xi32, #tpu.memory_space<vmem>> -> memref<128xi32, #tpu.memory_space<vmem>>
      %dma_wait3A_62 = arith.constant 0 : i32
      %dma_wait3A_63 = arith.constant 0 : i32
      %dma_wait3A_64 = tpu.memref_slice %arg2[%dma_wait3A_62, %dma_wait3A_63] : memref<10240x128xf32, #tpu.memory_space<hbm>> -> memref<10240x128xf32, #tpu.memory_space<hbm>>
      tpu.wait_indirect_dma semaphore(%arg11 : memref<!tpu.dma_semaphore, #tpu.memory_space<semaphore_mem>>) src(%dma_wait3A_64 : memref<10240x128xf32, #tpu.memory_space<hbm>>) dst(%arg8 : memref<128x128xf32, #tpu.memory_space<vmem>>)
      %dma_start3A_65 = arith.constant 14 : i32
      %dma_start3A_66 = arith.constant 0 : i32
      %dma_start3A_67 = tpu.memref_slice %arg7[%dma_start3A_65, %dma_start3A_66] : memref<16x128xi32, #tpu.memory_space<vmem>> -> memref<1x128xi32, #tpu.memory_space<vmem>>
      %dma_start3A_68 = tpu.memref_squeeze %dma_start3A_67 : memref<1x128xi32, #tpu.memory_space<vmem>> -> memref<128xi32, #tpu.memory_space<vmem>>
      %dma_start3A_69 = arith.constant 0 : i32
      %dma_start3A_70 = arith.constant 0 : i32
      %dma_start3A_71 = tpu.memref_slice %arg10[%dma_start3A_69, %dma_start3A_70] : memref<10240x128xf32, #tpu.memory_space<vmem_shared>> -> memref<10240x128xf32, #tpu.memory_space<vmem_shared>>
      tpu.enqueue_indirect_dma source(%arg8 : memref<128x128xf32, #tpu.memory_space<vmem>>) target(%dma_start3A_71 : memref<10240x128xf32, #tpu.memory_space<vmem_shared>>) offsets(%dma_start3A_68 : memref<128xi32, #tpu.memory_space<vmem>>) semaphore(%arg13 : memref<!tpu.dma_semaphore, #tpu.memory_space<semaphore_mem>>) {add = true}
      %dma_wait3A_72 = arith.constant 0 : i32
      %dma_wait3A_73 = arith.constant 0 : i32
      %dma_wait3A_74 = tpu.memref_slice %arg6[%dma_wait3A_72, %dma_wait3A_73] : memref<16x128xi32, #tpu.memory_space<vmem>> -> memref<1x128xi32, #tpu.memory_space<vmem>>
      %dma_wait3A_75 = tpu.memref_squeeze %dma_wait3A_74 : memref<1x128xi32, #tpu.memory_space<vmem>> -> memref<128xi32, #tpu.memory_space<vmem>>
      %dma_wait3A_76 = arith.constant 0 : i32
      %dma_wait3A_77 = arith.constant 0 : i32
      %dma_wait3A_78 = tpu.memref_slice %arg2[%dma_wait3A_76, %dma_wait3A_77] : memref<10240x128xf32, #tpu.memory_space<hbm>> -> memref<10240x128xf32, #tpu.memory_space<hbm>>
      tpu.wait_indirect_dma semaphore(%arg12 : memref<!tpu.dma_semaphore, #tpu.memory_space<semaphore_mem>>) src(%dma_wait3A_78 : memref<10240x128xf32, #tpu.memory_space<hbm>>) dst(%arg9 : memref<128x128xf32, #tpu.memory_space<vmem>>)
      %dma_start3A_79 = arith.constant 15 : i32
      %dma_start3A_80 = arith.constant 0 : i32
      %dma_start3A_81 = tpu.memref_slice %arg7[%dma_start3A_79, %dma_start3A_80] : memref<16x128xi32, #tpu.memory_space<vmem>> -> memref<1x128xi32, #tpu.memory_space<vmem>>
      %dma_start3A_82 = tpu.memref_squeeze %dma_start3A_81 : memref<1x128xi32, #tpu.memory_space<vmem>> -> memref<128xi32, #tpu.memory_space<vmem>>
      %dma_start3A_83 = arith.constant 0 : i32
      %dma_start3A_84 = arith.constant 0 : i32
      %dma_start3A_85 = tpu.memref_slice %arg10[%dma_start3A_83, %dma_start3A_84] : memref<10240x128xf32, #tpu.memory_space<vmem_shared>> -> memref<10240x128xf32, #tpu.memory_space<vmem_shared>>
      tpu.enqueue_indirect_dma source(%arg9 : memref<128x128xf32, #tpu.memory_space<vmem>>) target(%dma_start3A_85 : memref<10240x128xf32, #tpu.memory_space<vmem_shared>>) offsets(%dma_start3A_82 : memref<128xi32, #tpu.memory_space<vmem>>) semaphore(%arg14 : memref<!tpu.dma_semaphore, #tpu.memory_space<semaphore_mem>>) {add = true}
      %dma_wait3A_86 = arith.constant 14 : i32
      %dma_wait3A_87 = arith.constant 0 : i32
      %dma_wait3A_88 = tpu.memref_slice %arg7[%dma_wait3A_86, %dma_wait3A_87] : memref<16x128xi32, #tpu.memory_space<vmem>> -> memref<1x128xi32, #tpu.memory_space<vmem>>
      %dma_wait3A_89 = tpu.memref_squeeze %dma_wait3A_88 : memref<1x128xi32, #tpu.memory_space<vmem>> -> memref<128xi32, #tpu.memory_space<vmem>>
      %dma_wait3A_90 = arith.constant 0 : i32
      %dma_wait3A_91 = arith.constant 0 : i32
      %dma_wait3A_92 = tpu.memref_slice %arg10[%dma_wait3A_90, %dma_wait3A_91] : memref<10240x128xf32, #tpu.memory_space<vmem_shared>> -> memref<10240x128xf32, #tpu.memory_space<vmem_shared>>
      tpu.wait_indirect_dma semaphore(%arg13 : memref<!tpu.dma_semaphore, #tpu.memory_space<semaphore_mem>>) src(%arg8 : memref<128x128xf32, #tpu.memory_space<vmem>>) dst(%dma_wait3A_92 : memref<10240x128xf32, #tpu.memory_space<vmem_shared>>)
      %dma_wait3A_93 = arith.constant 15 : i32
      %dma_wait3A_94 = arith.constant 0 : i32
      %dma_wait3A_95 = tpu.memref_slice %arg7[%dma_wait3A_93, %dma_wait3A_94] : memref<16x128xi32, #tpu.memory_space<vmem>> -> memref<1x128xi32, #tpu.memory_space<vmem>>
      %dma_wait3A_96 = tpu.memref_squeeze %dma_wait3A_95 : memref<1x128xi32, #tpu.memory_space<vmem>> -> memref<128xi32, #tpu.memory_space<vmem>>
      %dma_wait3A_97 = arith.constant 0 : i32
      %dma_wait3A_98 = arith.constant 0 : i32
      %dma_wait3A_99 = tpu.memref_slice %arg10[%dma_wait3A_97, %dma_wait3A_98] : memref<10240x128xf32, #tpu.memory_space<vmem_shared>> -> memref<10240x128xf32, #tpu.memory_space<vmem_shared>>
      tpu.wait_indirect_dma semaphore(%arg14 : memref<!tpu.dma_semaphore, #tpu.memory_space<semaphore_mem>>) src(%arg9 : memref<128x128xf32, #tpu.memory_space<vmem>>) dst(%dma_wait3A_99 : memref<10240x128xf32, #tpu.memory_space<vmem_shared>>)
      %scan3A_100 = arith.constant 0 : i32
      scf.yield %scan3A_100 : i32
    }
    %scan3A_33 = arith.constant 5 : i32
    %barrier3A_34 = arith.constant 0 : index
    tpu.barrier barrier_id(%barrier3A_34)
    %mul3A_35 = arith.constant 640 : i32
    %mul3A_36 = arith.muli %arg1, %mul3A_35 : i32
    "tpu.region"() ({
      %run_scoped3A = tpu.sem_alloc : memref<!tpu.dma_semaphore, #tpu.memory_space<semaphore_mem>>
      %dma_start3A = arith.constant 0 : i32
      %dma_start3A_37 = tpu.memref_slice %arg5[%arg0, %mul3A_36, %dma_start3A] : memref<2x10240x128xf32, #tpu.memory_space<hbm>> -> memref<1x640x128xf32, #tpu.memory_space<hbm>>
      %dma_start3A_38 = tpu.memref_squeeze %dma_start3A_37 : memref<1x640x128xf32, #tpu.memory_space<hbm>> -> memref<640x128xf32, #tpu.memory_space<hbm>>
      %dma_start3A_39 = arith.constant 0 : i32
      %dma_start3A_40 = tpu.memref_slice %arg10[%mul3A_36, %dma_start3A_39] : memref<10240x128xf32, #tpu.memory_space<vmem_shared>> -> memref<640x128xf32, #tpu.memory_space<vmem_shared>>
      tpu.enqueue_dma source(%dma_start3A_40 : memref<640x128xf32, #tpu.memory_space<vmem_shared>>) target(%dma_start3A_38 : memref<640x128xf32, #tpu.memory_space<hbm>>) target_semaphore(%run_scoped3A : memref<!tpu.dma_semaphore, #tpu.memory_space<semaphore_mem>>)
      %dma_wait3A = arith.constant 0 : i32
      %dma_wait3A_41 = tpu.memref_slice %arg5[%arg0, %mul3A_36, %dma_wait3A] : memref<2x10240x128xf32, #tpu.memory_space<hbm>> -> memref<1x640x128xf32, #tpu.memory_space<hbm>>
      %dma_wait3A_42 = tpu.memref_squeeze %dma_wait3A_41 : memref<1x640x128xf32, #tpu.memory_space<hbm>> -> memref<640x128xf32, #tpu.memory_space<hbm>>
      %dma_wait3A_43 = arith.constant 0 : i32
      %dma_wait3A_44 = tpu.memref_slice %arg10[%mul3A_36, %dma_wait3A_43] : memref<10240x128xf32, #tpu.memory_space<vmem_shared>> -> memref<640x128xf32, #tpu.memory_space<vmem_shared>>
      tpu.wait_dma2 semaphore(%run_scoped3A : memref<!tpu.dma_semaphore, #tpu.memory_space<semaphore_mem>>) src(%dma_wait3A_44 : memref<640x128xf32, #tpu.memory_space<vmem_shared>>) dst(%dma_wait3A_42 : memref<640x128xf32, #tpu.memory_space<hbm>>)
      tpu.yield
    }) : () -> ()
    return
  }
}

module attributes {stable_mosaic.version = 14 : i64} {
  func.func @_tc_pre_body(%arg0: i32, %arg1: memref<512x128xf32, #tpu.memory_space<vmem>>, %arg2: memref<128x128xf32, #tpu.memory_space<vmem>>, %arg3: memref<2x512x16xf32, #tpu.memory_space<vmem>>, %arg4: memref<512x128xf32, #tpu.memory_space<vmem>>) attributes {dimension_semantics = [#tpu.dimension_semantics<arbitrary>], iteration_bounds = array<i64: 20>, scalar_prefetch = 0 : i64, scratch_operands = 0 : i64, tpu.core_type = #tpu.core_type<tc>, window_params = [{transform_indices = @transform_0, window_bounds = array<i64: 512, 128>}, {pipeline_mode = #tpu.pipeline_mode<synchronous>, transform_indices = @transform_1, window_bounds = array<i64: 128, 128>}, {transform_indices = @transform_2, window_bounds = array<i64: 2, 512, 16>}, {transform_indices = @transform_3, window_bounds = array<i64: 512, 128>}]} {
    %get3A = arith.constant 0 : index
    %get3A_0 = arith.constant 0 : index
    %get3A_1 = vector.load %arg1[%get3A, %get3A_0] : memref<512x128xf32, #tpu.memory_space<vmem>>, vector<512x128xf32>
    %get3A_2 = arith.constant 0 : index
    %get3A_3 = arith.constant 0 : index
    %get3A_4 = vector.load %arg2[%get3A_2, %get3A_3] : memref<128x128xf32, #tpu.memory_space<vmem>>, vector<128x128xf32>
    %dot_general3A = arith.constant dense<0.000000e+00> : vector<512x128xf32>
    %dot_general3A_5 = tpu.matmul %get3A_1, %get3A_4, %dot_general3A {dimension_numbers = #tpu.dot_dimension_numbers<[1], [0], [0], [1], [0, 0, 1, 1], [], []>, transpose_lhs_hint = false} : vector<512x128xf32>, vector<128x128xf32>, vector<512x128xf32> -> vector<512x128xf32>
    %get3A_6 = arith.constant 0 : index
    %get3A_7 = arith.constant 0 : index
    %get3A_8 = arith.constant 0 : index
    %get3A_9 = vector.load %arg3[%get3A_6, %get3A_7, %get3A_8] : memref<2x512x16xf32, #tpu.memory_space<vmem>>, vector<1x512x1xf32>
    %get3A_10 = vector.shape_cast %get3A_9 : vector<1x512x1xf32> to vector<512x1xf32>
    %get3A_11 = arith.constant 1 : index
    %get3A_12 = arith.constant 0 : index
    %get3A_13 = arith.constant 0 : index
    %get3A_14 = vector.load %arg3[%get3A_11, %get3A_12, %get3A_13] : memref<2x512x16xf32, #tpu.memory_space<vmem>>, vector<1x512x1xf32>
    %get3A_15 = vector.shape_cast %get3A_14 : vector<1x512x1xf32> to vector<512x1xf32>
    %add3A = arith.addf %get3A_10, %get3A_15 : vector<512x1xf32>
    %add3A_16 = arith.constant 1.000000e+00 : f32
    %add3A_17 = vector.broadcast %add3A_16 : f32 to vector<512x1xf32>
    %add3A_18 = arith.addf %add3A, %add3A_17 : vector<512x1xf32>
    %rsqrt3A = math.rsqrt %add3A_18 : vector<512x1xf32>
    %mul3A = vector.broadcast %rsqrt3A : vector<512x1xf32> to vector<512x128xf32>
    %mul3A_19 = arith.mulf %dot_general3A_5, %mul3A : vector<512x128xf32>
    %swap3A = arith.constant 0 : index
    %swap3A_20 = arith.constant 0 : index
    %swap3A_21 = vector.load %arg4[%swap3A, %swap3A_20] : memref<512x128xf32, #tpu.memory_space<vmem>>, vector<512x128xf32>
    tpu.vector_store %arg4[%swap3A, %swap3A_20], %mul3A_19 {strides = array<i32>} : memref<512x128xf32, #tpu.memory_space<vmem>>, vector<512x128xf32>,
    return
  }
  func.func @transform_0(%arg0: i32) -> (i32, i32) {
    %c0_i32 = arith.constant 0 : i32
    %c0_i32_0 = arith.constant 0 : i32
    return %arg0, %c0_i32 : i32, i32
  }
  func.func @transform_1(%arg0: i32) -> (i32, i32) {
    %c0_i32 = arith.constant 0 : i32
    %c0_i32_0 = arith.constant 0 : i32
    %c0_i32_1 = arith.constant 0 : i32
    return %c0_i32, %c0_i32_0 : i32, i32
  }
  func.func @transform_2(%arg0: i32) -> (i32, i32, i32) {
    %c0_i32 = arith.constant 0 : i32
    %c0_i32_0 = arith.constant 0 : i32
    %c0_i32_1 = arith.constant 0 : i32
    return %c0_i32, %arg0, %c0_i32_0 : i32, i32, i32
  }
  func.func @transform_3(%arg0: i32) -> (i32, i32) {
    %c0_i32 = arith.constant 0 : i32
    %c0_i32_0 = arith.constant 0 : i32
    return %arg0, %c0_i32 : i32, i32
  }
}

module attributes {stable_mosaic.version = 14 : i64} {
  func.func @_tc_mid_body(%arg0: i32, %arg1: memref<2x512x128xf32, #tpu.memory_space<vmem>>, %arg2: memref<512x128xf32, #tpu.memory_space<vmem>>, %arg3: memref<2x512x16xf32, #tpu.memory_space<vmem>>, %arg4: memref<128x128xf32, #tpu.memory_space<vmem>>, %arg5: memref<1x128xf32, #tpu.memory_space<vmem>>, %arg6: memref<512x128xf32, #tpu.memory_space<vmem>>) attributes {dimension_semantics = [#tpu.dimension_semantics<arbitrary>], iteration_bounds = array<i64: 20>, scalar_prefetch = 0 : i64, scratch_operands = 0 : i64, tpu.core_type = #tpu.core_type<tc>, window_params = [{transform_indices = @transform_0, window_bounds = array<i64: 2, 512, 128>}, {transform_indices = @transform_1, window_bounds = array<i64: 512, 128>}, {transform_indices = @transform_2, window_bounds = array<i64: 2, 512, 16>}, {pipeline_mode = #tpu.pipeline_mode<synchronous>, transform_indices = @transform_3, window_bounds = array<i64: 128, 128>}, {pipeline_mode = #tpu.pipeline_mode<synchronous>, transform_indices = @transform_4, window_bounds = array<i64: 1, 128>}, {transform_indices = @transform_5, window_bounds = array<i64: 512, 128>}]} {
    %get3A = arith.constant 0 : index
    %get3A_0 = arith.constant 0 : index
    %get3A_1 = arith.constant 0 : index
    %get3A_2 = vector.load %arg3[%get3A, %get3A_0, %get3A_1] : memref<2x512x16xf32, #tpu.memory_space<vmem>>, vector<1x512x1xf32>
    %get3A_3 = vector.shape_cast %get3A_2 : vector<1x512x1xf32> to vector<512x1xf32>
    %get3A_4 = arith.constant 1 : index
    %get3A_5 = arith.constant 0 : index
    %get3A_6 = arith.constant 0 : index
    %get3A_7 = vector.load %arg3[%get3A_4, %get3A_5, %get3A_6] : memref<2x512x16xf32, #tpu.memory_space<vmem>>, vector<1x512x1xf32>
    %get3A_8 = vector.shape_cast %get3A_7 : vector<1x512x1xf32> to vector<512x1xf32>
    %add3A = arith.addf %get3A_3, %get3A_8 : vector<512x1xf32>
    %add3A_9 = arith.constant 1.000000e+00 : f32
    %add3A_10 = vector.broadcast %add3A_9 : f32 to vector<512x1xf32>
    %add3A_11 = arith.addf %add3A, %add3A_10 : vector<512x1xf32>
    %rsqrt3A = math.rsqrt %add3A_11 : vector<512x1xf32>
    %get3A_12 = arith.constant 0 : index
    %get3A_13 = arith.constant 0 : index
    %get3A_14 = arith.constant 0 : index
    %get3A_15 = vector.load %arg1[%get3A_12, %get3A_13, %get3A_14] : memref<2x512x128xf32, #tpu.memory_space<vmem>>, vector<1x512x128xf32>
    %get3A_16 = vector.shape_cast %get3A_15 : vector<1x512x128xf32> to vector<512x128xf32>
    %get3A_17 = arith.constant 1 : index
    %get3A_18 = arith.constant 0 : index
    %get3A_19 = arith.constant 0 : index
    %get3A_20 = vector.load %arg1[%get3A_17, %get3A_18, %get3A_19] : memref<2x512x128xf32, #tpu.memory_space<vmem>>, vector<1x512x128xf32>
    %get3A_21 = vector.shape_cast %get3A_20 : vector<1x512x128xf32> to vector<512x128xf32>
    %add3A_22 = arith.addf %get3A_16, %get3A_21 : vector<512x128xf32>
    %get3A_23 = arith.constant 0 : index
    %get3A_24 = arith.constant 0 : index
    %get3A_25 = vector.load %arg2[%get3A_23, %get3A_24] : memref<512x128xf32, #tpu.memory_space<vmem>>, vector<512x128xf32>
    %add3A_26 = arith.addf %add3A_22, %get3A_25 : vector<512x128xf32>
    %mul3A = vector.broadcast %rsqrt3A : vector<512x1xf32> to vector<512x128xf32>
    %mul3A_27 = arith.mulf %add3A_26, %mul3A : vector<512x128xf32>
    %get3A_28 = arith.constant 0 : index
    %get3A_29 = arith.constant 0 : index
    %get3A_30 = vector.load %arg5[%get3A_28, %get3A_29] : memref<1x128xf32, #tpu.memory_space<vmem>>, vector<1x128xf32>
    %add3A_31 = vector.broadcast %get3A_30 : vector<1x128xf32> to vector<512x128xf32>
    %add3A_32 = arith.addf %mul3A_27, %add3A_31 : vector<512x128xf32>
    %max3A = arith.constant 0.000000e+00 : f32
    %max3A_33 = vector.broadcast %max3A : f32 to vector<512x128xf32>
    %max3A_34 = arith.maximumf %add3A_32, %max3A_33 : vector<512x128xf32>
    %get3A_35 = arith.constant 0 : index
    %get3A_36 = arith.constant 0 : index
    %get3A_37 = vector.load %arg4[%get3A_35, %get3A_36] : memref<128x128xf32, #tpu.memory_space<vmem>>, vector<128x128xf32>
    %dot_general3A = arith.constant dense<0.000000e+00> : vector<512x128xf32>
    %dot_general3A_38 = tpu.matmul %max3A_34, %get3A_37, %dot_general3A {dimension_numbers = #tpu.dot_dimension_numbers<[1], [0], [0], [1], [0, 0, 1, 1], [], []>, transpose_lhs_hint = false} : vector<512x128xf32>, vector<128x128xf32>, vector<512x128xf32> -> vector<512x128xf32>
    %mul3A_39 = vector.broadcast %rsqrt3A : vector<512x1xf32> to vector<512x128xf32>
    %mul3A_40 = arith.mulf %dot_general3A_38, %mul3A_39 : vector<512x128xf32>
    %swap3A = arith.constant 0 : index
    %swap3A_41 = arith.constant 0 : index
    %swap3A_42 = vector.load %arg6[%swap3A, %swap3A_41] : memref<512x128xf32, #tpu.memory_space<vmem>>, vector<512x128xf32>
    tpu.vector_store %arg6[%swap3A, %swap3A_41], %mul3A_40 {strides = array<i32>} : memref<512x128xf32, #tpu.memory_space<vmem>>, vector<512x128xf32>,
    return
  }
  func.func @transform_0(%arg0: i32) -> (i32, i32, i32) {
    %c0_i32 = arith.constant 0 : i32
    %c0_i32_0 = arith.constant 0 : i32
    %c0_i32_1 = arith.constant 0 : i32
    return %c0_i32, %arg0, %c0_i32_0 : i32, i32, i32
  }
  func.func @transform_1(%arg0: i32) -> (i32, i32) {
    %c0_i32 = arith.constant 0 : i32
    %c0_i32_0 = arith.constant 0 : i32
    return %arg0, %c0_i32 : i32, i32
  }
  func.func @transform_2(%arg0: i32) -> (i32, i32, i32) {
    %c0_i32 = arith.constant 0 : i32
    %c0_i32_0 = arith.constant 0 : i32
    %c0_i32_1 = arith.constant 0 : i32
    return %c0_i32, %arg0, %c0_i32_0 : i32, i32, i32
  }
  func.func @transform_3(%arg0: i32) -> (i32, i32) {
    %c0_i32 = arith.constant 0 : i32
    %c0_i32_0 = arith.constant 0 : i32
    %c0_i32_1 = arith.constant 0 : i32
    return %c0_i32, %c0_i32_0 : i32, i32
  }
  func.func @transform_4(%arg0: i32) -> (i32, i32) {
    %c0_i32 = arith.constant 0 : i32
    %c0_i32_0 = arith.constant 0 : i32
    %c0_i32_1 = arith.constant 0 : i32
    return %c0_i32, %c0_i32_0 : i32, i32
  }
  func.func @transform_5(%arg0: i32) -> (i32, i32) {
    %c0_i32 = arith.constant 0 : i32
    %c0_i32_0 = arith.constant 0 : i32
    return %arg0, %c0_i32 : i32, i32
  }
}

module attributes {stable_mosaic.version = 14 : i64} {
  func.func @_tc_post_body(%arg0: i32, %arg1: memref<2x512x128xf32, #tpu.memory_space<vmem>>, %arg2: memref<512x128xf32, #tpu.memory_space<vmem>>, %arg3: memref<2x512x16xf32, #tpu.memory_space<vmem>>, %arg4: memref<1x128xf32, #tpu.memory_space<vmem>>, %arg5: memref<512x128xf32, #tpu.memory_space<vmem>>) attributes {dimension_semantics = [#tpu.dimension_semantics<arbitrary>], iteration_bounds = array<i64: 20>, scalar_prefetch = 0 : i64, scratch_operands = 0 : i64, tpu.core_type = #tpu.core_type<tc>, window_params = [{transform_indices = @transform_0, window_bounds = array<i64: 2, 512, 128>}, {transform_indices = @transform_1, window_bounds = array<i64: 512, 128>}, {transform_indices = @transform_2, window_bounds = array<i64: 2, 512, 16>}, {pipeline_mode = #tpu.pipeline_mode<synchronous>, transform_indices = @transform_3, window_bounds = array<i64: 1, 128>}, {transform_indices = @transform_4, window_bounds = array<i64: 512, 128>}]} {
    %get3A = arith.constant 0 : index
    %get3A_0 = arith.constant 0 : index
    %get3A_1 = arith.constant 0 : index
    %get3A_2 = vector.load %arg3[%get3A, %get3A_0, %get3A_1] : memref<2x512x16xf32, #tpu.memory_space<vmem>>, vector<1x512x1xf32>
    %get3A_3 = vector.shape_cast %get3A_2 : vector<1x512x1xf32> to vector<512x1xf32>
    %get3A_4 = arith.constant 1 : index
    %get3A_5 = arith.constant 0 : index
    %get3A_6 = arith.constant 0 : index
    %get3A_7 = vector.load %arg3[%get3A_4, %get3A_5, %get3A_6] : memref<2x512x16xf32, #tpu.memory_space<vmem>>, vector<1x512x1xf32>
    %get3A_8 = vector.shape_cast %get3A_7 : vector<1x512x1xf32> to vector<512x1xf32>
    %add3A = arith.addf %get3A_3, %get3A_8 : vector<512x1xf32>
    %add3A_9 = arith.constant 1.000000e+00 : f32
    %add3A_10 = vector.broadcast %add3A_9 : f32 to vector<512x1xf32>
    %add3A_11 = arith.addf %add3A, %add3A_10 : vector<512x1xf32>
    %rsqrt3A = math.rsqrt %add3A_11 : vector<512x1xf32>
    %get3A_12 = arith.constant 0 : index
    %get3A_13 = arith.constant 0 : index
    %get3A_14 = arith.constant 0 : index
    %get3A_15 = vector.load %arg1[%get3A_12, %get3A_13, %get3A_14] : memref<2x512x128xf32, #tpu.memory_space<vmem>>, vector<1x512x128xf32>
    %get3A_16 = vector.shape_cast %get3A_15 : vector<1x512x128xf32> to vector<512x128xf32>
    %get3A_17 = arith.constant 1 : index
    %get3A_18 = arith.constant 0 : index
    %get3A_19 = arith.constant 0 : index
    %get3A_20 = vector.load %arg1[%get3A_17, %get3A_18, %get3A_19] : memref<2x512x128xf32, #tpu.memory_space<vmem>>, vector<1x512x128xf32>
    %get3A_21 = vector.shape_cast %get3A_20 : vector<1x512x128xf32> to vector<512x128xf32>
    %add3A_22 = arith.addf %get3A_16, %get3A_21 : vector<512x128xf32>
    %get3A_23 = arith.constant 0 : index
    %get3A_24 = arith.constant 0 : index
    %get3A_25 = vector.load %arg2[%get3A_23, %get3A_24] : memref<512x128xf32, #tpu.memory_space<vmem>>, vector<512x128xf32>
    %add3A_26 = arith.addf %add3A_22, %get3A_25 : vector<512x128xf32>
    %mul3A = vector.broadcast %rsqrt3A : vector<512x1xf32> to vector<512x128xf32>
    %mul3A_27 = arith.mulf %add3A_26, %mul3A : vector<512x128xf32>
    %get3A_28 = arith.constant 0 : index
    %get3A_29 = arith.constant 0 : index
    %get3A_30 = vector.load %arg4[%get3A_28, %get3A_29] : memref<1x128xf32, #tpu.memory_space<vmem>>, vector<1x128xf32>
    %add3A_31 = vector.broadcast %get3A_30 : vector<1x128xf32> to vector<512x128xf32>
    %add3A_32 = arith.addf %mul3A_27, %add3A_31 : vector<512x128xf32>
    %swap3A = arith.constant 0 : index
    %swap3A_33 = arith.constant 0 : index
    %swap3A_34 = vector.load %arg5[%swap3A, %swap3A_33] : memref<512x128xf32, #tpu.memory_space<vmem>>, vector<512x128xf32>
    tpu.vector_store %arg5[%swap3A, %swap3A_33], %add3A_32 {strides = array<i32>} : memref<512x128xf32, #tpu.memory_space<vmem>>, vector<512x128xf32>,
    return
  }
  func.func @transform_0(%arg0: i32) -> (i32, i32, i32) {
    %c0_i32 = arith.constant 0 : i32
    %c0_i32_0 = arith.constant 0 : i32
    %c0_i32_1 = arith.constant 0 : i32
    return %c0_i32, %arg0, %c0_i32_0 : i32, i32, i32
  }
  func.func @transform_1(%arg0: i32) -> (i32, i32) {
    %c0_i32 = arith.constant 0 : i32
    %c0_i32_0 = arith.constant 0 : i32
    return %arg0, %c0_i32 : i32, i32
  }
  func.func @transform_2(%arg0: i32) -> (i32, i32, i32) {
    %c0_i32 = arith.constant 0 : i32
    %c0_i32_0 = arith.constant 0 : i32
    %c0_i32_1 = arith.constant 0 : i32
    return %c0_i32, %arg0, %c0_i32_0 : i32, i32, i32
  }
  func.func @transform_3(%arg0: i32) -> (i32, i32) {
    %c0_i32 = arith.constant 0 : i32
    %c0_i32_0 = arith.constant 0 : i32
    %c0_i32_1 = arith.constant 0 : i32
    return %c0_i32, %c0_i32_0 : i32, i32
  }
  func.func @transform_4(%arg0: i32) -> (i32, i32) {
    %c0_i32 = arith.constant 0 : i32
    %c0_i32_0 = arith.constant 0 : i32
    return %arg0, %c0_i32 : i32, i32
  }
}

</mosaic_0001>

<sc_bundles>
// kernel: kernel.11.cloned.1.call-start
scs
__scs_entry_jumppad:
0x0: {  	(pc) =	sbr.rel $0x88, $3  }
0x1: {  	(tag) =	ssettag $0x0;
	lr =	simm.s32 $0x1  }
0x2: {  	[smem:$0x3F9B] =	sst lr;
	_ =	strace $0xD0000000  }
0x3: {  	_ = 	snop  }
0x4: {  	_ = 	snop  }
0x5: {  	_ = 	snop  }
0x6: {  	_ = 	snop  }
0x7: {  	_ = 	snop  }
__scs_overlays_trampoline_lowered:
0x8: {  	[smem:$0x3FAA] =	sst s0  }
0x9: {  	[smem:$0x3FAB] =	sst s1  }
0xa: {  	[smem:$0x3FAC] =	sst s2  }
0xb: {  	[smem:$0x3FAD] =	sst s3  }
0xc: {  	[smem:$0x3FAE] =	sst s4  }
0xd: {  	[smem:$0x3FAF] =	sst s5  }
0xe: {  	[smem:$0x3FB0] =	sst s6  }
0xf: {  	[smem:$0x3FB1] =	sst s7  }
0x10: {  	[smem:$0x3FB2] =	sst s8  }
0x11: {  	[smem:$0x3FB3] =	sst s9;
	s0 =	simm.s32 @!p0 $0x0  }
0x12: {  	s1 =	sld [smem:$0x3F99];
	s0 =	simm.s32 @p0 $0x1  }
0x13: {  	[smem:$0x3FB4] =	sst s0;
	s0 =	simm.s32 @!p1 $0x0  }
0x14: {  	s2 =	sld [smem:$0x3F98];
	s0 =	simm.s32 @p1 $0x1  }
0x15: {  	[smem:$0x3FB5] =	sst s0;
	s0 =	simm.s32 @!p2 $0x0  }
0x16: {  	s3 =	sld [smem:$0x3FDB];
	s0 =	simm.s32 @p2 $0x1  }
0x17: {  	s4 =	simm.s32 $0x1BF5;
	[smem:$0x3FB7] =	sst s0  }
0x18: {  	s0 =	sld [smem:$0x3F9A];
	_ =	swait.ge [sflag:s4], $0x0  }
0x19: {  	s7 =	sld [smem:$0x3F9B]  }
0x1a: {  	s8 =	sadd.s32 $0xFFFFE003, lr  }
0x1b: {  	s9 =	sadd.s32 $0xFFFFFEF7, lr;
	s5 =	simm.s32 $0xFFFFFFFF;
	p2 =	slt.u32 s8, $0xFFFFF086  }
0x1c: {  	p1 =	slt.u32 s9, $0xF7A;
	s5 =	simm.s32 @!p2 $0x0  }
0x1d: {  	s5 =	simm.s32 @p1 $0x1;
	p0 =	seq.s32 s7, s2  }
0x1e: {  	s7 =	smul.u32 @!p0 $0xF7A, s2;
	p2 =	seq.s32 @!p0 s5, $0x0  }
0x1f: {  	s9 =	smul.u32 $0xF7A, s1;
	s8 =	simm.s32 @!p0 $0x1BF5;
	p2 =	por !p2, p0  }
0x20: {  	[sflag:s8] =	ssyncset.s32 @!p0 $0xFFFFF086;
	s6 =	sadd.s32 @!p0 s3, s7;
	s7 =	simm.s32 @!p0 $0x108  }
0x21: {  	s3 =	sadd.s32 s3, s9;
	s6 =	sadd.s32 @!p0 $0x88, s6;
	s7 =	simm.s32 @p2 $0x1082  }
0x22: {  	[simem:s7], [sflag:s8] =	dma.local @!p0 [hbm:s6], $0xF7A  }
0x23: {  	s9 =	sor.u32 $0xD0000000, s2;
	s6 =	simm.s32 $0x108;
	_ =	swait.ge @!p0 [sflag:s8], $0x0  }
0x24: {  	s3 =	sadd.s32 $0x88, s3;
	s6 =	simm.s32 @!p1 $0x1082;
	[sflag:s4] =	ssyncset.s32 $0xFFFFF086  }
0x25: {  	[simem:s6], [sflag:s4] =	dma.local [hbm:s3], $0xF7A  }
0x26: {  	[smem:$0x3F9B] =	sst s1;
	(tag) =	ssettag s2;
	_ =	strace s9  }
0x27: {  	s1 =	sld [smem:$0x3FAB]  }
0x28: {  	s2 =	sld [smem:$0x3FAC]  }
0x29: {  	s4 =	sld [smem:$0x3FAE]  }
0x2a: {  	p0 =	seq.s32 s5, $0x0;
	s5 =	sld [smem:$0x3FAF]  }
0x2b: {  	s6 =	sld [smem:$0x3FB0]  }
0x2c: {  	s7 =	sld [smem:$0x3FB1]  }
0x2d: {  	s3 =	simm.s32 $0x108;
	s8 =	sld [smem:$0x3FB2]  }
0x2e: {  	s3 =	simm.s32 @!p0 $0x1082;
	s9 =	sld [smem:$0x3FB3]  }
0x2f: {  	lr =	sadd.s32 s0, s3;
	s0 =	sld [smem:$0x3FAA]  }
0x30: {  	s3 =	sld [smem:$0x3FAD]  }
0x31: {  	[smem:$0x3FB6] =	sst s10  }
0x32: {  	s10 =	sld [smem:$0x3FB4];
	_ =	sdelay $0x3  }
0x33: {  	p0 =	seq.s32 s10, $0x1;
	s10 =	sld [smem:$0x3FB6];
	_ =	sdelay $0x3  }
0x34: {  	[smem:$0x3FB6] =	sst s10  }
0x35: {  	s10 =	sld [smem:$0x3FB5];
	_ =	sdelay $0x3  }
0x36: {  	p1 =	seq.s32 s10, $0x1;
	s10 =	sld [smem:$0x3FB6];
	_ =	sdelay $0x3  }
0x37: {  	[smem:$0x3FB6] =	sst s10  }
0x38: {  	s10 =	sld [smem:$0x3FB7]  }
0x39: {  	_ = 	snop;
	(pc) =	sbr.ind lr, $3  }
0x3a: {  	_ = 	snop  }
0x3b: {  	_ = 	snop  }
0x3c: {  	p2 =	seq.s32 s10, $0x1;
	s10 =	sld [smem:$0x3FB6]  }
0x3d: {  	_ =	shalt  }
0x3e: {  	_ =	shalt  }
0x3f: {  	_ =	shalt  }
0x40: {  	_ =	shalt  }
0x41: {  	_ =	shalt  }
0x42: {  	_ =	shalt  }
0x43: {  	_ =	shalt  }
0x44: {  	_ =	shalt  }
0x45: {  	_ =	shalt  }
0x46: {  	_ =	shalt  }
0x47: {  	_ =	shalt  }
0x48: {  	_ =	shalt  }
0x49: {  	_ =	shalt  }
0x4a: {  	_ =	shalt  }
0x4b: {  	_ =	shalt  }
0x4c: {  	_ =	shalt  }
0x4d: {  	_ =	shalt  }
0x4e: {  	_ =	shalt  }
0x4f: {  	_ =	shalt  }
0x50: {  	_ =	shalt  }
0x51: {  	_ =	shalt  }
0x52: {  	_ =	shalt  }
0x53: {  	_ =	shalt  }
0x54: {  	_ =	shalt  }
0x55: {  	_ =	shalt  }
0x56: {  	_ =	shalt  }
0x57: {  	_ =	shalt  }
0x58: {  	_ =	shalt  }
0x59: {  	_ =	shalt  }
0x5a: {  	_ =	shalt  }
0x5b: {  	_ =	shalt  }
0x5c: {  	_ =	shalt  }
0x5d: {  	_ =	shalt  }
0x5e: {  	_ =	shalt  }
0x5f: {  	_ =	shalt  }
0x60: {  	_ =	shalt  }
0x61: {  	_ =	shalt  }
0x62: {  	_ =	shalt  }
0x63: {  	_ =	shalt  }
0x64: {  	_ =	shalt  }
0x65: {  	_ =	shalt  }
0x66: {  	_ =	shalt  }
0x67: {  	_ =	shalt  }
0x68: {  	_ =	shalt  }
0x69: {  	_ =	shalt  }
0x6a: {  	_ =	shalt  }
0x6b: {  	_ =	shalt  }
0x6c: {  	_ =	shalt  }
0x6d: {  	_ =	shalt  }
0x6e: {  	_ =	shalt  }
0x6f: {  	_ =	shalt  }
0x70: {  	_ =	shalt  }
0x71: {  	_ =	shalt  }
0x72: {  	_ =	shalt  }
0x73: {  	_ =	shalt  }
0x74: {  	_ =	shalt  }
0x75: {  	_ =	shalt  }
0x76: {  	_ =	shalt  }
0x77: {  	_ =	shalt  }
0x78: {  	_ =	shalt  }
0x79: {  	_ =	shalt  }
0x7a: {  	_ =	shalt  }
0x7b: {  	_ =	shalt  }
0x7c: {  	_ =	shalt  }
0x7d: {  	_ =	shalt  }
0x7e: {  	_ =	shalt  }
0x7f: {  	_ =	shalt  }
0x80: {  	_ =	shalt  }
0x81: {  	_ =	shalt  }
0x82: {  	_ =	shalt  }
0x83: {  	_ =	shalt  }
0x84: {  	_ =	shalt  }
0x85: {  	_ =	shalt  }
0x86: {  	_ =	shalt  }
0x87: {  	_ =	shalt  }
.Lfunc_end0:
.L_simem_size_0:
called_computation.1_lowered:
.L_overlay_start_0:
0x88: {  	s2 =	sld [smem:$0x3FD9]  }
0x89: {  	s3 =	sld [smem:$0x3FFE];
	_ =	sdelay $0x1  }
0x8a: {  	s1 =	srdreg.scid  }
0x8b: {  	s0 =	sand.u32 $0x1, s1  }
0x8c: {  	s17 =	sshll.u32 s0, $0xA;
	s2 =	sadd.s32 s3, s2  }
0x8d: {  	s2 =	sadd.s32 s2, s17  }
0x8e: {  	[smem:$0x3FC2] =	sst s2  }
0x8f: {  	_ = 	snop  }
0x90: {  	s2 =	sld [smem:$0x3FD0];
	(tm) =	ssettm $0x1  }
0x91: {  	s18 =	sld [smem:$0x3FFB];
	_ =	sdelay $0x3  }
0x92: {  	_ =	strace s18  }
0x93: {  	s3 =	sld [smem:$0x3FFC];
	_ =	sdelay $0x3  }
0x94: {  	_ =	strace s3  }
0x95: {  	s3 =	sld [smem:$0x3FFD];
	_ =	sdelay $0x3  }
0x96: {  	_ =	strace s3  }
0x97: {  	_ =	strace $0x8FFFFFFF  }
0x98: {  	s19 =	sld [smem:$0x3FDB];
	_ =	sdelay $0x1  }
0x99: {  	s4 =	simm.s32 $_scs_section_size  }
0x9a: {  	s5 =	simm.s32 $_size__tile_overlayer_lowered;
	s6 =	simm.s32 $_tile_overlayer_lowered  }
0x9b: {  	s22 =	simm.s32 $0x1BFF;
	s21 =	sshll.u32 s6, $0x1;
	s3 =	sadd.s32 s4, s19  }
0x9c: {  	s7 =	simm.s32 $0x0;
	s20 =	sshll.u32 s5, $0x1;
	s5 =	sadd.s32 s21, s3  }
0x9d: {  	[timem:s7], [sflag:s22] =	dma.local [hbm:s5], s20  }
0x9e: {  	_ =	swait.ge [sflag:s22], s20  }
0x9f: {  	s4 =	ssub.s32 $0x0, s20;
	[sflag:s22] =	ssyncset.done $0x0  }
0xa0: {  	[sflag:s22] =	ssyncadd.s32 s4;
	_ =	sdelay $0x1  }
0xa1: {  	s23 =	simm.s32 $0x1B8B  }
0xa2: {  	_ =	swait.ge [sflag:s23], $0x1  }
0xa3: {  	[sflag:s23] =	ssyncset.done $0x0  }
0xa4: {  	s25 =	simm.s32 $0x1B8E;
	s24 =	sld [smem:$0x3FFE];
	[sflag:s23] =	ssyncadd.s32 $0xFFFFFFFF  }
0xa5: {  	s26 =	simm.s32 $execute0_lowered;
	[smem:$0x3FD2] =	sst s25  }
0xa6: {  	s5 =	sshll.u32 s26, $0x1;
	_ =	strace $0x80000049;
	[dreg:$0x1] =	wrdreg $0xFFFFFFFF  }
0xa7: {  	s28 =	simm.s32 $_size_execute0_lowered;
	s3 =	sadd.s32 s3, s5;
	[dreg:$0x0] =	wrdreg $0x0  }
0xa8: {  	s5 =	sshll.u32 s28, $0x1;
	[dreg:$0x2] =	wrdreg s3  }
0xa9: {  	[dreg:$0x3] =	wrdreg s5  }
0xaa: {  	[dreg:$0x4] =	wrdreg $0xC0  }
0xab: {  	_ =	task [dreg:s7], $0x5FFFF  }
0xac: {  	[dreg:$0x1] =	wrdreg $0xFFFFFFFF  }
0xad: {  	[dreg:$0x0] =	wrdreg $0x60  }
0xae: {  	[dreg:$0x2] =	wrdreg s24  }
0xaf: {  	[dreg:$0x3] =	wrdreg s2  }
0xb0: {  	[dreg:$0x4] =	wrdreg $0x90000  }
0xb1: {  	[dreg:$0x5] =	wrdreg $0x9  }
0xb2: {  	_ =	task.clear_ibuf [dreg:s7], $0x6FFFF;
	_ =	strace $0x90000049  }
0xb3: {  	s29 =	simm.s32 $0x9;
	_ =	strace $0x8000004B  }
0xb4: {  	_ =	swait.ge [sflag:s29], $0x1  }
0xb5: {  	[sflag:s29] =	ssyncadd.s32 $0xFFFFFFFF  }
0xb6: {  	_ =	strace $0x9000004B  }
0xb7: {  	_ =	sfence  }
0xb8: {  	s30 =	sld [smem:$0x0];
	_ =	sdelay $0x2  }
0xb9: {  	s31 =	sshll.u32 s1, $0xD;
	s1 =	sshrl.u32 s1, $0x2  }
0xba: {  	s3 =	sand.u32 $0x4000, s31;
	s1 =	sadd.s32 s1, s30  }
0xbb: {  	s0 =	sor.u32 s3, s0;
	s1 =	sshll.u32 s1, $0x11  }
0xbc: {  	s0 =	sor.u32 s1, s0  }
0xbd: {  	s0 =	sadd.s32 $0x8F2B, s0  }
0xbe: {  	[sflag:s0] =	ssyncadd.remote.s32 $0x1  }
0xbf: {  	_ =	sfence.sel $0xFFFF  }
0xc0: {  	[dreg:$0x0] =	wrdreg $0xFFFFFFFF;
	(pc) =	sbr.abs _section_cstart, $3  }
0xc1: {  	[dreg:$0x1] =	wrdreg $0xFFFFFFFF  }
0xc2: {  	_ =	task.clear_ibuf [dreg:s7], $0x2FFFF;
	_ =	strace $0x9FFFFFFF  }
0xc3: {  	(tm) =	ssettm $0x7FFFFFFF  }
tec
execute0_lowered:
.L_overlay_start_1:
0x0: {  	(tag) =	ssettag $0x1  }
0x1: {  	s0 =	rddreg [dreg:$0x0]  }
0x2: {  	s1 =	srdreg.scid;
	s5 =	rddreg [dreg:$0x1]  }
0x3: {  	s9 =	stileid.u32;
	s2 =	rddreg [dreg:$0x2];
	s3 =	simm.s32 $0x0  }
0x4: {  	s11 =	simm.s32 $0x880;
	s13 =	simm.s32 $0x100;
	s15 =	simm.s32 $0x180  }
0x5: {  	s16 =	simm.s32 $0x900;
	s17 =	simm.s32 $0x980;
	s18 =	simm.s32 $0x200  }
0x6: {  	s19 =	simm.s32 $0x280;
	s20 =	simm.s32 $0xA00;
	[smem:$0x7FF] =	sst s3  }
0x7: {  	s21 =	simm.s32 $0xA80;
	_ =	strace $0x8000004A;
	[dreg:$0x6] =	wrdreg s11  }
0x8: {  	s22 =	simm.s32 $0x300;
	s28 =	simm.s32 $0xD80;
	[dreg:$0x7] =	wrdreg s13  }
0x9: {  	s29 =	simm.s32 $0x600;
	s4 =	smul.u32 $0x5000, s9;
	[dreg:$0x8] =	wrdreg s15  }
0xa: {  	s30 =	simm.s32 $0x680;
	s8 =	smul.u32 $0x14000, s9;
	[dreg:$0x9] =	wrdreg s16  }
0xb: {  	s1 =	sand.u32 $0x1, s1;
	s23 =	smul.u32 $0x50000, s9;
	[dreg:$0xa] =	wrdreg s17  }
0xc: {  	s31 =	simm.s32 $0xE00;
	s6 =	smul.u32 $0x2800, s1;
	[dreg:$0xb] =	wrdreg s18  }
0xd: {  	s9 =	simm.s32 $0x0;
	s7 =	smul.u32 $0x140000, s1;
	[dreg:$0xc] =	wrdreg s19  }
0xe: {  	s1 =	ssub.s32 $0x2, s1;
	s13 =	simm.s32 $0x5;
	[dreg:$0xd] =	wrdreg s20  }
0xf: {  	s15 =	simm.s32 $0x80;
	[dreg:$0xe] =	wrdreg s21;
	s16 =	simm.s32 $0x5000  }
0x10: {  	[dreg:$0xf] =	wrdreg s22;
	s17 =	simm.s32 $0x1;
	s18 =	simm.s32 $0x2  }
0x11: {  	s19 =	simm.s32 $0x3;
	s20 =	simm.s32 $0x4;
	s21 =	simm.s32 $0x480  }
0x12: {  	s22 =	simm.s32 $0xC00;
	s25 =	sshrl.u32 s1, $0x1;
	s26 =	sshrl.u32 s23, $0x2  }
0x13: {  	s23 =	simm.s32 $0x380;
	s6 =	sadd.s32 s6, s4;
	s4 =	sadd.s32 $0x5C800, s0  }
0x14: {  	s7 =	sadd.s32 s8, s7;
	s1 =	ssub.s32 s1, s25;
	s8 =	sadd.s32 s26, s2  }
0x15: {  	[dreg:$0x10] =	wrdreg s23;
	s25 =	simm.s32 $0xB80;
	s26 =	simm.s32 $0x400  }
0x16: {  	s23 =	simm.s32 $0xC80;
	s6 =	sshrl.u32 s6, $0x3;
	[dreg:$0x14] =	wrdreg s8  }
0x17: {  	s7 =	sshrl.u32 s7, $0x3;
	s12 =	sadd.s32 $0x8000, s8;
	[dreg:$0x12] =	wrdreg s25  }
0x18: {  	s14 =	sadd.s32 $0xC000, s8;
	s1 =	smax.u32 s1, $0x1;
	[dreg:$0x13] =	wrdreg s26  }
0x19: {  	s25 =	simm.s32 $0x580;
	s26 =	simm.s32 $0xD00;
	[dreg:$0x16] =	wrdreg s12  }
0x1a: {  	s24 =	sadd.s32 s6, s0;
	s0 =	sadd.s32 s7, s0;
	[dreg:$0x17] =	wrdreg s14  }
0x1b: {  	s5 =	sadd.s32 s6, s5;
	s7 =	sadd.s32 $0x4000, s8;
	[dreg:$0x1a] =	wrdreg s1  }
0x1c: {  	s6 =	sadd.s32 $0x10000, s8;
	s12 =	simm.s32 $0x1000;
	[dreg:$0x4] =	wrdreg s5  }
0x1d: {  	s14 =	simm.s32 $0x800;
	s1 =	simm.s32 $0xE80;
	[dreg:$0x15] =	wrdreg s7  }
0x1e: {  	s8 =	simm.s32 $0xF80;
	s10 =	sadd.s32 $0x52800, s24;
	[dreg:$0x18] =	wrdreg s6  }
0x1f: {  	s0 =	sadd.s32 $0x84800, s0;
	s24 =	simm.s32 $0xB00;
	[dreg:$0x5] =	wrdreg s10  }
0x20: {  	s6 =	simm.s32 $0x780;
	s7 =	simm.s32 $0xF00;
	[dreg:$0x19] =	wrdreg s0  }
0x21: {  	v0 =	vimm.f32 $0.0e+00;
	[dreg:$0x11] =	wrdreg s24;
	s24 =	simm.s32 $0x500;
	s0 =	simm.s32 $0x700  }
.LBB2_1:
0x22: {  	s10 =	simm.s32 $0x0;
	s11 =	simm.s32 $0x200  }
.LBB2_2:
0x23: {  	p0 =	sne.s32 s11, $0xFE00;
	[tilespmem:s10+$0x1070] =	vst v0  }
0x24: {  	[tilespmem:s10+$0x1000] =	vst v0  }
0x25: {  	[tilespmem:s10+$0x1010] =	vst v0  }
.Ltmp0:
0x26: {  	[tilespmem:s10+$0x1020] =	vst v0;
	(pc) =	sbr.rel @p0 .LBB2_2-.Ltmp0, $4  }
0x27: {  	[tilespmem:s10+$0x1030] =	vst v0  }
0x28: {  	[tilespmem:s10+$0x1040] =	vst v0  }
0x29: {  	[tilespmem:s10+$0x1050] =	vst v0  }
0x2a: {  	[tilespmem:s10+$0x1060] =	vst v0;
	s10 =	sshra.s32 s11, $0x2;
	s11 =	sadd.s32 $0x200, s11  }
0x2b: {  	[tilespmem:s10+$0x1070] =	vst v0  }
0x2c: {  	[tilespmem:s10+$0x1000] =	vst v0  }
0x2d: {  	[tilespmem:s10+$0x1010] =	vst v0  }
0x2e: {  	[tilespmem:s10+$0x1020] =	vst v0  }
0x2f: {  	[tilespmem:s10+$0x1030] =	vst v0  }
0x30: {  	[tilespmem:s10+$0x1040] =	vst v0  }
0x31: {  	[dreg:$0x1b] =	wrdreg s9;
	[tilespmem:s10+$0x1050] =	vst v0  }
0x32: {  	[tilespmem:s10+$0x1060] =	vst v0;
	s5 =	rddreg [dreg:$0x14]  }
0x33: {  	[spmem:s5] =	stream.linear.scatter [tilespmem:s12], [sflag:$0x5], $0x4000, $0x38;
	[tilespmem:$0x1D000] =	vst v63  }
0x34: {  	_ =	swait.ge [sflag:s13], $0x4000  }
0x35: {  	[sflag:s13] =	ssyncset.done $0x0  }
0x36: {  	s10 =	rddreg [dreg:$0x15];
	[sflag:s13] =	ssyncadd.s32 $0xFFFFC000  }
0x37: {  	[spmem:s10] =	stream.linear.scatter [tilespmem:s12], [sflag:$0x5], $0x4000, $0x38;
	[tilespmem:$0x1D000] =	vst v63  }
0x38: {  	_ =	swait.ge [sflag:s13], $0x4000  }
0x39: {  	[sflag:s13] =	ssyncset.done $0x0  }
0x3a: {  	s11 =	rddreg [dreg:$0x16];
	[sflag:s13] =	ssyncadd.s32 $0xFFFFC000  }
0x3b: {  	[spmem:s11] =	stream.linear.scatter [tilespmem:s12], [sflag:$0x5], $0x4000, $0x38;
	[tilespmem:$0x1D000] =	vst v63  }
0x3c: {  	_ =	swait.ge [sflag:s13], $0x4000  }
0x3d: {  	[sflag:s13] =	ssyncset.done $0x0  }
0x3e: {  	s9 =	rddreg [dreg:$0x17];
	[sflag:s13] =	ssyncadd.s32 $0xFFFFC000  }
0x3f: {  	[spmem:s9] =	stream.linear.scatter [tilespmem:s12], [sflag:$0x5], $0x4000, $0x38;
	[tilespmem:$0x1D000] =	vst v63  }
0x40: {  	_ =	swait.ge [sflag:s13], $0x4000  }
0x41: {  	[sflag:s13] =	ssyncset.done $0x0  }
0x42: {  	s10 =	rddreg [dreg:$0x18];
	[sflag:s13] =	ssyncadd.s32 $0xFFFFC000  }
0x43: {  	[spmem:s10] =	stream.linear.scatter [tilespmem:s12], [sflag:$0x5], $0x4000, $0x38;
	[tilespmem:$0x1D000] =	vst v63  }
0x44: {  	_ =	swait.ge [sflag:s13], $0x4000  }
0x45: {  	[sflag:s13] =	ssyncset.done $0x0  }
0x46: {  	[sflag:s13] =	ssyncadd.s32 $0xFFFFC000  }
0x47: {  	[bflag:$0x0] =	sbarrier.arrive $0xFFFF  }
0x48: {  	s11 =	rddreg [dreg:$0x5]  }
0x49: {  	s5 =	sadd.s32 $0x0, s11  }
0x4a: {  	[tilespmem:s3], [sflag:$0x5] =	stream.linear.gather [hbm4b:s5+s3], $0x800, $0x38;
	[tilespmem:$0x1D000] =	vst v63  }
0x4b: {  	_ =	swait.ge [sflag:s13], $0x800  }
0x4c: {  	s9 =	rddreg [dreg:$0x4];
	[sflag:s13] =	ssyncset.done $0x0  }
0x4d: {  	[sflag:s13] =	ssyncadd.s32 $0xFFFFF800;
	s5 =	sadd.s32 $0x0, s9  }
0x4e: {  	[tilespmem:s14], [sflag:$0x5] =	stream.linear.gather [hbm4b:s5+s3], $0x800, $0x38;
	[tilespmem:$0x1D000] =	vst v63  }
0x4f: {  	_ =	swait.ge [sflag:s13], $0x800  }
0x50: {  	[sflag:s13] =	ssyncset.done $0x0  }
0x51: {  	[sflag:s13] =	ssyncadd.s32 $0xFFFFF800  }
0x52: {  	[tilespmem:s12], [sflag:$0x1] =	stream.indirect.gather [hbm4b:s4+s15], $0x80, s3, s15, $0xb8;
	[tilespmem:$0x1D000] =	vst v63  }
0x53: {  	_ = 	snop  }
0x54: {  	[tilespmem:s16], [sflag:$0x2] =	stream.indirect.gather [hbm4b:s4+s15], $0x80, s15, s15, $0xb8;
	[tilespmem:$0x1D000] =	vst v63  }
0x55: {  	_ =	swait.ge [sflag:s17], $0x4000  }
0x56: {  	[sflag:s17] =	ssyncset.done $0x0  }
0x57: {  	[sflag:s17] =	ssyncadd.s32 $0xFFFFC000  }
0x58: {  	[spmem:s2] =	stream.indirect.scatter.add.f32 [tilespmem:s12], [sflag:$0x3], $0x80, s14, s15, $0xb8;
	[tilespmem:$0x1D000] =	vst v63  }
0x59: {  	_ =	swait.ge [sflag:s18], $0x4000  }
0x5a: {  	[sflag:s18] =	ssyncset.done $0x0  }
0x5b: {  	s10 =	rddreg [dreg:$0x6];
	[sflag:s18] =	ssyncadd.s32 $0xFFFFC000  }
0x5c: {  	[spmem:s2] =	stream.indirect.scatter.add.f32 [tilespmem:s16], [sflag:$0x4], $0x80, s10, s15, $0xb8;
	[tilespmem:$0x1D000] =	vst v63  }
0x5d: {  	_ =	swait.ge [sflag:s19], $0x4000  }
0x5e: {  	[sflag:s19] =	ssyncset.done $0x0  }
0x5f: {  	s11 =	rddreg [dreg:$0x7];
	[sflag:s19] =	ssyncadd.s32 $0xFFFFC000  }
0x60: {  	[tilespmem:s12], [sflag:$0x1] =	stream.indirect.gather [hbm4b:s4+s15], $0x80, s11, s15, $0xb8;
	[tilespmem:$0x1D000] =	vst v63  }
0x61: {  	_ =	swait.ge [sflag:s20], $0x4000  }
0x62: {  	[sflag:s20] =	ssyncset.done $0x0  }
0x63: {  	s9 =	rddreg [dreg:$0x8];
	[sflag:s20] =	ssyncadd.s32 $0xFFFFC000  }
0x64: {  	[tilespmem:s16], [sflag:$0x2] =	stream.indirect.gather [hbm4b:s4+s15], $0x80, s9, s15, $0xb8;
	[tilespmem:$0x1D000] =	vst v63  }
0x65: {  	_ =	swait.ge [sflag:s17], $0x4000  }
0x66: {  	[sflag:s17] =	ssyncset.done $0x0  }
0x67: {  	s10 =	rddreg [dreg:$0x9];
	[sflag:s17] =	ssyncadd.s32 $0xFFFFC000  }
0x68: {  	[spmem:s2] =	stream.indirect.scatter.add.f32 [tilespmem:s12], [sflag:$0x3], $0x80, s10, s15, $0xb8;
	[tilespmem:$0x1D000] =	vst v63  }
0x69: {  	_ =	swait.ge [sflag:s18], $0x4000  }
0x6a: {  	[sflag:s18] =	ssyncset.done $0x0  }
0x6b: {  	s11 =	rddreg [dreg:$0xa];
	[sflag:s18] =	ssyncadd.s32 $0xFFFFC000  }
0x6c: {  	[spmem:s2] =	stream.indirect.scatter.add.f32 [tilespmem:s16], [sflag:$0x4], $0x80, s11, s15, $0xb8;
	[tilespmem:$0x1D000] =	vst v63  }
0x6d: {  	_ =	swait.ge [sflag:s19], $0x4000  }
0x6e: {  	[sflag:s19] =	ssyncset.done $0x0  }
0x6f: {  	s9 =	rddreg [dreg:$0xb];
	[sflag:s19] =	ssyncadd.s32 $0xFFFFC000  }
0x70: {  	[tilespmem:s12], [sflag:$0x1] =	stream.indirect.gather [hbm4b:s4+s15], $0x80, s9, s15, $0xb8;
	[tilespmem:$0x1D000] =	vst v63  }
0x71: {  	_ =	swait.ge [sflag:s20], $0x4000  }
0x72: {  	[sflag:s20] =	ssyncset.done $0x0  }
0x73: {  	s10 =	rddreg [dreg:$0xc];
	[sflag:s20] =	ssyncadd.s32 $0xFFFFC000  }
0x74: {  	[tilespmem:s16], [sflag:$0x2] =	stream.indirect.gather [hbm4b:s4+s15], $0x80, s10, s15, $0xb8;
	[tilespmem:$0x1D000] =	vst v63  }
0x75: {  	_ =	swait.ge [sflag:s17], $0x4000  }
0x76: {  	[sflag:s17] =	ssyncset.done $0x0  }
0x77: {  	s11 =	rddreg [dreg:$0xd];
	[sflag:s17] =	ssyncadd.s32 $0xFFFFC000  }
0x78: {  	[spmem:s2] =	stream.indirect.scatter.add.f32 [tilespmem:s12], [sflag:$0x3], $0x80, s11, s15, $0xb8;
	[tilespmem:$0x1D000] =	vst v63  }
0x79: {  	_ =	swait.ge [sflag:s18], $0x4000  }
0x7a: {  	[sflag:s18] =	ssyncset.done $0x0  }
0x7b: {  	s9 =	rddreg [dreg:$0xe];
	[sflag:s18] =	ssyncadd.s32 $0xFFFFC000  }
0x7c: {  	[spmem:s2] =	stream.indirect.scatter.add.f32 [tilespmem:s16], [sflag:$0x4], $0x80, s9, s15, $0xb8;
	[tilespmem:$0x1D000] =	vst v63  }
0x7d: {  	_ =	swait.ge [sflag:s19], $0x4000  }
0x7e: {  	[sflag:s19] =	ssyncset.done $0x0  }
0x7f: {  	s10 =	rddreg [dreg:$0xf];
	[sflag:s19] =	ssyncadd.s32 $0xFFFFC000  }
0x80: {  	[tilespmem:s12], [sflag:$0x1] =	stream.indirect.gather [hbm4b:s4+s15], $0x80, s10, s15, $0xb8;
	[tilespmem:$0x1D000] =	vst v63  }
0x81: {  	_ =	swait.ge [sflag:s20], $0x4000  }
0x82: {  	[sflag:s20] =	ssyncset.done $0x0  }
0x83: {  	s11 =	rddreg [dreg:$0x10];
	[sflag:s20] =	ssyncadd.s32 $0xFFFFC000  }
0x84: {  	[tilespmem:s16], [sflag:$0x2] =	stream.indirect.gather [hbm4b:s4+s15], $0x80, s11, s15, $0xb8;
	[tilespmem:$0x1D000] =	vst v63  }
0x85: {  	_ =	swait.ge [sflag:s17], $0x4000  }
0x86: {  	[sflag:s17] =	ssyncset.done $0x0  }
0x87: {  	s9 =	rddreg [dreg:$0x11];
	[sflag:s17] =	ssyncadd.s32 $0xFFFFC000  }
0x88: {  	[spmem:s2] =	stream.indirect.scatter.add.f32 [tilespmem:s12], [sflag:$0x3], $0x80, s9, s15, $0xb8;
	[tilespmem:$0x1D000] =	vst v63  }
0x89: {  	_ =	swait.ge [sflag:s18], $0x4000  }
0x8a: {  	[sflag:s18] =	ssyncset.done $0x0  }
0x8b: {  	s10 =	rddreg [dreg:$0x12];
	[sflag:s18] =	ssyncadd.s32 $0xFFFFC000  }
0x8c: {  	[spmem:s2] =	stream.indirect.scatter.add.f32 [tilespmem:s16], [sflag:$0x4], $0x80, s10, s15, $0xb8;
	[tilespmem:$0x1D000] =	vst v63  }
0x8d: {  	_ =	swait.ge [sflag:s19], $0x4000  }
0x8e: {  	[sflag:s19] =	ssyncset.done $0x0  }
0x8f: {  	s11 =	rddreg [dreg:$0x13];
	[sflag:s19] =	ssyncadd.s32 $0xFFFFC000  }
0x90: {  	[tilespmem:s12], [sflag:$0x1] =	stream.indirect.gather [hbm4b:s4+s15], $0x80, s11, s15, $0xb8;
	[tilespmem:$0x1D000] =	vst v63  }
0x91: {  	_ =	swait.ge [sflag:s20], $0x4000  }
0x92: {  	[sflag:s20] =	ssyncset.done $0x0  }
0x93: {  	[sflag:s20] =	ssyncadd.s32 $0xFFFFC000  }
0x94: {  	[tilespmem:s16], [sflag:$0x2] =	stream.indirect.gather [hbm4b:s4+s15], $0x80, s21, s15, $0xb8;
	[tilespmem:$0x1D000] =	vst v63  }
0x95: {  	_ =	swait.ge [sflag:s17], $0x4000  }
0x96: {  	[sflag:s17] =	ssyncset.done $0x0  }
0x97: {  	[sflag:s17] =	ssyncadd.s32 $0xFFFFC000  }
0x98: {  	[spmem:s2] =	stream.indirect.scatter.add.f32 [tilespmem:s12], [sflag:$0x3], $0x80, s22, s15, $0xb8;
	[tilespmem:$0x1D000] =	vst v63  }
0x99: {  	_ =	swait.ge [sflag:s18], $0x4000  }
0x9a: {  	[sflag:s18] =	ssyncset.done $0x0  }
0x9b: {  	[sflag:s18] =	ssyncadd.s32 $0xFFFFC000  }
0x9c: {  	[spmem:s2] =	stream.indirect.scatter.add.f32 [tilespmem:s16], [sflag:$0x4], $0x80, s23, s15, $0xb8;
	[tilespmem:$0x1D000] =	vst v63  }
0x9d: {  	_ =	swait.ge [sflag:s19], $0x4000  }
0x9e: {  	[sflag:s19] =	ssyncset.done $0x0  }
0x9f: {  	[sflag:s19] =	ssyncadd.s32 $0xFFFFC000  }
0xa0: {  	[tilespmem:s12], [sflag:$0x1] =	stream.indirect.gather [hbm4b:s4+s15], $0x80, s24, s15, $0xb8;
	[tilespmem:$0x1D000] =	vst v63  }
0xa1: {  	_ =	swait.ge [sflag:s20], $0x4000  }
0xa2: {  	[sflag:s20] =	ssyncset.done $0x0  }
0xa3: {  	[sflag:s20] =	ssyncadd.s32 $0xFFFFC000  }
0xa4: {  	[tilespmem:s16], [sflag:$0x2] =	stream.indirect.gather [hbm4b:s4+s15], $0x80, s25, s15, $0xb8;
	[tilespmem:$0x1D000] =	vst v63  }
0xa5: {  	_ =	swait.ge [sflag:s17], $0x4000  }
0xa6: {  	[sflag:s17] =	ssyncset.done $0x0  }
0xa7: {  	[sflag:s17] =	ssyncadd.s32 $0xFFFFC000  }
0xa8: {  	[spmem:s2] =	stream.indirect.scatter.add.f32 [tilespmem:s12], [sflag:$0x3], $0x80, s26, s15, $0xb8;
	[tilespmem:$0x1D000] =	vst v63  }
0xa9: {  	_ =	swait.ge [sflag:s18], $0x4000  }
0xaa: {  	[sflag:s18] =	ssyncset.done $0x0  }
0xab: {  	[sflag:s18] =	ssyncadd.s32 $0xFFFFC000  }
0xac: {  	[spmem:s2] =	stream.indirect.scatter.add.f32 [tilespmem:s16], [sflag:$0x4], $0x80, s28, s15, $0xb8;
	[tilespmem:$0x1D000] =	vst v63  }
0xad: {  	_ =	swait.ge [sflag:s19], $0x4000  }
0xae: {  	[sflag:s19] =	ssyncset.done $0x0  }
0xaf: {  	[sflag:s19] =	ssyncadd.s32 $0xFFFFC000  }
0xb0: {  	[tilespmem:s12], [sflag:$0x1] =	stream.indirect.gather [hbm4b:s4+s15], $0x80, s29, s15, $0xb8;
	[tilespmem:$0x1D000] =	vst v63  }
0xb1: {  	_ =	swait.ge [sflag:s20], $0x4000  }
0xb2: {  	[sflag:s20] =	ssyncset.done $0x0  }
0xb3: {  	[sflag:s20] =	ssyncadd.s32 $0xFFFFC000  }
0xb4: {  	[tilespmem:s16], [sflag:$0x2] =	stream.indirect.gather [hbm4b:s4+s15], $0x80, s30, s15, $0xb8;
	[tilespmem:$0x1D000] =	vst v63  }
0xb5: {  	_ =	swait.ge [sflag:s17], $0x4000  }
0xb6: {  	[sflag:s17] =	ssyncset.done $0x0  }
0xb7: {  	[sflag:s17] =	ssyncadd.s32 $0xFFFFC000  }
0xb8: {  	[spmem:s2] =	stream.indirect.scatter.add.f32 [tilespmem:s12], [sflag:$0x3], $0x80, s31, s15, $0xb8;
	[tilespmem:$0x1D000] =	vst v63  }
0xb9: {  	_ =	swait.ge [sflag:s18], $0x4000  }
0xba: {  	[sflag:s18] =	ssyncset.done $0x0  }
0xbb: {  	[sflag:s18] =	ssyncadd.s32 $0xFFFFC000  }
0xbc: {  	[spmem:s2] =	stream.indirect.scatter.add.f32 [tilespmem:s16], [sflag:$0x4], $0x80, s1, s15, $0xb8;
	[tilespmem:$0x1D000] =	vst v63  }
0xbd: {  	_ =	swait.ge [sflag:s19], $0x4000  }
0xbe: {  	[sflag:s19] =	ssyncset.done $0x0  }
0xbf: {  	[sflag:s19] =	ssyncadd.s32 $0xFFFFC000  }
0xc0: {  	[tilespmem:s12], [sflag:$0x1] =	stream.indirect.gather [hbm4b:s4+s15], $0x80, s0, s15, $0xb8;
	[tilespmem:$0x1D000] =	vst v63  }
0xc1: {  	_ =	swait.ge [sflag:s20], $0x4000  }
0xc2: {  	[sflag:s20] =	ssyncset.done $0x0  }
0xc3: {  	[sflag:s20] =	ssyncadd.s32 $0xFFFFC000  }
0xc4: {  	[tilespmem:s16], [sflag:$0x2] =	stream.indirect.gather [hbm4b:s4+s15], $0x80, s6, s15, $0xb8;
	[tilespmem:$0x1D000] =	vst v63  }
0xc5: {  	_ =	swait.ge [sflag:s17], $0x4000  }
0xc6: {  	[sflag:s17] =	ssyncset.done $0x0  }
0xc7: {  	[sflag:s17] =	ssyncadd.s32 $0xFFFFC000  }
0xc8: {  	[spmem:s2] =	stream.indirect.scatter.add.f32 [tilespmem:s12], [sflag:$0x3], $0x80, s7, s15, $0xb8;
	[tilespmem:$0x1D000] =	vst v63  }
0xc9: {  	_ =	swait.ge [sflag:s18], $0x4000  }
0xca: {  	[sflag:s18] =	ssyncset.done $0x0  }
0xcb: {  	[sflag:s18] =	ssyncadd.s32 $0xFFFFC000  }
0xcc: {  	[spmem:s2] =	stream.indirect.scatter.add.f32 [tilespmem:s16], [sflag:$0x4], $0x80, s8, s15, $0xb8;
	[tilespmem:$0x1D000] =	vst v63  }
0xcd: {  	_ =	swait.ge [sflag:s19], $0x4000  }
0xce: {  	[sflag:s19] =	ssyncset.done $0x0  }
0xcf: {  	[sflag:s19] =	ssyncadd.s32 $0xFFFFC000  }
0xd0: {  	s10 =	simm.s32 $0x100;
	_ =	swait.ge [sflag:s20], $0x4000  }
0xd1: {  	s11 =	simm.s32 $0x200;
	s5 =	rddreg [dreg:$0x5];
	[sflag:s20] =	ssyncset.done $0x0  }
.LBB2_4:
0xd2: {  	[sflag:s20] =	ssyncadd.s32 $0xFFFFC000;
	s5 =	sadd.s32 s10, s5  }
0xd3: {  	[tilespmem:s3], [sflag:$0x5] =	stream.linear.gather [hbm4b:s5+s3], $0x800, $0x38;
	[tilespmem:$0x1D000] =	vst v63  }
0xd4: {  	_ =	swait.ge [sflag:s13], $0x800  }
0xd5: {  	s5 =	rddreg [dreg:$0x4];
	[sflag:s13] =	ssyncset.done $0x0  }
0xd6: {  	[sflag:s13] =	ssyncadd.s32 $0xFFFFF800;
	s5 =	sadd.s32 s10, s5  }
0xd7: {  	[tilespmem:s14], [sflag:$0x5] =	stream.linear.gather [hbm4b:s5+s3], $0x800, $0x38;
	[tilespmem:$0x1D000] =	vst v63  }
0xd8: {  	_ =	swait.ge [sflag:s13], $0x800  }
0xd9: {  	[sflag:s13] =	ssyncset.done $0x0  }
0xda: {  	[sflag:s13] =	ssyncadd.s32 $0xFFFFF800  }
0xdb: {  	[tilespmem:s12], [sflag:$0x1] =	stream.indirect.gather [hbm4b:s4+s15], $0x80, s3, s15, $0xb8;
	[tilespmem:$0x1D000] =	vst v63  }
0xdc: {  	_ = 	snop  }
0xdd: {  	[tilespmem:s16], [sflag:$0x2] =	stream.indirect.gather [hbm4b:s4+s15], $0x80, s15, s15, $0xb8;
	[tilespmem:$0x1D000] =	vst v63  }
0xde: {  	_ =	swait.ge [sflag:s17], $0x4000  }
0xdf: {  	[sflag:s17] =	ssyncset.done $0x0  }
0xe0: {  	[sflag:s17] =	ssyncadd.s32 $0xFFFFC000  }
0xe1: {  	[spmem:s2] =	stream.indirect.scatter.add.f32 [tilespmem:s12], [sflag:$0x3], $0x80, s14, s15, $0xb8;
	[tilespmem:$0x1D000] =	vst v63  }
0xe2: {  	_ =	swait.ge [sflag:s18], $0x4000  }
0xe3: {  	s9 =	smov.u32 s11;
	[sflag:s18] =	ssyncset.done $0x0  }
0xe4: {  	s10 =	smov.u32 s9;
	s9 =	rddreg [dreg:$0x6];
	[sflag:s18] =	ssyncadd.s32 $0xFFFFC000  }
0xe5: {  	[spmem:s2] =	stream.indirect.scatter.add.f32 [tilespmem:s16], [sflag:$0x4], $0x80, s9, s15, $0xb8;
	[tilespmem:$0x1D000] =	vst v63  }
0xe6: {  	_ =	swait.ge [sflag:s19], $0x4000  }
0xe7: {  	[sflag:s19] =	ssyncset.done $0x0  }
0xe8: {  	s9 =	rddreg [dreg:$0x7];
	[sflag:s19] =	ssyncadd.s32 $0xFFFFC000  }
0xe9: {  	[tilespmem:s12], [sflag:$0x1] =	stream.indirect.gather [hbm4b:s4+s15], $0x80, s9, s15, $0xb8;
	[tilespmem:$0x1D000] =	vst v63  }
0xea: {  	_ =	swait.ge [sflag:s20], $0x4000  }
0xeb: {  	[sflag:s20] =	ssyncset.done $0x0  }
0xec: {  	s9 =	rddreg [dreg:$0x8];
	[sflag:s20] =	ssyncadd.s32 $0xFFFFC000  }
0xed: {  	[tilespmem:s16], [sflag:$0x2] =	stream.indirect.gather [hbm4b:s4+s15], $0x80, s9, s15, $0xb8;
	[tilespmem:$0x1D000] =	vst v63  }
0xee: {  	_ =	swait.ge [sflag:s17], $0x4000  }
0xef: {  	[sflag:s17] =	ssyncset.done $0x0  }
0xf0: {  	s9 =	rddreg [dreg:$0x9];
	[sflag:s17] =	ssyncadd.s32 $0xFFFFC000  }
0xf1: {  	[spmem:s2] =	stream.indirect.scatter.add.f32 [tilespmem:s12], [sflag:$0x3], $0x80, s9, s15, $0xb8;
	[tilespmem:$0x1D000] =	vst v63  }
0xf2: {  	_ =	swait.ge [sflag:s18], $0x4000  }
0xf3: {  	[sflag:s18] =	ssyncset.done $0x0  }
0xf4: {  	s9 =	rddreg [dreg:$0xa];
	[sflag:s18] =	ssyncadd.s32 $0xFFFFC000  }
0xf5: {  	[spmem:s2] =	stream.indirect.scatter.add.f32 [tilespmem:s16], [sflag:$0x4], $0x80, s9, s15, $0xb8;
	[tilespmem:$0x1D000] =	vst v63  }
0xf6: {  	_ =	swait.ge [sflag:s19], $0x4000  }
0xf7: {  	[sflag:s19] =	ssyncset.done $0x0  }
0xf8: {  	s9 =	rddreg [dreg:$0xb];
	[sflag:s19] =	ssyncadd.s32 $0xFFFFC000  }
0xf9: {  	[tilespmem:s12], [sflag:$0x1] =	stream.indirect.gather [hbm4b:s4+s15], $0x80, s9, s15, $0xb8;
	[tilespmem:$0x1D000] =	vst v63  }
0xfa: {  	_ =	swait.ge [sflag:s20], $0x4000  }
0xfb: {  	[sflag:s20] =	ssyncset.done $0x0  }
0xfc: {  	s9 =	rddreg [dreg:$0xc];
	[sflag:s20] =	ssyncadd.s32 $0xFFFFC000  }
0xfd: {  	[tilespmem:s16], [sflag:$0x2] =	stream.indirect.gather [hbm4b:s4+s15], $0x80, s9, s15, $0xb8;
	[tilespmem:$0x1D000] =	vst v63  }
0xfe: {  	_ =	swait.ge [sflag:s17], $0x4000  }
0xff: {  	[sflag:s17] =	ssyncset.done $0x0  }
0x100: {  	s9 =	rddreg [dreg:$0xd];
	[sflag:s17] =	ssyncadd.s32 $0xFFFFC000  }
0x101: {  	[spmem:s2] =	stream.indirect.scatter.add.f32 [tilespmem:s12], [sflag:$0x3], $0x80, s9, s15, $0xb8;
	[tilespmem:$0x1D000] =	vst v63  }
0x102: {  	_ =	swait.ge [sflag:s18], $0x4000  }
0x103: {  	[sflag:s18] =	ssyncset.done $0x0  }
0x104: {  	s9 =	rddreg [dreg:$0xe];
	[sflag:s18] =	ssyncadd.s32 $0xFFFFC000  }
0x105: {  	[spmem:s2] =	stream.indirect.scatter.add.f32 [tilespmem:s16], [sflag:$0x4], $0x80, s9, s15, $0xb8;
	[tilespmem:$0x1D000] =	vst v63  }
0x106: {  	_ =	swait.ge [sflag:s19], $0x4000  }
0x107: {  	[sflag:s19] =	ssyncset.done $0x0  }
0x108: {  	s9 =	rddreg [dreg:$0xf];
	[sflag:s19] =	ssyncadd.s32 $0xFFFFC000  }
0x109: {  	[tilespmem:s12], [sflag:$0x1] =	stream.indirect.gather [hbm4b:s4+s15], $0x80, s9, s15, $0xb8;
	[tilespmem:$0x1D000] =	vst v63  }
0x10a: {  	_ =	swait.ge [sflag:s20], $0x4000  }
0x10b: {  	[sflag:s20] =	ssyncset.done $0x0  }
0x10c: {  	s9 =	rddreg [dreg:$0x10];
	[sflag:s20] =	ssyncadd.s32 $0xFFFFC000  }
0x10d: {  	[tilespmem:s16], [sflag:$0x2] =	stream.indirect.gather [hbm4b:s4+s15], $0x80, s9, s15, $0xb8;
	[tilespmem:$0x1D000] =	vst v63  }
0x10e: {  	_ =	swait.ge [sflag:s17], $0x4000  }
0x10f: {  	[sflag:s17] =	ssyncset.done $0x0  }
0x110: {  	s9 =	rddreg [dreg:$0x11];
	[sflag:s17] =	ssyncadd.s32 $0xFFFFC000  }
0x111: {  	[spmem:s2] =	stream.indirect.scatter.add.f32 [tilespmem:s12], [sflag:$0x3], $0x80, s9, s15, $0xb8;
	[tilespmem:$0x1D000] =	vst v63  }
0x112: {  	_ =	swait.ge [sflag:s18], $0x4000  }
0x113: {  	[sflag:s18] =	ssyncset.done $0x0  }
0x114: {  	s9 =	rddreg [dreg:$0x12];
	[sflag:s18] =	ssyncadd.s32 $0xFFFFC000  }
0x115: {  	[spmem:s2] =	stream.indirect.scatter.add.f32 [tilespmem:s16], [sflag:$0x4], $0x80, s9, s15, $0xb8;
	[tilespmem:$0x1D000] =	vst v63  }
0x116: {  	_ =	swait.ge [sflag:s19], $0x4000  }
0x117: {  	[sflag:s19] =	ssyncset.done $0x0  }
0x118: {  	s9 =	rddreg [dreg:$0x13];
	[sflag:s19] =	ssyncadd.s32 $0xFFFFC000  }
0x119: {  	[tilespmem:s12], [sflag:$0x1] =	stream.indirect.gather [hbm4b:s4+s15], $0x80, s9, s15, $0xb8;
	[tilespmem:$0x1D000] =	vst v63  }
0x11a: {  	_ =	swait.ge [sflag:s20], $0x4000  }
0x11b: {  	[sflag:s20] =	ssyncset.done $0x0  }
0x11c: {  	[sflag:s20] =	ssyncadd.s32 $0xFFFFC000  }
0x11d: {  	[tilespmem:s16], [sflag:$0x2] =	stream.indirect.gather [hbm4b:s4+s15], $0x80, s21, s15, $0xb8;
	[tilespmem:$0x1D000] =	vst v63  }
0x11e: {  	_ =	swait.ge [sflag:s17], $0x4000  }
0x11f: {  	[sflag:s17] =	ssyncset.done $0x0  }
0x120: {  	[sflag:s17] =	ssyncadd.s32 $0xFFFFC000  }
0x121: {  	[spmem:s2] =	stream.indirect.scatter.add.f32 [tilespmem:s12], [sflag:$0x3], $0x80, s22, s15, $0xb8;
	[tilespmem:$0x1D000] =	vst v63  }
0x122: {  	_ =	swait.ge [sflag:s18], $0x4000  }
0x123: {  	[sflag:s18] =	ssyncset.done $0x0  }
0x124: {  	[sflag:s18] =	ssyncadd.s32 $0xFFFFC000  }
0x125: {  	[spmem:s2] =	stream.indirect.scatter.add.f32 [tilespmem:s16], [sflag:$0x4], $0x80, s23, s15, $0xb8;
	[tilespmem:$0x1D000] =	vst v63  }
0x126: {  	_ =	swait.ge [sflag:s19], $0x4000  }
0x127: {  	[sflag:s19] =	ssyncset.done $0x0  }
0x128: {  	[sflag:s19] =	ssyncadd.s32 $0xFFFFC000  }
0x129: {  	[tilespmem:s12], [sflag:$0x1] =	stream.indirect.gather [hbm4b:s4+s15], $0x80, s24, s15, $0xb8;
	[tilespmem:$0x1D000] =	vst v63  }
0x12a: {  	_ =	swait.ge [sflag:s20], $0x4000  }
0x12b: {  	[sflag:s20] =	ssyncset.done $0x0  }
0x12c: {  	[sflag:s20] =	ssyncadd.s32 $0xFFFFC000  }
0x12d: {  	[tilespmem:s16], [sflag:$0x2] =	stream.indirect.gather [hbm4b:s4+s15], $0x80, s25, s15, $0xb8;
	[tilespmem:$0x1D000] =	vst v63  }
0x12e: {  	_ =	swait.ge [sflag:s17], $0x4000  }
0x12f: {  	[sflag:s17] =	ssyncset.done $0x0  }
0x130: {  	[sflag:s17] =	ssyncadd.s32 $0xFFFFC000  }
0x131: {  	[spmem:s2] =	stream.indirect.scatter.add.f32 [tilespmem:s12], [sflag:$0x3], $0x80, s26, s15, $0xb8;
	[tilespmem:$0x1D000] =	vst v63  }
0x132: {  	_ =	swait.ge [sflag:s18], $0x4000  }
0x133: {  	[sflag:s18] =	ssyncset.done $0x0  }
0x134: {  	[sflag:s18] =	ssyncadd.s32 $0xFFFFC000  }
0x135: {  	[spmem:s2] =	stream.indirect.scatter.add.f32 [tilespmem:s16], [sflag:$0x4], $0x80, s28, s15, $0xb8;
	[tilespmem:$0x1D000] =	vst v63  }
0x136: {  	_ =	swait.ge [sflag:s19], $0x4000  }
0x137: {  	[sflag:s19] =	ssyncset.done $0x0  }
0x138: {  	[sflag:s19] =	ssyncadd.s32 $0xFFFFC000  }
0x139: {  	[tilespmem:s12], [sflag:$0x1] =	stream.indirect.gather [hbm4b:s4+s15], $0x80, s29, s15, $0xb8;
	[tilespmem:$0x1D000] =	vst v63  }
0x13a: {  	_ =	swait.ge [sflag:s20], $0x4000  }
0x13b: {  	[sflag:s20] =	ssyncset.done $0x0  }
0x13c: {  	[sflag:s20] =	ssyncadd.s32 $0xFFFFC000  }
0x13d: {  	[tilespmem:s16], [sflag:$0x2] =	stream.indirect.gather [hbm4b:s4+s15], $0x80, s30, s15, $0xb8;
	[tilespmem:$0x1D000] =	vst v63  }
0x13e: {  	_ =	swait.ge [sflag:s17], $0x4000  }
0x13f: {  	[sflag:s17] =	ssyncset.done $0x0  }
0x140: {  	[sflag:s17] =	ssyncadd.s32 $0xFFFFC000  }
0x141: {  	[spmem:s2] =	stream.indirect.scatter.add.f32 [tilespmem:s12], [sflag:$0x3], $0x80, s31, s15, $0xb8;
	[tilespmem:$0x1D000] =	vst v63  }
0x142: {  	_ =	swait.ge [sflag:s18], $0x4000  }
0x143: {  	[sflag:s18] =	ssyncset.done $0x0  }
0x144: {  	[sflag:s18] =	ssyncadd.s32 $0xFFFFC000  }
0x145: {  	[spmem:s2] =	stream.indirect.scatter.add.f32 [tilespmem:s16], [sflag:$0x4], $0x80, s1, s15, $0xb8;
	[tilespmem:$0x1D000] =	vst v63  }
0x146: {  	_ =	swait.ge [sflag:s19], $0x4000  }
0x147: {  	[sflag:s19] =	ssyncset.done $0x0  }
0x148: {  	[sflag:s19] =	ssyncadd.s32 $0xFFFFC000  }
0x149: {  	[tilespmem:s12], [sflag:$0x1] =	stream.indirect.gather [hbm4b:s4+s15], $0x80, s0, s15, $0xb8;
	[tilespmem:$0x1D000] =	vst v63  }
0x14a: {  	_ =	swait.ge [sflag:s20], $0x4000  }
0x14b: {  	[sflag:s20] =	ssyncset.done $0x0  }
0x14c: {  	[sflag:s20] =	ssyncadd.s32 $0xFFFFC000  }
0x14d: {  	[tilespmem:s16], [sflag:$0x2] =	stream.indirect.gather [hbm4b:s4+s15], $0x80, s6, s15, $0xb8;
	[tilespmem:$0x1D000] =	vst v63  }
0x14e: {  	_ =	swait.ge [sflag:s17], $0x4000  }
0x14f: {  	[sflag:s17] =	ssyncset.done $0x0  }
0x150: {  	[sflag:s17] =	ssyncadd.s32 $0xFFFFC000  }
0x151: {  	[spmem:s2] =	stream.indirect.scatter.add.f32 [tilespmem:s12], [sflag:$0x3], $0x80, s7, s15, $0xb8;
	[tilespmem:$0x1D000] =	vst v63  }
0x152: {  	_ =	swait.ge [sflag:s18], $0x4000  }
0x153: {  	[sflag:s18] =	ssyncset.done $0x0  }
0x154: {  	p0 =	sne.s32 s11, $0x400;
	[sflag:s18] =	ssyncadd.s32 $0xFFFFC000  }
0x155: {  	[spmem:s2] =	stream.indirect.scatter.add.f32 [tilespmem:s16], [sflag:$0x4], $0x80, s8, s15, $0xb8;
	[tilespmem:$0x1D000] =	vst v63  }
.Ltmp1:
0x156: {  	_ =	swait.ge [sflag:s19], $0x4000;
	(pc) =	sbr.rel @p0 .LBB2_4-.Ltmp1, $4  }
0x157: {  	[sflag:s19] =	ssyncset.done $0x0  }
0x158: {  	[sflag:s19] =	ssyncadd.s32 $0xFFFFC000  }
0x159: {  	_ =	swait.ge [sflag:s20], $0x4000  }
0x15a: {  	s11 =	sadd.s32 $0x100, s11;
	s5 =	rddreg [dreg:$0x5];
	[sflag:s20] =	ssyncset.done $0x0  }
0x15b: {  	[sflag:s20] =	ssyncadd.s32 $0xFFFFC000;
	s5 =	sadd.s32 s10, s5  }
0x15c: {  	[tilespmem:s3], [sflag:$0x5] =	stream.linear.gather [hbm4b:s5+s3], $0x800, $0x38;
	[tilespmem:$0x1D000] =	vst v63  }
0x15d: {  	_ =	swait.ge [sflag:s13], $0x800  }
0x15e: {  	s9 =	rddreg [dreg:$0x4];
	[sflag:s13] =	ssyncset.done $0x0  }
0x15f: {  	[sflag:s13] =	ssyncadd.s32 $0xFFFFF800;
	s5 =	sadd.s32 s10, s9  }
0x160: {  	[tilespmem:s14], [sflag:$0x5] =	stream.linear.gather [hbm4b:s5+s3], $0x800, $0x38;
	[tilespmem:$0x1D000] =	vst v63  }
0x161: {  	_ =	swait.ge [sflag:s13], $0x800  }
0x162: {  	[sflag:s13] =	ssyncset.done $0x0  }
0x163: {  	[sflag:s13] =	ssyncadd.s32 $0xFFFFF800  }
0x164: {  	[tilespmem:s12], [sflag:$0x1] =	stream.indirect.gather [hbm4b:s4+s15], $0x80, s3, s15, $0xb8;
	[tilespmem:$0x1D000] =	vst v63  }
0x165: {  	_ = 	snop  }
0x166: {  	[tilespmem:s16], [sflag:$0x2] =	stream.indirect.gather [hbm4b:s4+s15], $0x80, s15, s15, $0xb8;
	[tilespmem:$0x1D000] =	vst v63  }
0x167: {  	_ =	swait.ge [sflag:s17], $0x4000  }
0x168: {  	[sflag:s17] =	ssyncset.done $0x0  }
0x169: {  	[sflag:s17] =	ssyncadd.s32 $0xFFFFC000  }
0x16a: {  	[spmem:s2] =	stream.indirect.scatter.add.f32 [tilespmem:s12], [sflag:$0x3], $0x80, s14, s15, $0xb8;
	[tilespmem:$0x1D000] =	vst v63  }
0x16b: {  	_ =	swait.ge [sflag:s18], $0x4000  }
0x16c: {  	[sflag:s18] =	ssyncset.done $0x0  }
0x16d: {  	s11 =	rddreg [dreg:$0x6];
	[sflag:s18] =	ssyncadd.s32 $0xFFFFC000  }
0x16e: {  	[spmem:s2] =	stream.indirect.scatter.add.f32 [tilespmem:s16], [sflag:$0x4], $0x80, s11, s15, $0xb8;
	[tilespmem:$0x1D000] =	vst v63  }
0x16f: {  	_ =	swait.ge [sflag:s19], $0x4000  }
0x170: {  	[sflag:s19] =	ssyncset.done $0x0  }
0x171: {  	s9 =	rddreg [dreg:$0x7];
	[sflag:s19] =	ssyncadd.s32 $0xFFFFC000  }
0x172: {  	[tilespmem:s12], [sflag:$0x1] =	stream.indirect.gather [hbm4b:s4+s15], $0x80, s9, s15, $0xb8;
	[tilespmem:$0x1D000] =	vst v63  }
0x173: {  	_ =	swait.ge [sflag:s20], $0x4000  }
0x174: {  	[sflag:s20] =	ssyncset.done $0x0  }
0x175: {  	s10 =	rddreg [dreg:$0x8];
	[sflag:s20] =	ssyncadd.s32 $0xFFFFC000  }
0x176: {  	[tilespmem:s16], [sflag:$0x2] =	stream.indirect.gather [hbm4b:s4+s15], $0x80, s10, s15, $0xb8;
	[tilespmem:$0x1D000] =	vst v63  }
0x177: {  	_ =	swait.ge [sflag:s17], $0x4000  }
0x178: {  	[sflag:s17] =	ssyncset.done $0x0  }
0x179: {  	s11 =	rddreg [dreg:$0x9];
	[sflag:s17] =	ssyncadd.s32 $0xFFFFC000  }
0x17a: {  	[spmem:s2] =	stream.indirect.scatter.add.f32 [tilespmem:s12], [sflag:$0x3], $0x80, s11, s15, $0xb8;
	[tilespmem:$0x1D000] =	vst v63  }
0x17b: {  	_ =	swait.ge [sflag:s18], $0x4000  }
0x17c: {  	[sflag:s18] =	ssyncset.done $0x0  }
0x17d: {  	s9 =	rddreg [dreg:$0xa];
	[sflag:s18] =	ssyncadd.s32 $0xFFFFC000  }
0x17e: {  	[spmem:s2] =	stream.indirect.scatter.add.f32 [tilespmem:s16], [sflag:$0x4], $0x80, s9, s15, $0xb8;
	[tilespmem:$0x1D000] =	vst v63  }
0x17f: {  	_ =	swait.ge [sflag:s19], $0x4000  }
0x180: {  	[sflag:s19] =	ssyncset.done $0x0  }
0x181: {  	s10 =	rddreg [dreg:$0xb];
	[sflag:s19] =	ssyncadd.s32 $0xFFFFC000  }
0x182: {  	[tilespmem:s12], [sflag:$0x1] =	stream.indirect.gather [hbm4b:s4+s15], $0x80, s10, s15, $0xb8;
	[tilespmem:$0x1D000] =	vst v63  }
0x183: {  	_ =	swait.ge [sflag:s20], $0x4000  }
0x184: {  	[sflag:s20] =	ssyncset.done $0x0  }
0x185: {  	s11 =	rddreg [dreg:$0xc];
	[sflag:s20] =	ssyncadd.s32 $0xFFFFC000  }
0x186: {  	[tilespmem:s16], [sflag:$0x2] =	stream.indirect.gather [hbm4b:s4+s15], $0x80, s11, s15, $0xb8;
	[tilespmem:$0x1D000] =	vst v63  }
0x187: {  	_ =	swait.ge [sflag:s17], $0x4000  }
0x188: {  	[sflag:s17] =	ssyncset.done $0x0  }
0x189: {  	s9 =	rddreg [dreg:$0xd];
	[sflag:s17] =	ssyncadd.s32 $0xFFFFC000  }
0x18a: {  	[spmem:s2] =	stream.indirect.scatter.add.f32 [tilespmem:s12], [sflag:$0x3], $0x80, s9, s15, $0xb8;
	[tilespmem:$0x1D000] =	vst v63  }
0x18b: {  	_ =	swait.ge [sflag:s18], $0x4000  }
0x18c: {  	[sflag:s18] =	ssyncset.done $0x0  }
0x18d: {  	s10 =	rddreg [dreg:$0xe];
	[sflag:s18] =	ssyncadd.s32 $0xFFFFC000  }
0x18e: {  	[spmem:s2] =	stream.indirect.scatter.add.f32 [tilespmem:s16], [sflag:$0x4], $0x80, s10, s15, $0xb8;
	[tilespmem:$0x1D000] =	vst v63  }
0x18f: {  	_ =	swait.ge [sflag:s19], $0x4000  }
0x190: {  	[sflag:s19] =	ssyncset.done $0x0  }
0x191: {  	s11 =	rddreg [dreg:$0xf];
	[sflag:s19] =	ssyncadd.s32 $0xFFFFC000  }
0x192: {  	[tilespmem:s12], [sflag:$0x1] =	stream.indirect.gather [hbm4b:s4+s15], $0x80, s11, s15, $0xb8;
	[tilespmem:$0x1D000] =	vst v63  }
0x193: {  	_ =	swait.ge [sflag:s20], $0x4000  }
0x194: {  	[sflag:s20] =	ssyncset.done $0x0  }
0x195: {  	s9 =	rddreg [dreg:$0x10];
	[sflag:s20] =	ssyncadd.s32 $0xFFFFC000  }
0x196: {  	[tilespmem:s16], [sflag:$0x2] =	stream.indirect.gather [hbm4b:s4+s15], $0x80, s9, s15, $0xb8;
	[tilespmem:$0x1D000] =	vst v63  }
0x197: {  	_ =	swait.ge [sflag:s17], $0x4000  }
0x198: {  	[sflag:s17] =	ssyncset.done $0x0  }
0x199: {  	s10 =	rddreg [dreg:$0x11];
	[sflag:s17] =	ssyncadd.s32 $0xFFFFC000  }
0x19a: {  	[spmem:s2] =	stream.indirect.scatter.add.f32 [tilespmem:s12], [sflag:$0x3], $0x80, s10, s15, $0xb8;
	[tilespmem:$0x1D000] =	vst v63  }
0x19b: {  	_ =	swait.ge [sflag:s18], $0x4000  }
0x19c: {  	[sflag:s18] =	ssyncset.done $0x0  }
0x19d: {  	s11 =	rddreg [dreg:$0x12];
	[sflag:s18] =	ssyncadd.s32 $0xFFFFC000  }
0x19e: {  	[spmem:s2] =	stream.indirect.scatter.add.f32 [tilespmem:s16], [sflag:$0x4], $0x80, s11, s15, $0xb8;
	[tilespmem:$0x1D000] =	vst v63  }
0x19f: {  	_ =	swait.ge [sflag:s19], $0x4000  }
0x1a0: {  	[sflag:s19] =	ssyncset.done $0x0  }
0x1a1: {  	s9 =	rddreg [dreg:$0x13];
	[sflag:s19] =	ssyncadd.s32 $0xFFFFC000  }
0x1a2: {  	[tilespmem:s12], [sflag:$0x1] =	stream.indirect.gather [hbm4b:s4+s15], $0x80, s9, s15, $0xb8;
	[tilespmem:$0x1D000] =	vst v63  }
0x1a3: {  	_ =	swait.ge [sflag:s20], $0x4000  }
0x1a4: {  	[sflag:s20] =	ssyncset.done $0x0  }
0x1a5: {  	[sflag:s20] =	ssyncadd.s32 $0xFFFFC000  }
0x1a6: {  	[tilespmem:s16], [sflag:$0x2] =	stream.indirect.gather [hbm4b:s4+s15], $0x80, s21, s15, $0xb8;
	[tilespmem:$0x1D000] =	vst v63  }
0x1a7: {  	_ =	swait.ge [sflag:s17], $0x4000  }
0x1a8: {  	[sflag:s17] =	ssyncset.done $0x0  }
0x1a9: {  	[sflag:s17] =	ssyncadd.s32 $0xFFFFC000  }
0x1aa: {  	[spmem:s2] =	stream.indirect.scatter.add.f32 [tilespmem:s12], [sflag:$0x3], $0x80, s22, s15, $0xb8;
	[tilespmem:$0x1D000] =	vst v63  }
0x1ab: {  	_ =	swait.ge [sflag:s18], $0x4000  }
0x1ac: {  	[sflag:s18] =	ssyncset.done $0x0  }
0x1ad: {  	[sflag:s18] =	ssyncadd.s32 $0xFFFFC000  }
0x1ae: {  	[spmem:s2] =	stream.indirect.scatter.add.f32 [tilespmem:s16], [sflag:$0x4], $0x80, s23, s15, $0xb8;
	[tilespmem:$0x1D000] =	vst v63  }
0x1af: {  	_ =	swait.ge [sflag:s19], $0x4000  }
0x1b0: {  	[sflag:s19] =	ssyncset.done $0x0  }
0x1b1: {  	[sflag:s19] =	ssyncadd.s32 $0xFFFFC000  }
0x1b2: {  	[tilespmem:s12], [sflag:$0x1] =	stream.indirect.gather [hbm4b:s4+s15], $0x80, s24, s15, $0xb8;
	[tilespmem:$0x1D000] =	vst v63  }
0x1b3: {  	_ =	swait.ge [sflag:s20], $0x4000  }
0x1b4: {  	[sflag:s20] =	ssyncset.done $0x0  }
0x1b5: {  	[sflag:s20] =	ssyncadd.s32 $0xFFFFC000  }
0x1b6: {  	[tilespmem:s16], [sflag:$0x2] =	stream.indirect.gather [hbm4b:s4+s15], $0x80, s25, s15, $0xb8;
	[tilespmem:$0x1D000] =	vst v63  }
0x1b7: {  	_ =	swait.ge [sflag:s17], $0x4000  }
0x1b8: {  	[sflag:s17] =	ssyncset.done $0x0  }
0x1b9: {  	[sflag:s17] =	ssyncadd.s32 $0xFFFFC000  }
0x1ba: {  	[spmem:s2] =	stream.indirect.scatter.add.f32 [tilespmem:s12], [sflag:$0x3], $0x80, s26, s15, $0xb8;
	[tilespmem:$0x1D000] =	vst v63  }
0x1bb: {  	_ =	swait.ge [sflag:s18], $0x4000  }
0x1bc: {  	[sflag:s18] =	ssyncset.done $0x0  }
0x1bd: {  	[sflag:s18] =	ssyncadd.s32 $0xFFFFC000  }
0x1be: {  	[spmem:s2] =	stream.indirect.scatter.add.f32 [tilespmem:s16], [sflag:$0x4], $0x80, s28, s15, $0xb8;
	[tilespmem:$0x1D000] =	vst v63  }
0x1bf: {  	_ =	swait.ge [sflag:s19], $0x4000  }
0x1c0: {  	[sflag:s19] =	ssyncset.done $0x0  }
0x1c1: {  	[sflag:s19] =	ssyncadd.s32 $0xFFFFC000  }
0x1c2: {  	[tilespmem:s12], [sflag:$0x1] =	stream.indirect.gather [hbm4b:s4+s15], $0x80, s29, s15, $0xb8;
	[tilespmem:$0x1D000] =	vst v63  }
0x1c3: {  	_ =	swait.ge [sflag:s20], $0x4000  }
0x1c4: {  	[sflag:s20] =	ssyncset.done $0x0  }
0x1c5: {  	[sflag:s20] =	ssyncadd.s32 $0xFFFFC000  }
0x1c6: {  	[tilespmem:s16], [sflag:$0x2] =	stream.indirect.gather [hbm4b:s4+s15], $0x80, s30, s15, $0xb8;
	[tilespmem:$0x1D000] =	vst v63  }
0x1c7: {  	_ =	swait.ge [sflag:s17], $0x4000  }
0x1c8: {  	[sflag:s17] =	ssyncset.done $0x0  }
0x1c9: {  	[sflag:s17] =	ssyncadd.s32 $0xFFFFC000  }
0x1ca: {  	[spmem:s2] =	stream.indirect.scatter.add.f32 [tilespmem:s12], [sflag:$0x3], $0x80, s31, s15, $0xb8;
	[tilespmem:$0x1D000] =	vst v63  }
0x1cb: {  	_ =	swait.ge [sflag:s18], $0x4000  }
0x1cc: {  	[sflag:s18] =	ssyncset.done $0x0  }
0x1cd: {  	[sflag:s18] =	ssyncadd.s32 $0xFFFFC000  }
0x1ce: {  	[spmem:s2] =	stream.indirect.scatter.add.f32 [tilespmem:s16], [sflag:$0x4], $0x80, s1, s15, $0xb8;
	[tilespmem:$0x1D000] =	vst v63  }
0x1cf: {  	_ =	swait.ge [sflag:s19], $0x4000  }
0x1d0: {  	[sflag:s19] =	ssyncset.done $0x0  }
0x1d1: {  	[sflag:s19] =	ssyncadd.s32 $0xFFFFC000  }
0x1d2: {  	[tilespmem:s12], [sflag:$0x1] =	stream.indirect.gather [hbm4b:s4+s15], $0x80, s0, s15, $0xb8;
	[tilespmem:$0x1D000] =	vst v63  }
0x1d3: {  	_ =	swait.ge [sflag:s20], $0x4000  }
0x1d4: {  	[sflag:s20] =	ssyncset.done $0x0  }
0x1d5: {  	[sflag:s20] =	ssyncadd.s32 $0xFFFFC000  }
0x1d6: {  	[tilespmem:s16], [sflag:$0x2] =	stream.indirect.gather [hbm4b:s4+s15], $0x80, s6, s15, $0xb8;
	[tilespmem:$0x1D000] =	vst v63  }
0x1d7: {  	_ =	swait.ge [sflag:s17], $0x4000  }
0x1d8: {  	[sflag:s17] =	ssyncset.done $0x0  }
0x1d9: {  	[sflag:s17] =	ssyncadd.s32 $0xFFFFC000  }
0x1da: {  	[spmem:s2] =	stream.indirect.scatter.add.f32 [tilespmem:s12], [sflag:$0x3], $0x80, s7, s15, $0xb8;
	[tilespmem:$0x1D000] =	vst v63  }
0x1db: {  	_ =	swait.ge [sflag:s18], $0x4000  }
0x1dc: {  	[sflag:s18] =	ssyncset.done $0x0  }
0x1dd: {  	[sflag:s18] =	ssyncadd.s32 $0xFFFFC000  }
0x1de: {  	[spmem:s2] =	stream.indirect.scatter.add.f32 [tilespmem:s16], [sflag:$0x4], $0x80, s8, s15, $0xb8;
	[tilespmem:$0x1D000] =	vst v63  }
0x1df: {  	_ =	swait.ge [sflag:s19], $0x4000  }
0x1e0: {  	[sflag:s19] =	ssyncset.done $0x0  }
0x1e1: {  	[sflag:s19] =	ssyncadd.s32 $0xFFFFC000  }
0x1e2: {  	_ =	swait.ge [sflag:s20], $0x4000  }
0x1e3: {  	[sflag:s20] =	ssyncset.done $0x0  }
0x1e4: {  	[sflag:s20] =	ssyncadd.s32 $0xFFFFC000  }
0x1e5: {  	s10 =	stileid.u32;
	[bflag:$0x0] =	sbarrier.arrive $0xFFFF  }
0x1e6: {  	s5 =	sshll.u32 s10, $0x6;
	s9 =	rddreg [dreg:$0x14]  }
0x1e7: {  	s5 =	sor.u32 $0x1C05, s5;
	s11 =	rddreg [dreg:$0x19];
	s9 =	sshrl.u32 s9, $0x3  }
0x1e8: {  	[hbm:s11], [sflag:s5] =	dma.local [spmem:s9], $0x2800  }
0x1e9: {  	_ =	swait.ge [sflag:s13], $0x2800  }
0x1ea: {  	s10 =	rddreg [dreg:$0x1b]  }
0x1eb: {  	s11 =	rddreg [dreg:$0x1a];
	s9 =	sadd.s32 $0x1, s10  }
0x1ec: {  	p0 =	sne.s32 s9, s11  }
.Ltmp2:
0x1ed: {  	_ = 	snop;
	(pc) =	sbr.rel @p0 .LBB2_1-.Ltmp2, $3  }
0x1ee: {  	_ =	sdelay $0x1  }
0x1ef: {  	[sflag:s13] =	ssyncset.done $0x0  }
0x1f0: {  	[sflag:s13] =	ssyncadd.s32 $0xFFFFD800  }
0x1f1: {  	_ =	sfence.sel $0x180000  }
0x1f2: {  	[bflag:$0x0] =	sbarrier.arrive $0xFFFF  }
0x1f3: {  	_ =	strace $0x9000004A  }
0x1f4: {  	s0 =	stileid.u32;
	[bflag:$0x2] =	sbarrier.arrive $0xFFFF  }
0x1f5: {  	p0 =	sne.s32 s0, $0x0;
	s0 =	rddreg [dreg:$0x3]  }
0x1f6: {  	s0 =	sadd.s32 @!p0 $0x100000, s0  }
0x1f7: {  	[sflag:s0] =	ssyncadd.tile.s32 @!p0 $0x1;
	_ =	shalt  }
.Lfunc_end2:
_tile_overlayer_lowered:
.L_overlay_start_2:
0x1f8: {  	(tag) =	ssettag $0x2  }
0x1f9: {  	s0 =	rddreg [dreg:$0x0];
	s2 =	stileid.u32  }
0x1fa: {  	s1 =	rddreg [dreg:$0x1];
	p0 =	sne.s32 s2, $0x0  }
0x1fb: {  	s3 =	rddreg [dreg:$0x2];
	[bflag:$0x3] =	sbarrier.arrive $0xFFFF;
	s2 =	simm.s32 @!p0 $0x1C05  }
0x1fc: {  	[timem:s3], [sflag:s2] =	dma.local @!p0 [hbm:s0], s1  }
0x1fd: {  	s0 =	simm.s32 @!p0 $0x5  }
0x1fe: {  	_ =	swait.ge @!p0 [sflag:s0], s1  }
0x1ff: {  	s1 =	ssub.s32 @!p0 $0x0, s1;
	[sflag:s0] =	ssyncset.done @!p0 $0x0  }
0x200: {  	[sflag:s0] =	ssyncadd.s32 @!p0 s1  }
0x201: {  	[bflag:$0x3] =	sbarrier.arrive $0xFFFF  }
0x202: {  	_ =	shalt  }

// kernel: kernel.14.cloned.1.call-start
scs
__scs_entry_jumppad:
0x0: {  	(pc) =	sbr.rel $0x88, $3  }
0x1: {  	(tag) =	ssettag $0x0;
	lr =	simm.s32 $0x1  }
0x2: {  	[smem:$0x3F9B] =	sst lr;
	_ =	strace $0xD0000000  }
0x3: {  	_ = 	snop  }
0x4: {  	_ = 	snop  }
0x5: {  	_ = 	snop  }
0x6: {  	_ = 	snop  }
0x7: {  	_ = 	snop  }
__scs_overlays_trampoline_lowered:
0x8: {  	[smem:$0x3FAA] =	sst s0  }
0x9: {  	[smem:$0x3FAB] =	sst s1  }
0xa: {  	[smem:$0x3FAC] =	sst s2  }
0xb: {  	[smem:$0x3FAD] =	sst s3  }
0xc: {  	[smem:$0x3FAE] =	sst s4  }
0xd: {  	[smem:$0x3FAF] =	sst s5  }
0xe: {  	[smem:$0x3FB0] =	sst s6  }
0xf: {  	[smem:$0x3FB1] =	sst s7  }
0x10: {  	[smem:$0x3FB2] =	sst s8  }
0x11: {  	[smem:$0x3FB3] =	sst s9;
	s0 =	simm.s32 @!p0 $0x0  }
0x12: {  	s1 =	sld [smem:$0x3F99];
	s0 =	simm.s32 @p0 $0x1  }
0x13: {  	[smem:$0x3FB4] =	sst s0;
	s0 =	simm.s32 @!p1 $0x0  }
0x14: {  	s2 =	sld [smem:$0x3F98];
	s0 =	simm.s32 @p1 $0x1  }
0x15: {  	[smem:$0x3FB5] =	sst s0;
	s0 =	simm.s32 @!p2 $0x0  }
0x16: {  	s3 =	sld [smem:$0x3FDB];
	s0 =	simm.s32 @p2 $0x1  }
0x17: {  	s4 =	simm.s32 $0x1BF5;
	[smem:$0x3FB7] =	sst s0  }
0x18: {  	s0 =	sld [smem:$0x3F9A];
	_ =	swait.ge [sflag:s4], $0x0  }
0x19: {  	s7 =	sld [smem:$0x3F9B]  }
0x1a: {  	s8 =	sadd.s32 $0xFFFFE003, lr  }
0x1b: {  	s9 =	sadd.s32 $0xFFFFFEF7, lr;
	s5 =	simm.s32 $0xFFFFFFFF;
	p2 =	slt.u32 s8, $0xFFFFF086  }
0x1c: {  	p1 =	slt.u32 s9, $0xF7A;
	s5 =	simm.s32 @!p2 $0x0  }
0x1d: {  	s5 =	simm.s32 @p1 $0x1;
	p0 =	seq.s32 s7, s2  }
0x1e: {  	s7 =	smul.u32 @!p0 $0xF7A, s2;
	p2 =	seq.s32 @!p0 s5, $0x0  }
0x1f: {  	s9 =	smul.u32 $0xF7A, s1;
	s8 =	simm.s32 @!p0 $0x1BF5;
	p2 =	por !p2, p0  }
0x20: {  	[sflag:s8] =	ssyncset.s32 @!p0 $0xFFFFF086;
	s6 =	sadd.s32 @!p0 s3, s7;
	s7 =	simm.s32 @!p0 $0x108  }
0x21: {  	s3 =	sadd.s32 s3, s9;
	s6 =	sadd.s32 @!p0 $0x88, s6;
	s7 =	simm.s32 @p2 $0x1082  }
0x22: {  	[simem:s7], [sflag:s8] =	dma.local @!p0 [hbm:s6], $0xF7A  }
0x23: {  	s9 =	sor.u32 $0xD0000000, s2;
	s6 =	simm.s32 $0x108;
	_ =	swait.ge @!p0 [sflag:s8], $0x0  }
0x24: {  	s3 =	sadd.s32 $0x88, s3;
	s6 =	simm.s32 @!p1 $0x1082;
	[sflag:s4] =	ssyncset.s32 $0xFFFFF086  }
0x25: {  	[simem:s6], [sflag:s4] =	dma.local [hbm:s3], $0xF7A  }
0x26: {  	[smem:$0x3F9B] =	sst s1;
	(tag) =	ssettag s2;
	_ =	strace s9  }
0x27: {  	s1 =	sld [smem:$0x3FAB]  }
0x28: {  	s2 =	sld [smem:$0x3FAC]  }
0x29: {  	s4 =	sld [smem:$0x3FAE]  }
0x2a: {  	p0 =	seq.s32 s5, $0x0;
	s5 =	sld [smem:$0x3FAF]  }
0x2b: {  	s6 =	sld [smem:$0x3FB0]  }
0x2c: {  	s7 =	sld [smem:$0x3FB1]  }
0x2d: {  	s3 =	simm.s32 $0x108;
	s8 =	sld [smem:$0x3FB2]  }
0x2e: {  	s3 =	simm.s32 @!p0 $0x1082;
	s9 =	sld [smem:$0x3FB3]  }
0x2f: {  	lr =	sadd.s32 s0, s3;
	s0 =	sld [smem:$0x3FAA]  }
0x30: {  	s3 =	sld [smem:$0x3FAD]  }
0x31: {  	[smem:$0x3FB6] =	sst s10  }
0x32: {  	s10 =	sld [smem:$0x3FB4];
	_ =	sdelay $0x3  }
0x33: {  	p0 =	seq.s32 s10, $0x1;
	s10 =	sld [smem:$0x3FB6];
	_ =	sdelay $0x3  }
0x34: {  	[smem:$0x3FB6] =	sst s10  }
0x35: {  	s10 =	sld [smem:$0x3FB5];
	_ =	sdelay $0x3  }
0x36: {  	p1 =	seq.s32 s10, $0x1;
	s10 =	sld [smem:$0x3FB6];
	_ =	sdelay $0x3  }
0x37: {  	[smem:$0x3FB6] =	sst s10  }
0x38: {  	s10 =	sld [smem:$0x3FB7]  }
0x39: {  	_ = 	snop;
	(pc) =	sbr.ind lr, $3  }
0x3a: {  	_ = 	snop  }
0x3b: {  	_ = 	snop  }
0x3c: {  	p2 =	seq.s32 s10, $0x1;
	s10 =	sld [smem:$0x3FB6]  }
0x3d: {  	_ =	shalt  }
0x3e: {  	_ =	shalt  }
0x3f: {  	_ =	shalt  }
0x40: {  	_ =	shalt  }
0x41: {  	_ =	shalt  }
0x42: {  	_ =	shalt  }
0x43: {  	_ =	shalt  }
0x44: {  	_ =	shalt  }
0x45: {  	_ =	shalt  }
0x46: {  	_ =	shalt  }
0x47: {  	_ =	shalt  }
0x48: {  	_ =	shalt  }
0x49: {  	_ =	shalt  }
0x4a: {  	_ =	shalt  }
0x4b: {  	_ =	shalt  }
0x4c: {  	_ =	shalt  }
0x4d: {  	_ =	shalt  }
0x4e: {  	_ =	shalt  }
0x4f: {  	_ =	shalt  }
0x50: {  	_ =	shalt  }
0x51: {  	_ =	shalt  }
0x52: {  	_ =	shalt  }
0x53: {  	_ =	shalt  }
0x54: {  	_ =	shalt  }
0x55: {  	_ =	shalt  }
0x56: {  	_ =	shalt  }
0x57: {  	_ =	shalt  }
0x58: {  	_ =	shalt  }
0x59: {  	_ =	shalt  }
0x5a: {  	_ =	shalt  }
0x5b: {  	_ =	shalt  }
0x5c: {  	_ =	shalt  }
0x5d: {  	_ =	shalt  }
0x5e: {  	_ =	shalt  }
0x5f: {  	_ =	shalt  }
0x60: {  	_ =	shalt  }
0x61: {  	_ =	shalt  }
0x62: {  	_ =	shalt  }
0x63: {  	_ =	shalt  }
0x64: {  	_ =	shalt  }
0x65: {  	_ =	shalt  }
0x66: {  	_ =	shalt  }
0x67: {  	_ =	shalt  }
0x68: {  	_ =	shalt  }
0x69: {  	_ =	shalt  }
0x6a: {  	_ =	shalt  }
0x6b: {  	_ =	shalt  }
0x6c: {  	_ =	shalt  }
0x6d: {  	_ =	shalt  }
0x6e: {  	_ =	shalt  }
0x6f: {  	_ =	shalt  }
0x70: {  	_ =	shalt  }
0x71: {  	_ =	shalt  }
0x72: {  	_ =	shalt  }
0x73: {  	_ =	shalt  }
0x74: {  	_ =	shalt  }
0x75: {  	_ =	shalt  }
0x76: {  	_ =	shalt  }
0x77: {  	_ =	shalt  }
0x78: {  	_ =	shalt  }
0x79: {  	_ =	shalt  }
0x7a: {  	_ =	shalt  }
0x7b: {  	_ =	shalt  }
0x7c: {  	_ =	shalt  }
0x7d: {  	_ =	shalt  }
0x7e: {  	_ =	shalt  }
0x7f: {  	_ =	shalt  }
0x80: {  	_ =	shalt  }
0x81: {  	_ =	shalt  }
0x82: {  	_ =	shalt  }
0x83: {  	_ =	shalt  }
0x84: {  	_ =	shalt  }
0x85: {  	_ =	shalt  }
0x86: {  	_ =	shalt  }
0x87: {  	_ =	shalt  }
.Lfunc_end0:
.L_simem_size_0:
called_computation.2_lowered:
.L_overlay_start_0:
0x88: {  	s2 =	sld [smem:$0x3FD9]  }
0x89: {  	s3 =	sld [smem:$0x3FFE];
	_ =	sdelay $0x1  }
0x8a: {  	s1 =	srdreg.scid  }
0x8b: {  	s0 =	sand.u32 $0x1, s1  }
0x8c: {  	s17 =	sshll.u32 s0, $0xA;
	s2 =	sadd.s32 s3, s2  }
0x8d: {  	s2 =	sadd.s32 s2, s17  }
0x8e: {  	[smem:$0x3FC2] =	sst s2  }
0x8f: {  	_ = 	snop  }
0x90: {  	s2 =	sld [smem:$0x3FD0];
	(tm) =	ssettm $0x1  }
0x91: {  	s18 =	sld [smem:$0x3FFB];
	_ =	sdelay $0x3  }
0x92: {  	_ =	strace s18  }
0x93: {  	s3 =	sld [smem:$0x3FFC];
	_ =	sdelay $0x3  }
0x94: {  	_ =	strace s3  }
0x95: {  	s3 =	sld [smem:$0x3FFD];
	_ =	sdelay $0x3  }
0x96: {  	_ =	strace s3  }
0x97: {  	_ =	strace $0x8FFFFFFF  }
0x98: {  	s19 =	sld [smem:$0x3FDB];
	_ =	sdelay $0x1  }
0x99: {  	s4 =	simm.s32 $_scs_section_size  }
0x9a: {  	s5 =	simm.s32 $_size__tile_overlayer_lowered;
	s6 =	simm.s32 $_tile_overlayer_lowered  }
0x9b: {  	s22 =	simm.s32 $0x1BFF;
	s21 =	sshll.u32 s6, $0x1;
	s3 =	sadd.s32 s4, s19  }
0x9c: {  	s7 =	simm.s32 $0x0;
	s20 =	sshll.u32 s5, $0x1;
	s5 =	sadd.s32 s21, s3  }
0x9d: {  	[timem:s7], [sflag:s22] =	dma.local [hbm:s5], s20  }
0x9e: {  	_ =	swait.ge [sflag:s22], s20  }
0x9f: {  	s4 =	ssub.s32 $0x0, s20;
	[sflag:s22] =	ssyncset.done $0x0  }
0xa0: {  	[sflag:s22] =	ssyncadd.s32 s4;
	_ =	sdelay $0x1  }
0xa1: {  	s23 =	simm.s32 $0x1B8B  }
0xa2: {  	_ =	swait.ge [sflag:s23], $0x1  }
0xa3: {  	[sflag:s23] =	ssyncset.done $0x0  }
0xa4: {  	s25 =	simm.s32 $0x1B8E;
	s24 =	sld [smem:$0x3FFE];
	[sflag:s23] =	ssyncadd.s32 $0xFFFFFFFF  }
0xa5: {  	s26 =	simm.s32 $execute0_lowered;
	[smem:$0x3FD2] =	sst s25  }
0xa6: {  	s5 =	sshll.u32 s26, $0x1;
	_ =	strace $0x8000004C;
	[dreg:$0x1] =	wrdreg $0xFFFFFFFF  }
0xa7: {  	s28 =	simm.s32 $_size_execute0_lowered;
	s3 =	sadd.s32 s3, s5;
	[dreg:$0x0] =	wrdreg $0x0  }
0xa8: {  	s5 =	sshll.u32 s28, $0x1;
	[dreg:$0x2] =	wrdreg s3  }
0xa9: {  	[dreg:$0x3] =	wrdreg s5  }
0xaa: {  	[dreg:$0x4] =	wrdreg $0xC0  }
0xab: {  	_ =	task [dreg:s7], $0x5FFFF  }
0xac: {  	[dreg:$0x1] =	wrdreg $0xFFFFFFFF  }
0xad: {  	[dreg:$0x0] =	wrdreg $0x60  }
0xae: {  	[dreg:$0x2] =	wrdreg s24  }
0xaf: {  	[dreg:$0x3] =	wrdreg s2  }
0xb0: {  	[dreg:$0x4] =	wrdreg $0x90000  }
0xb1: {  	[dreg:$0x5] =	wrdreg $0x9  }
0xb2: {  	_ =	task.clear_ibuf [dreg:s7], $0x6FFFF;
	_ =	strace $0x9000004C  }
0xb3: {  	s29 =	simm.s32 $0x9;
	_ =	strace $0x8000004E  }
0xb4: {  	_ =	swait.ge [sflag:s29], $0x1  }
0xb5: {  	[sflag:s29] =	ssyncadd.s32 $0xFFFFFFFF  }
0xb6: {  	_ =	strace $0x9000004E  }
0xb7: {  	_ =	sfence  }
0xb8: {  	s30 =	sld [smem:$0x0];
	_ =	sdelay $0x2  }
0xb9: {  	s31 =	sshll.u32 s1, $0xD;
	s1 =	sshrl.u32 s1, $0x2  }
0xba: {  	s3 =	sand.u32 $0x4000, s31;
	s1 =	sadd.s32 s1, s30  }
0xbb: {  	s0 =	sor.u32 s3, s0;
	s1 =	sshll.u32 s1, $0x11  }
0xbc: {  	s0 =	sor.u32 s1, s0  }
0xbd: {  	s0 =	sadd.s32 $0x8F2B, s0  }
0xbe: {  	[sflag:s0] =	ssyncadd.remote.s32 $0x1  }
0xbf: {  	_ =	sfence.sel $0xFFFF  }
0xc0: {  	[dreg:$0x0] =	wrdreg $0xFFFFFFFF;
	(pc) =	sbr.abs _section_cstart, $3  }
0xc1: {  	[dreg:$0x1] =	wrdreg $0xFFFFFFFF  }
0xc2: {  	_ =	task.clear_ibuf [dreg:s7], $0x2FFFF;
	_ =	strace $0x9FFFFFFF  }
0xc3: {  	(tm) =	ssettm $0x7FFFFFFF  }
tec
execute0_lowered:
.L_overlay_start_1:
0x0: {  	(tag) =	ssettag $0x1  }
0x1: {  	s0 =	rddreg [dreg:$0x0]  }
0x2: {  	s1 =	srdreg.scid;
	s5 =	rddreg [dreg:$0x1]  }
0x3: {  	s9 =	stileid.u32;
	s2 =	rddreg [dreg:$0x2];
	s3 =	simm.s32 $0x0  }
0x4: {  	s11 =	simm.s32 $0x880;
	s13 =	simm.s32 $0x100;
	s15 =	simm.s32 $0x180  }
0x5: {  	s16 =	simm.s32 $0x900;
	s17 =	simm.s32 $0x980;
	s18 =	simm.s32 $0x200  }
0x6: {  	s19 =	simm.s32 $0x280;
	s20 =	simm.s32 $0xA00;
	[smem:$0x7FF] =	sst s3  }
0x7: {  	s21 =	simm.s32 $0xA80;
	_ =	strace $0x8000004D;
	[dreg:$0x6] =	wrdreg s11  }
0x8: {  	s22 =	simm.s32 $0x300;
	s28 =	simm.s32 $0xD80;
	[dreg:$0x7] =	wrdreg s13  }
0x9: {  	s29 =	simm.s32 $0x600;
	s4 =	smul.u32 $0x5000, s9;
	[dreg:$0x8] =	wrdreg s15  }
0xa: {  	s30 =	simm.s32 $0x680;
	s8 =	smul.u32 $0x14000, s9;
	[dreg:$0x9] =	wrdreg s16  }
0xb: {  	s1 =	sand.u32 $0x1, s1;
	s23 =	smul.u32 $0x50000, s9;
	[dreg:$0xa] =	wrdreg s17  }
0xc: {  	s31 =	simm.s32 $0xE00;
	s6 =	smul.u32 $0x2800, s1;
	[dreg:$0xb] =	wrdreg s18  }
0xd: {  	s9 =	simm.s32 $0x0;
	s7 =	smul.u32 $0x140000, s1;
	[dreg:$0xc] =	wrdreg s19  }
0xe: {  	s1 =	ssub.s32 $0x2, s1;
	s13 =	simm.s32 $0x5;
	[dreg:$0xd] =	wrdreg s20  }
0xf: {  	s15 =	simm.s32 $0x80;
	[dreg:$0xe] =	wrdreg s21;
	s16 =	simm.s32 $0x5000  }
0x10: {  	[dreg:$0xf] =	wrdreg s22;
	s17 =	simm.s32 $0x1;
	s18 =	simm.s32 $0x2  }
0x11: {  	s19 =	simm.s32 $0x3;
	s20 =	simm.s32 $0x4;
	s21 =	simm.s32 $0x480  }
0x12: {  	s22 =	simm.s32 $0xC00;
	s25 =	sshrl.u32 s1, $0x1;
	s26 =	sshrl.u32 s23, $0x2  }
0x13: {  	s23 =	simm.s32 $0x380;
	s6 =	sadd.s32 s6, s4;
	s4 =	sadd.s32 $0x5C800, s0  }
0x14: {  	s7 =	sadd.s32 s8, s7;
	s1 =	ssub.s32 s1, s25;
	s8 =	sadd.s32 s26, s2  }
0x15: {  	[dreg:$0x10] =	wrdreg s23;
	s25 =	simm.s32 $0xB80;
	s26 =	simm.s32 $0x400  }
0x16: {  	s23 =	simm.s32 $0xC80;
	s6 =	sshrl.u32 s6, $0x3;
	[dreg:$0x14] =	wrdreg s8  }
0x17: {  	s7 =	sshrl.u32 s7, $0x3;
	s12 =	sadd.s32 $0x8000, s8;
	[dreg:$0x12] =	wrdreg s25  }
0x18: {  	s14 =	sadd.s32 $0xC000, s8;
	s1 =	smax.u32 s1, $0x1;
	[dreg:$0x13] =	wrdreg s26  }
0x19: {  	s25 =	simm.s32 $0x580;
	s26 =	simm.s32 $0xD00;
	[dreg:$0x16] =	wrdreg s12  }
0x1a: {  	s24 =	sadd.s32 s6, s0;
	s0 =	sadd.s32 s7, s0;
	[dreg:$0x17] =	wrdreg s14  }
0x1b: {  	s5 =	sadd.s32 s6, s5;
	s7 =	sadd.s32 $0x4000, s8;
	[dreg:$0x1a] =	wrdreg s1  }
0x1c: {  	s6 =	sadd.s32 $0x10000, s8;
	s12 =	simm.s32 $0x1000;
	[dreg:$0x4] =	wrdreg s5  }
0x1d: {  	s14 =	simm.s32 $0x800;
	s1 =	simm.s32 $0xE80;
	[dreg:$0x15] =	wrdreg s7  }
0x1e: {  	s8 =	simm.s32 $0xF80;
	s10 =	sadd.s32 $0x52800, s24;
	[dreg:$0x18] =	wrdreg s6  }
0x1f: {  	s0 =	sadd.s32 $0x84800, s0;
	s24 =	simm.s32 $0xB00;
	[dreg:$0x5] =	wrdreg s10  }
0x20: {  	s6 =	simm.s32 $0x780;
	s7 =	simm.s32 $0xF00;
	[dreg:$0x19] =	wrdreg s0  }
0x21: {  	v0 =	vimm.f32 $0.0e+00;
	[dreg:$0x11] =	wrdreg s24;
	s24 =	simm.s32 $0x500;
	s0 =	simm.s32 $0x700  }
.LBB2_1:
0x22: {  	s10 =	simm.s32 $0x0;
	s11 =	simm.s32 $0x200  }
.LBB2_2:
0x23: {  	p0 =	sne.s32 s11, $0xFE00;
	[tilespmem:s10+$0x1070] =	vst v0  }
0x24: {  	[tilespmem:s10+$0x1000] =	vst v0  }
0x25: {  	[tilespmem:s10+$0x1010] =	vst v0  }
.Ltmp0:
0x26: {  	[tilespmem:s10+$0x1020] =	vst v0;
	(pc) =	sbr.rel @p0 .LBB2_2-.Ltmp0, $4  }
0x27: {  	[tilespmem:s10+$0x1030] =	vst v0  }
0x28: {  	[tilespmem:s10+$0x1040] =	vst v0  }
0x29: {  	[tilespmem:s10+$0x1050] =	vst v0  }
0x2a: {  	[tilespmem:s10+$0x1060] =	vst v0;
	s10 =	sshra.s32 s11, $0x2;
	s11 =	sadd.s32 $0x200, s11  }
0x2b: {  	[tilespmem:s10+$0x1070] =	vst v0  }
0x2c: {  	[tilespmem:s10+$0x1000] =	vst v0  }
0x2d: {  	[tilespmem:s10+$0x1010] =	vst v0  }
0x2e: {  	[tilespmem:s10+$0x1020] =	vst v0  }
0x2f: {  	[tilespmem:s10+$0x1030] =	vst v0  }
0x30: {  	[tilespmem:s10+$0x1040] =	vst v0  }
0x31: {  	[dreg:$0x1b] =	wrdreg s9;
	[tilespmem:s10+$0x1050] =	vst v0  }
0x32: {  	[tilespmem:s10+$0x1060] =	vst v0;
	s5 =	rddreg [dreg:$0x14]  }
0x33: {  	[spmem:s5] =	stream.linear.scatter [tilespmem:s12], [sflag:$0x5], $0x4000, $0x38;
	[tilespmem:$0x1D000] =	vst v63  }
0x34: {  	_ =	swait.ge [sflag:s13], $0x4000  }
0x35: {  	[sflag:s13] =	ssyncset.done $0x0  }
0x36: {  	s10 =	rddreg [dreg:$0x15];
	[sflag:s13] =	ssyncadd.s32 $0xFFFFC000  }
0x37: {  	[spmem:s10] =	stream.linear.scatter [tilespmem:s12], [sflag:$0x5], $0x4000, $0x38;
	[tilespmem:$0x1D000] =	vst v63  }
0x38: {  	_ =	swait.ge [sflag:s13], $0x4000  }
0x39: {  	[sflag:s13] =	ssyncset.done $0x0  }
0x3a: {  	s11 =	rddreg [dreg:$0x16];
	[sflag:s13] =	ssyncadd.s32 $0xFFFFC000  }
0x3b: {  	[spmem:s11] =	stream.linear.scatter [tilespmem:s12], [sflag:$0x5], $0x4000, $0x38;
	[tilespmem:$0x1D000] =	vst v63  }
0x3c: {  	_ =	swait.ge [sflag:s13], $0x4000  }
0x3d: {  	[sflag:s13] =	ssyncset.done $0x0  }
0x3e: {  	s9 =	rddreg [dreg:$0x17];
	[sflag:s13] =	ssyncadd.s32 $0xFFFFC000  }
0x3f: {  	[spmem:s9] =	stream.linear.scatter [tilespmem:s12], [sflag:$0x5], $0x4000, $0x38;
	[tilespmem:$0x1D000] =	vst v63  }
0x40: {  	_ =	swait.ge [sflag:s13], $0x4000  }
0x41: {  	[sflag:s13] =	ssyncset.done $0x0  }
0x42: {  	s10 =	rddreg [dreg:$0x18];
	[sflag:s13] =	ssyncadd.s32 $0xFFFFC000  }
0x43: {  	[spmem:s10] =	stream.linear.scatter [tilespmem:s12], [sflag:$0x5], $0x4000, $0x38;
	[tilespmem:$0x1D000] =	vst v63  }
0x44: {  	_ =	swait.ge [sflag:s13], $0x4000  }
0x45: {  	[sflag:s13] =	ssyncset.done $0x0  }
0x46: {  	[sflag:s13] =	ssyncadd.s32 $0xFFFFC000  }
0x47: {  	[bflag:$0x0] =	sbarrier.arrive $0xFFFF  }
0x48: {  	s11 =	rddreg [dreg:$0x5]  }
0x49: {  	s5 =	sadd.s32 $0x0, s11  }
0x4a: {  	[tilespmem:s3], [sflag:$0x5] =	stream.linear.gather [hbm4b:s5+s3], $0x800, $0x38;
	[tilespmem:$0x1D000] =	vst v63  }
0x4b: {  	_ =	swait.ge [sflag:s13], $0x800  }
0x4c: {  	s9 =	rddreg [dreg:$0x4];
	[sflag:s13] =	ssyncset.done $0x0  }
0x4d: {  	[sflag:s13] =	ssyncadd.s32 $0xFFFFF800;
	s5 =	sadd.s32 $0x0, s9  }
0x4e: {  	[tilespmem:s14], [sflag:$0x5] =	stream.linear.gather [hbm4b:s5+s3], $0x800, $0x38;
	[tilespmem:$0x1D000] =	vst v63  }
0x4f: {  	_ =	swait.ge [sflag:s13], $0x800  }
0x50: {  	[sflag:s13] =	ssyncset.done $0x0  }
0x51: {  	[sflag:s13] =	ssyncadd.s32 $0xFFFFF800  }
0x52: {  	[tilespmem:s12], [sflag:$0x1] =	stream.indirect.gather [hbm4b:s4+s15], $0x80, s3, s15, $0xb8;
	[tilespmem:$0x1D000] =	vst v63  }
0x53: {  	_ = 	snop  }
0x54: {  	[tilespmem:s16], [sflag:$0x2] =	stream.indirect.gather [hbm4b:s4+s15], $0x80, s15, s15, $0xb8;
	[tilespmem:$0x1D000] =	vst v63  }
0x55: {  	_ =	swait.ge [sflag:s17], $0x4000  }
0x56: {  	[sflag:s17] =	ssyncset.done $0x0  }
0x57: {  	[sflag:s17] =	ssyncadd.s32 $0xFFFFC000  }
0x58: {  	[spmem:s2] =	stream.indirect.scatter.add.f32 [tilespmem:s12], [sflag:$0x3], $0x80, s14, s15, $0xb8;
	[tilespmem:$0x1D000] =	vst v63  }
0x59: {  	_ =	swait.ge [sflag:s18], $0x4000  }
0x5a: {  	[sflag:s18] =	ssyncset.done $0x0  }
0x5b: {  	s10 =	rddreg [dreg:$0x6];
	[sflag:s18] =	ssyncadd.s32 $0xFFFFC000  }
0x5c: {  	[spmem:s2] =	stream.indirect.scatter.add.f32 [tilespmem:s16], [sflag:$0x4], $0x80, s10, s15, $0xb8;
	[tilespmem:$0x1D000] =	vst v63  }
0x5d: {  	_ =	swait.ge [sflag:s19], $0x4000  }
0x5e: {  	[sflag:s19] =	ssyncset.done $0x0  }
0x5f: {  	s11 =	rddreg [dreg:$0x7];
	[sflag:s19] =	ssyncadd.s32 $0xFFFFC000  }
0x60: {  	[tilespmem:s12], [sflag:$0x1] =	stream.indirect.gather [hbm4b:s4+s15], $0x80, s11, s15, $0xb8;
	[tilespmem:$0x1D000] =	vst v63  }
0x61: {  	_ =	swait.ge [sflag:s20], $0x4000  }
0x62: {  	[sflag:s20] =	ssyncset.done $0x0  }
0x63: {  	s9 =	rddreg [dreg:$0x8];
	[sflag:s20] =	ssyncadd.s32 $0xFFFFC000  }
0x64: {  	[tilespmem:s16], [sflag:$0x2] =	stream.indirect.gather [hbm4b:s4+s15], $0x80, s9, s15, $0xb8;
	[tilespmem:$0x1D000] =	vst v63  }
0x65: {  	_ =	swait.ge [sflag:s17], $0x4000  }
0x66: {  	[sflag:s17] =	ssyncset.done $0x0  }
0x67: {  	s10 =	rddreg [dreg:$0x9];
	[sflag:s17] =	ssyncadd.s32 $0xFFFFC000  }
0x68: {  	[spmem:s2] =	stream.indirect.scatter.add.f32 [tilespmem:s12], [sflag:$0x3], $0x80, s10, s15, $0xb8;
	[tilespmem:$0x1D000] =	vst v63  }
0x69: {  	_ =	swait.ge [sflag:s18], $0x4000  }
0x6a: {  	[sflag:s18] =	ssyncset.done $0x0  }
0x6b: {  	s11 =	rddreg [dreg:$0xa];
	[sflag:s18] =	ssyncadd.s32 $0xFFFFC000  }
0x6c: {  	[spmem:s2] =	stream.indirect.scatter.add.f32 [tilespmem:s16], [sflag:$0x4], $0x80, s11, s15, $0xb8;
	[tilespmem:$0x1D000] =	vst v63  }
0x6d: {  	_ =	swait.ge [sflag:s19], $0x4000  }
0x6e: {  	[sflag:s19] =	ssyncset.done $0x0  }
0x6f: {  	s9 =	rddreg [dreg:$0xb];
	[sflag:s19] =	ssyncadd.s32 $0xFFFFC000  }
0x70: {  	[tilespmem:s12], [sflag:$0x1] =	stream.indirect.gather [hbm4b:s4+s15], $0x80, s9, s15, $0xb8;
	[tilespmem:$0x1D000] =	vst v63  }
0x71: {  	_ =	swait.ge [sflag:s20], $0x4000  }
0x72: {  	[sflag:s20] =	ssyncset.done $0x0  }
0x73: {  	s10 =	rddreg [dreg:$0xc];
	[sflag:s20] =	ssyncadd.s32 $0xFFFFC000  }
0x74: {  	[tilespmem:s16], [sflag:$0x2] =	stream.indirect.gather [hbm4b:s4+s15], $0x80, s10, s15, $0xb8;
	[tilespmem:$0x1D000] =	vst v63  }
0x75: {  	_ =	swait.ge [sflag:s17], $0x4000  }
0x76: {  	[sflag:s17] =	ssyncset.done $0x0  }
0x77: {  	s11 =	rddreg [dreg:$0xd];
	[sflag:s17] =	ssyncadd.s32 $0xFFFFC000  }
0x78: {  	[spmem:s2] =	stream.indirect.scatter.add.f32 [tilespmem:s12], [sflag:$0x3], $0x80, s11, s15, $0xb8;
	[tilespmem:$0x1D000] =	vst v63  }
0x79: {  	_ =	swait.ge [sflag:s18], $0x4000  }
0x7a: {  	[sflag:s18] =	ssyncset.done $0x0  }
0x7b: {  	s9 =	rddreg [dreg:$0xe];
	[sflag:s18] =	ssyncadd.s32 $0xFFFFC000  }
0x7c: {  	[spmem:s2] =	stream.indirect.scatter.add.f32 [tilespmem:s16], [sflag:$0x4], $0x80, s9, s15, $0xb8;
	[tilespmem:$0x1D000] =	vst v63  }
0x7d: {  	_ =	swait.ge [sflag:s19], $0x4000  }
0x7e: {  	[sflag:s19] =	ssyncset.done $0x0  }
0x7f: {  	s10 =	rddreg [dreg:$0xf];
	[sflag:s19] =	ssyncadd.s32 $0xFFFFC000  }
0x80: {  	[tilespmem:s12], [sflag:$0x1] =	stream.indirect.gather [hbm4b:s4+s15], $0x80, s10, s15, $0xb8;
	[tilespmem:$0x1D000] =	vst v63  }
0x81: {  	_ =	swait.ge [sflag:s20], $0x4000  }
0x82: {  	[sflag:s20] =	ssyncset.done $0x0  }
0x83: {  	s11 =	rddreg [dreg:$0x10];
	[sflag:s20] =	ssyncadd.s32 $0xFFFFC000  }
0x84: {  	[tilespmem:s16], [sflag:$0x2] =	stream.indirect.gather [hbm4b:s4+s15], $0x80, s11, s15, $0xb8;
	[tilespmem:$0x1D000] =	vst v63  }
0x85: {  	_ =	swait.ge [sflag:s17], $0x4000  }
0x86: {  	[sflag:s17] =	ssyncset.done $0x0  }
0x87: {  	s9 =	rddreg [dreg:$0x11];
	[sflag:s17] =	ssyncadd.s32 $0xFFFFC000  }
0x88: {  	[spmem:s2] =	stream.indirect.scatter.add.f32 [tilespmem:s12], [sflag:$0x3], $0x80, s9, s15, $0xb8;
	[tilespmem:$0x1D000] =	vst v63  }
0x89: {  	_ =	swait.ge [sflag:s18], $0x4000  }
0x8a: {  	[sflag:s18] =	ssyncset.done $0x0  }
0x8b: {  	s10 =	rddreg [dreg:$0x12];
	[sflag:s18] =	ssyncadd.s32 $0xFFFFC000  }
0x8c: {  	[spmem:s2] =	stream.indirect.scatter.add.f32 [tilespmem:s16], [sflag:$0x4], $0x80, s10, s15, $0xb8;
	[tilespmem:$0x1D000] =	vst v63  }
0x8d: {  	_ =	swait.ge [sflag:s19], $0x4000  }
0x8e: {  	[sflag:s19] =	ssyncset.done $0x0  }
0x8f: {  	s11 =	rddreg [dreg:$0x13];
	[sflag:s19] =	ssyncadd.s32 $0xFFFFC000  }
0x90: {  	[tilespmem:s12], [sflag:$0x1] =	stream.indirect.gather [hbm4b:s4+s15], $0x80, s11, s15, $0xb8;
	[tilespmem:$0x1D000] =	vst v63  }
0x91: {  	_ =	swait.ge [sflag:s20], $0x4000  }
0x92: {  	[sflag:s20] =	ssyncset.done $0x0  }
0x93: {  	[sflag:s20] =	ssyncadd.s32 $0xFFFFC000  }
0x94: {  	[tilespmem:s16], [sflag:$0x2] =	stream.indirect.gather [hbm4b:s4+s15], $0x80, s21, s15, $0xb8;
	[tilespmem:$0x1D000] =	vst v63  }
0x95: {  	_ =	swait.ge [sflag:s17], $0x4000  }
0x96: {  	[sflag:s17] =	ssyncset.done $0x0  }
0x97: {  	[sflag:s17] =	ssyncadd.s32 $0xFFFFC000  }
0x98: {  	[spmem:s2] =	stream.indirect.scatter.add.f32 [tilespmem:s12], [sflag:$0x3], $0x80, s22, s15, $0xb8;
	[tilespmem:$0x1D000] =	vst v63  }
0x99: {  	_ =	swait.ge [sflag:s18], $0x4000  }
0x9a: {  	[sflag:s18] =	ssyncset.done $0x0  }
0x9b: {  	[sflag:s18] =	ssyncadd.s32 $0xFFFFC000  }
0x9c: {  	[spmem:s2] =	stream.indirect.scatter.add.f32 [tilespmem:s16], [sflag:$0x4], $0x80, s23, s15, $0xb8;
	[tilespmem:$0x1D000] =	vst v63  }
0x9d: {  	_ =	swait.ge [sflag:s19], $0x4000  }
0x9e: {  	[sflag:s19] =	ssyncset.done $0x0  }
0x9f: {  	[sflag:s19] =	ssyncadd.s32 $0xFFFFC000  }
0xa0: {  	[tilespmem:s12], [sflag:$0x1] =	stream.indirect.gather [hbm4b:s4+s15], $0x80, s24, s15, $0xb8;
	[tilespmem:$0x1D000] =	vst v63  }
0xa1: {  	_ =	swait.ge [sflag:s20], $0x4000  }
0xa2: {  	[sflag:s20] =	ssyncset.done $0x0  }
0xa3: {  	[sflag:s20] =	ssyncadd.s32 $0xFFFFC000  }
0xa4: {  	[tilespmem:s16], [sflag:$0x2] =	stream.indirect.gather [hbm4b:s4+s15], $0x80, s25, s15, $0xb8;
	[tilespmem:$0x1D000] =	vst v63  }
0xa5: {  	_ =	swait.ge [sflag:s17], $0x4000  }
0xa6: {  	[sflag:s17] =	ssyncset.done $0x0  }
0xa7: {  	[sflag:s17] =	ssyncadd.s32 $0xFFFFC000  }
0xa8: {  	[spmem:s2] =	stream.indirect.scatter.add.f32 [tilespmem:s12], [sflag:$0x3], $0x80, s26, s15, $0xb8;
	[tilespmem:$0x1D000] =	vst v63  }
0xa9: {  	_ =	swait.ge [sflag:s18], $0x4000  }
0xaa: {  	[sflag:s18] =	ssyncset.done $0x0  }
0xab: {  	[sflag:s18] =	ssyncadd.s32 $0xFFFFC000  }
0xac: {  	[spmem:s2] =	stream.indirect.scatter.add.f32 [tilespmem:s16], [sflag:$0x4], $0x80, s28, s15, $0xb8;
	[tilespmem:$0x1D000] =	vst v63  }
0xad: {  	_ =	swait.ge [sflag:s19], $0x4000  }
0xae: {  	[sflag:s19] =	ssyncset.done $0x0  }
0xaf: {  	[sflag:s19] =	ssyncadd.s32 $0xFFFFC000  }
0xb0: {  	[tilespmem:s12], [sflag:$0x1] =	stream.indirect.gather [hbm4b:s4+s15], $0x80, s29, s15, $0xb8;
	[tilespmem:$0x1D000] =	vst v63  }
0xb1: {  	_ =	swait.ge [sflag:s20], $0x4000  }
0xb2: {  	[sflag:s20] =	ssyncset.done $0x0  }
0xb3: {  	[sflag:s20] =	ssyncadd.s32 $0xFFFFC000  }
0xb4: {  	[tilespmem:s16], [sflag:$0x2] =	stream.indirect.gather [hbm4b:s4+s15], $0x80, s30, s15, $0xb8;
	[tilespmem:$0x1D000] =	vst v63  }
0xb5: {  	_ =	swait.ge [sflag:s17], $0x4000  }
0xb6: {  	[sflag:s17] =	ssyncset.done $0x0  }
0xb7: {  	[sflag:s17] =	ssyncadd.s32 $0xFFFFC000  }
0xb8: {  	[spmem:s2] =	stream.indirect.scatter.add.f32 [tilespmem:s12], [sflag:$0x3], $0x80, s31, s15, $0xb8;
	[tilespmem:$0x1D000] =	vst v63  }
0xb9: {  	_ =	swait.ge [sflag:s18], $0x4000  }
0xba: {  	[sflag:s18] =	ssyncset.done $0x0  }
0xbb: {  	[sflag:s18] =	ssyncadd.s32 $0xFFFFC000  }
0xbc: {  	[spmem:s2] =	stream.indirect.scatter.add.f32 [tilespmem:s16], [sflag:$0x4], $0x80, s1, s15, $0xb8;
	[tilespmem:$0x1D000] =	vst v63  }
0xbd: {  	_ =	swait.ge [sflag:s19], $0x4000  }
0xbe: {  	[sflag:s19] =	ssyncset.done $0x0  }
0xbf: {  	[sflag:s19] =	ssyncadd.s32 $0xFFFFC000  }
0xc0: {  	[tilespmem:s12], [sflag:$0x1] =	stream.indirect.gather [hbm4b:s4+s15], $0x80, s0, s15, $0xb8;
	[tilespmem:$0x1D000] =	vst v63  }
0xc1: {  	_ =	swait.ge [sflag:s20], $0x4000  }
0xc2: {  	[sflag:s20] =	ssyncset.done $0x0  }
0xc3: {  	[sflag:s20] =	ssyncadd.s32 $0xFFFFC000  }
0xc4: {  	[tilespmem:s16], [sflag:$0x2] =	stream.indirect.gather [hbm4b:s4+s15], $0x80, s6, s15, $0xb8;
	[tilespmem:$0x1D000] =	vst v63  }
0xc5: {  	_ =	swait.ge [sflag:s17], $0x4000  }
0xc6: {  	[sflag:s17] =	ssyncset.done $0x0  }
0xc7: {  	[sflag:s17] =	ssyncadd.s32 $0xFFFFC000  }
0xc8: {  	[spmem:s2] =	stream.indirect.scatter.add.f32 [tilespmem:s12], [sflag:$0x3], $0x80, s7, s15, $0xb8;
	[tilespmem:$0x1D000] =	vst v63  }
0xc9: {  	_ =	swait.ge [sflag:s18], $0x4000  }
0xca: {  	[sflag:s18] =	ssyncset.done $0x0  }
0xcb: {  	[sflag:s18] =	ssyncadd.s32 $0xFFFFC000  }
0xcc: {  	[spmem:s2] =	stream.indirect.scatter.add.f32 [tilespmem:s16], [sflag:$0x4], $0x80, s8, s15, $0xb8;
	[tilespmem:$0x1D000] =	vst v63  }
0xcd: {  	_ =	swait.ge [sflag:s19], $0x4000  }
0xce: {  	[sflag:s19] =	ssyncset.done $0x0  }
0xcf: {  	[sflag:s19] =	ssyncadd.s32 $0xFFFFC000  }
0xd0: {  	s10 =	simm.s32 $0x100;
	_ =	swait.ge [sflag:s20], $0x4000  }
0xd1: {  	s11 =	simm.s32 $0x200;
	s5 =	rddreg [dreg:$0x5];
	[sflag:s20] =	ssyncset.done $0x0  }
.LBB2_4:
0xd2: {  	[sflag:s20] =	ssyncadd.s32 $0xFFFFC000;
	s5 =	sadd.s32 s10, s5  }
0xd3: {  	[tilespmem:s3], [sflag:$0x5] =	stream.linear.gather [hbm4b:s5+s3], $0x800, $0x38;
	[tilespmem:$0x1D000] =	vst v63  }
0xd4: {  	_ =	swait.ge [sflag:s13], $0x800  }
0xd5: {  	s5 =	rddreg [dreg:$0x4];
	[sflag:s13] =	ssyncset.done $0x0  }
0xd6: {  	[sflag:s13] =	ssyncadd.s32 $0xFFFFF800;
	s5 =	sadd.s32 s10, s5  }
0xd7: {  	[tilespmem:s14], [sflag:$0x5] =	stream.linear.gather [hbm4b:s5+s3], $0x800, $0x38;
	[tilespmem:$0x1D000] =	vst v63  }
0xd8: {  	_ =	swait.ge [sflag:s13], $0x800  }
0xd9: {  	[sflag:s13] =	ssyncset.done $0x0  }
0xda: {  	[sflag:s13] =	ssyncadd.s32 $0xFFFFF800  }
0xdb: {  	[tilespmem:s12], [sflag:$0x1] =	stream.indirect.gather [hbm4b:s4+s15], $0x80, s3, s15, $0xb8;
	[tilespmem:$0x1D000] =	vst v63  }
0xdc: {  	_ = 	snop  }
0xdd: {  	[tilespmem:s16], [sflag:$0x2] =	stream.indirect.gather [hbm4b:s4+s15], $0x80, s15, s15, $0xb8;
	[tilespmem:$0x1D000] =	vst v63  }
0xde: {  	_ =	swait.ge [sflag:s17], $0x4000  }
0xdf: {  	[sflag:s17] =	ssyncset.done $0x0  }
0xe0: {  	[sflag:s17] =	ssyncadd.s32 $0xFFFFC000  }
0xe1: {  	[spmem:s2] =	stream.indirect.scatter.add.f32 [tilespmem:s12], [sflag:$0x3], $0x80, s14, s15, $0xb8;
	[tilespmem:$0x1D000] =	vst v63  }
0xe2: {  	_ =	swait.ge [sflag:s18], $0x4000  }
0xe3: {  	s9 =	smov.u32 s11;
	[sflag:s18] =	ssyncset.done $0x0  }
0xe4: {  	s10 =	smov.u32 s9;
	s9 =	rddreg [dreg:$0x6];
	[sflag:s18] =	ssyncadd.s32 $0xFFFFC000  }
0xe5: {  	[spmem:s2] =	stream.indirect.scatter.add.f32 [tilespmem:s16], [sflag:$0x4], $0x80, s9, s15, $0xb8;
	[tilespmem:$0x1D000] =	vst v63  }
0xe6: {  	_ =	swait.ge [sflag:s19], $0x4000  }
0xe7: {  	[sflag:s19] =	ssyncset.done $0x0  }
0xe8: {  	s9 =	rddreg [dreg:$0x7];
	[sflag:s19] =	ssyncadd.s32 $0xFFFFC000  }
0xe9: {  	[tilespmem:s12], [sflag:$0x1] =	stream.indirect.gather [hbm4b:s4+s15], $0x80, s9, s15, $0xb8;
	[tilespmem:$0x1D000] =	vst v63  }
0xea: {  	_ =	swait.ge [sflag:s20], $0x4000  }
0xeb: {  	[sflag:s20] =	ssyncset.done $0x0  }
0xec: {  	s9 =	rddreg [dreg:$0x8];
	[sflag:s20] =	ssyncadd.s32 $0xFFFFC000  }
0xed: {  	[tilespmem:s16], [sflag:$0x2] =	stream.indirect.gather [hbm4b:s4+s15], $0x80, s9, s15, $0xb8;
	[tilespmem:$0x1D000] =	vst v63  }
0xee: {  	_ =	swait.ge [sflag:s17], $0x4000  }
0xef: {  	[sflag:s17] =	ssyncset.done $0x0  }
0xf0: {  	s9 =	rddreg [dreg:$0x9];
	[sflag:s17] =	ssyncadd.s32 $0xFFFFC000  }
0xf1: {  	[spmem:s2] =	stream.indirect.scatter.add.f32 [tilespmem:s12], [sflag:$0x3], $0x80, s9, s15, $0xb8;
	[tilespmem:$0x1D000] =	vst v63  }
0xf2: {  	_ =	swait.ge [sflag:s18], $0x4000  }
0xf3: {  	[sflag:s18] =	ssyncset.done $0x0  }
0xf4: {  	s9 =	rddreg [dreg:$0xa];
	[sflag:s18] =	ssyncadd.s32 $0xFFFFC000  }
0xf5: {  	[spmem:s2] =	stream.indirect.scatter.add.f32 [tilespmem:s16], [sflag:$0x4], $0x80, s9, s15, $0xb8;
	[tilespmem:$0x1D000] =	vst v63  }
0xf6: {  	_ =	swait.ge [sflag:s19], $0x4000  }
0xf7: {  	[sflag:s19] =	ssyncset.done $0x0  }
0xf8: {  	s9 =	rddreg [dreg:$0xb];
	[sflag:s19] =	ssyncadd.s32 $0xFFFFC000  }
0xf9: {  	[tilespmem:s12], [sflag:$0x1] =	stream.indirect.gather [hbm4b:s4+s15], $0x80, s9, s15, $0xb8;
	[tilespmem:$0x1D000] =	vst v63  }
0xfa: {  	_ =	swait.ge [sflag:s20], $0x4000  }
0xfb: {  	[sflag:s20] =	ssyncset.done $0x0  }
0xfc: {  	s9 =	rddreg [dreg:$0xc];
	[sflag:s20] =	ssyncadd.s32 $0xFFFFC000  }
0xfd: {  	[tilespmem:s16], [sflag:$0x2] =	stream.indirect.gather [hbm4b:s4+s15], $0x80, s9, s15, $0xb8;
	[tilespmem:$0x1D000] =	vst v63  }
0xfe: {  	_ =	swait.ge [sflag:s17], $0x4000  }
0xff: {  	[sflag:s17] =	ssyncset.done $0x0  }
0x100: {  	s9 =	rddreg [dreg:$0xd];
	[sflag:s17] =	ssyncadd.s32 $0xFFFFC000  }
0x101: {  	[spmem:s2] =	stream.indirect.scatter.add.f32 [tilespmem:s12], [sflag:$0x3], $0x80, s9, s15, $0xb8;
	[tilespmem:$0x1D000] =	vst v63  }
0x102: {  	_ =	swait.ge [sflag:s18], $0x4000  }
0x103: {  	[sflag:s18] =	ssyncset.done $0x0  }
0x104: {  	s9 =	rddreg [dreg:$0xe];
	[sflag:s18] =	ssyncadd.s32 $0xFFFFC000  }
0x105: {  	[spmem:s2] =	stream.indirect.scatter.add.f32 [tilespmem:s16], [sflag:$0x4], $0x80, s9, s15, $0xb8;
	[tilespmem:$0x1D000] =	vst v63  }
0x106: {  	_ =	swait.ge [sflag:s19], $0x4000  }
0x107: {  	[sflag:s19] =	ssyncset.done $0x0  }
0x108: {  	s9 =	rddreg [dreg:$0xf];
	[sflag:s19] =	ssyncadd.s32 $0xFFFFC000  }
0x109: {  	[tilespmem:s12], [sflag:$0x1] =	stream.indirect.gather [hbm4b:s4+s15], $0x80, s9, s15, $0xb8;
	[tilespmem:$0x1D000] =	vst v63  }
0x10a: {  	_ =	swait.ge [sflag:s20], $0x4000  }
0x10b: {  	[sflag:s20] =	ssyncset.done $0x0  }
0x10c: {  	s9 =	rddreg [dreg:$0x10];
	[sflag:s20] =	ssyncadd.s32 $0xFFFFC000  }
0x10d: {  	[tilespmem:s16], [sflag:$0x2] =	stream.indirect.gather [hbm4b:s4+s15], $0x80, s9, s15, $0xb8;
	[tilespmem:$0x1D000] =	vst v63  }
0x10e: {  	_ =	swait.ge [sflag:s17], $0x4000  }
0x10f: {  	[sflag:s17] =	ssyncset.done $0x0  }
0x110: {  	s9 =	rddreg [dreg:$0x11];
	[sflag:s17] =	ssyncadd.s32 $0xFFFFC000  }
0x111: {  	[spmem:s2] =	stream.indirect.scatter.add.f32 [tilespmem:s12], [sflag:$0x3], $0x80, s9, s15, $0xb8;
	[tilespmem:$0x1D000] =	vst v63  }
0x112: {  	_ =	swait.ge [sflag:s18], $0x4000  }
0x113: {  	[sflag:s18] =	ssyncset.done $0x0  }
0x114: {  	s9 =	rddreg [dreg:$0x12];
	[sflag:s18] =	ssyncadd.s32 $0xFFFFC000  }
0x115: {  	[spmem:s2] =	stream.indirect.scatter.add.f32 [tilespmem:s16], [sflag:$0x4], $0x80, s9, s15, $0xb8;
	[tilespmem:$0x1D000] =	vst v63  }
0x116: {  	_ =	swait.ge [sflag:s19], $0x4000  }
0x117: {  	[sflag:s19] =	ssyncset.done $0x0  }
0x118: {  	s9 =	rddreg [dreg:$0x13];
	[sflag:s19] =	ssyncadd.s32 $0xFFFFC000  }
0x119: {  	[tilespmem:s12], [sflag:$0x1] =	stream.indirect.gather [hbm4b:s4+s15], $0x80, s9, s15, $0xb8;
	[tilespmem:$0x1D000] =	vst v63  }
0x11a: {  	_ =	swait.ge [sflag:s20], $0x4000  }
0x11b: {  	[sflag:s20] =	ssyncset.done $0x0  }
0x11c: {  	[sflag:s20] =	ssyncadd.s32 $0xFFFFC000  }
0x11d: {  	[tilespmem:s16], [sflag:$0x2] =	stream.indirect.gather [hbm4b:s4+s15], $0x80, s21, s15, $0xb8;
	[tilespmem:$0x1D000] =	vst v63  }
0x11e: {  	_ =	swait.ge [sflag:s17], $0x4000  }
0x11f: {  	[sflag:s17] =	ssyncset.done $0x0  }
0x120: {  	[sflag:s17] =	ssyncadd.s32 $0xFFFFC000  }
0x121: {  	[spmem:s2] =	stream.indirect.scatter.add.f32 [tilespmem:s12], [sflag:$0x3], $0x80, s22, s15, $0xb8;
	[tilespmem:$0x1D000] =	vst v63  }
0x122: {  	_ =	swait.ge [sflag:s18], $0x4000  }
0x123: {  	[sflag:s18] =	ssyncset.done $0x0  }
0x124: {  	[sflag:s18] =	ssyncadd.s32 $0xFFFFC000  }
0x125: {  	[spmem:s2] =	stream.indirect.scatter.add.f32 [tilespmem:s16], [sflag:$0x4], $0x80, s23, s15, $0xb8;
	[tilespmem:$0x1D000] =	vst v63  }
0x126: {  	_ =	swait.ge [sflag:s19], $0x4000  }
0x127: {  	[sflag:s19] =	ssyncset.done $0x0  }
0x128: {  	[sflag:s19] =	ssyncadd.s32 $0xFFFFC000  }
0x129: {  	[tilespmem:s12], [sflag:$0x1] =	stream.indirect.gather [hbm4b:s4+s15], $0x80, s24, s15, $0xb8;
	[tilespmem:$0x1D000] =	vst v63  }
0x12a: {  	_ =	swait.ge [sflag:s20], $0x4000  }
0x12b: {  	[sflag:s20] =	ssyncset.done $0x0  }
0x12c: {  	[sflag:s20] =	ssyncadd.s32 $0xFFFFC000  }
0x12d: {  	[tilespmem:s16], [sflag:$0x2] =	stream.indirect.gather [hbm4b:s4+s15], $0x80, s25, s15, $0xb8;
	[tilespmem:$0x1D000] =	vst v63  }
0x12e: {  	_ =	swait.ge [sflag:s17], $0x4000  }
0x12f: {  	[sflag:s17] =	ssyncset.done $0x0  }
0x130: {  	[sflag:s17] =	ssyncadd.s32 $0xFFFFC000  }
0x131: {  	[spmem:s2] =	stream.indirect.scatter.add.f32 [tilespmem:s12], [sflag:$0x3], $0x80, s26, s15, $0xb8;
	[tilespmem:$0x1D000] =	vst v63  }
0x132: {  	_ =	swait.ge [sflag:s18], $0x4000  }
0x133: {  	[sflag:s18] =	ssyncset.done $0x0  }
0x134: {  	[sflag:s18] =	ssyncadd.s32 $0xFFFFC000  }
0x135: {  	[spmem:s2] =	stream.indirect.scatter.add.f32 [tilespmem:s16], [sflag:$0x4], $0x80, s28, s15, $0xb8;
	[tilespmem:$0x1D000] =	vst v63  }
0x136: {  	_ =	swait.ge [sflag:s19], $0x4000  }
0x137: {  	[sflag:s19] =	ssyncset.done $0x0  }
0x138: {  	[sflag:s19] =	ssyncadd.s32 $0xFFFFC000  }
0x139: {  	[tilespmem:s12], [sflag:$0x1] =	stream.indirect.gather [hbm4b:s4+s15], $0x80, s29, s15, $0xb8;
	[tilespmem:$0x1D000] =	vst v63  }
0x13a: {  	_ =	swait.ge [sflag:s20], $0x4000  }
0x13b: {  	[sflag:s20] =	ssyncset.done $0x0  }
0x13c: {  	[sflag:s20] =	ssyncadd.s32 $0xFFFFC000  }
0x13d: {  	[tilespmem:s16], [sflag:$0x2] =	stream.indirect.gather [hbm4b:s4+s15], $0x80, s30, s15, $0xb8;
	[tilespmem:$0x1D000] =	vst v63  }
0x13e: {  	_ =	swait.ge [sflag:s17], $0x4000  }
0x13f: {  	[sflag:s17] =	ssyncset.done $0x0  }
0x140: {  	[sflag:s17] =	ssyncadd.s32 $0xFFFFC000  }
0x141: {  	[spmem:s2] =	stream.indirect.scatter.add.f32 [tilespmem:s12], [sflag:$0x3], $0x80, s31, s15, $0xb8;
	[tilespmem:$0x1D000] =	vst v63  }
0x142: {  	_ =	swait.ge [sflag:s18], $0x4000  }
0x143: {  	[sflag:s18] =	ssyncset.done $0x0  }
0x144: {  	[sflag:s18] =	ssyncadd.s32 $0xFFFFC000  }
0x145: {  	[spmem:s2] =	stream.indirect.scatter.add.f32 [tilespmem:s16], [sflag:$0x4], $0x80, s1, s15, $0xb8;
	[tilespmem:$0x1D000] =	vst v63  }
0x146: {  	_ =	swait.ge [sflag:s19], $0x4000  }
0x147: {  	[sflag:s19] =	ssyncset.done $0x0  }
0x148: {  	[sflag:s19] =	ssyncadd.s32 $0xFFFFC000  }
0x149: {  	[tilespmem:s12], [sflag:$0x1] =	stream.indirect.gather [hbm4b:s4+s15], $0x80, s0, s15, $0xb8;
	[tilespmem:$0x1D000] =	vst v63  }
0x14a: {  	_ =	swait.ge [sflag:s20], $0x4000  }
0x14b: {  	[sflag:s20] =	ssyncset.done $0x0  }
0x14c: {  	[sflag:s20] =	ssyncadd.s32 $0xFFFFC000  }
0x14d: {  	[tilespmem:s16], [sflag:$0x2] =	stream.indirect.gather [hbm4b:s4+s15], $0x80, s6, s15, $0xb8;
	[tilespmem:$0x1D000] =	vst v63  }
0x14e: {  	_ =	swait.ge [sflag:s17], $0x4000  }
0x14f: {  	[sflag:s17] =	ssyncset.done $0x0  }
0x150: {  	[sflag:s17] =	ssyncadd.s32 $0xFFFFC000  }
0x151: {  	[spmem:s2] =	stream.indirect.scatter.add.f32 [tilespmem:s12], [sflag:$0x3], $0x80, s7, s15, $0xb8;
	[tilespmem:$0x1D000] =	vst v63  }
0x152: {  	_ =	swait.ge [sflag:s18], $0x4000  }
0x153: {  	[sflag:s18] =	ssyncset.done $0x0  }
0x154: {  	p0 =	sne.s32 s11, $0x400;
	[sflag:s18] =	ssyncadd.s32 $0xFFFFC000  }
0x155: {  	[spmem:s2] =	stream.indirect.scatter.add.f32 [tilespmem:s16], [sflag:$0x4], $0x80, s8, s15, $0xb8;
	[tilespmem:$0x1D000] =	vst v63  }
.Ltmp1:
0x156: {  	_ =	swait.ge [sflag:s19], $0x4000;
	(pc) =	sbr.rel @p0 .LBB2_4-.Ltmp1, $4  }
0x157: {  	[sflag:s19] =	ssyncset.done $0x0  }
0x158: {  	[sflag:s19] =	ssyncadd.s32 $0xFFFFC000  }
0x159: {  	_ =	swait.ge [sflag:s20], $0x4000  }
0x15a: {  	s11 =	sadd.s32 $0x100, s11;
	s5 =	rddreg [dreg:$0x5];
	[sflag:s20] =	ssyncset.done $0x0  }
0x15b: {  	[sflag:s20] =	ssyncadd.s32 $0xFFFFC000;
	s5 =	sadd.s32 s10, s5  }
0x15c: {  	[tilespmem:s3], [sflag:$0x5] =	stream.linear.gather [hbm4b:s5+s3], $0x800, $0x38;
	[tilespmem:$0x1D000] =	vst v63  }
0x15d: {  	_ =	swait.ge [sflag:s13], $0x800  }
0x15e: {  	s9 =	rddreg [dreg:$0x4];
	[sflag:s13] =	ssyncset.done $0x0  }
0x15f: {  	[sflag:s13] =	ssyncadd.s32 $0xFFFFF800;
	s5 =	sadd.s32 s10, s9  }
0x160: {  	[tilespmem:s14], [sflag:$0x5] =	stream.linear.gather [hbm4b:s5+s3], $0x800, $0x38;
	[tilespmem:$0x1D000] =	vst v63  }
0x161: {  	_ =	swait.ge [sflag:s13], $0x800  }
0x162: {  	[sflag:s13] =	ssyncset.done $0x0  }
0x163: {  	[sflag:s13] =	ssyncadd.s32 $0xFFFFF800  }
0x164: {  	[tilespmem:s12], [sflag:$0x1] =	stream.indirect.gather [hbm4b:s4+s15], $0x80, s3, s15, $0xb8;
	[tilespmem:$0x1D000] =	vst v63  }
0x165: {  	_ = 	snop  }
0x166: {  	[tilespmem:s16], [sflag:$0x2] =	stream.indirect.gather [hbm4b:s4+s15], $0x80, s15, s15, $0xb8;
	[tilespmem:$0x1D000] =	vst v63  }
0x167: {  	_ =	swait.ge [sflag:s17], $0x4000  }
0x168: {  	[sflag:s17] =	ssyncset.done $0x0  }
0x169: {  	[sflag:s17] =	ssyncadd.s32 $0xFFFFC000  }
0x16a: {  	[spmem:s2] =	stream.indirect.scatter.add.f32 [tilespmem:s12], [sflag:$0x3], $0x80, s14, s15, $0xb8;
	[tilespmem:$0x1D000] =	vst v63  }
0x16b: {  	_ =	swait.ge [sflag:s18], $0x4000  }
0x16c: {  	[sflag:s18] =	ssyncset.done $0x0  }
0x16d: {  	s11 =	rddreg [dreg:$0x6];
	[sflag:s18] =	ssyncadd.s32 $0xFFFFC000  }
0x16e: {  	[spmem:s2] =	stream.indirect.scatter.add.f32 [tilespmem:s16], [sflag:$0x4], $0x80, s11, s15, $0xb8;
	[tilespmem:$0x1D000] =	vst v63  }
0x16f: {  	_ =	swait.ge [sflag:s19], $0x4000  }
0x170: {  	[sflag:s19] =	ssyncset.done $0x0  }
0x171: {  	s9 =	rddreg [dreg:$0x7];
	[sflag:s19] =	ssyncadd.s32 $0xFFFFC000  }
0x172: {  	[tilespmem:s12], [sflag:$0x1] =	stream.indirect.gather [hbm4b:s4+s15], $0x80, s9, s15, $0xb8;
	[tilespmem:$0x1D000] =	vst v63  }
0x173: {  	_ =	swait.ge [sflag:s20], $0x4000  }
0x174: {  	[sflag:s20] =	ssyncset.done $0x0  }
0x175: {  	s10 =	rddreg [dreg:$0x8];
	[sflag:s20] =	ssyncadd.s32 $0xFFFFC000  }
0x176: {  	[tilespmem:s16], [sflag:$0x2] =	stream.indirect.gather [hbm4b:s4+s15], $0x80, s10, s15, $0xb8;
	[tilespmem:$0x1D000] =	vst v63  }
0x177: {  	_ =	swait.ge [sflag:s17], $0x4000  }
0x178: {  	[sflag:s17] =	ssyncset.done $0x0  }
0x179: {  	s11 =	rddreg [dreg:$0x9];
	[sflag:s17] =	ssyncadd.s32 $0xFFFFC000  }
0x17a: {  	[spmem:s2] =	stream.indirect.scatter.add.f32 [tilespmem:s12], [sflag:$0x3], $0x80, s11, s15, $0xb8;
	[tilespmem:$0x1D000] =	vst v63  }
0x17b: {  	_ =	swait.ge [sflag:s18], $0x4000  }
0x17c: {  	[sflag:s18] =	ssyncset.done $0x0  }
0x17d: {  	s9 =	rddreg [dreg:$0xa];
	[sflag:s18] =	ssyncadd.s32 $0xFFFFC000  }
0x17e: {  	[spmem:s2] =	stream.indirect.scatter.add.f32 [tilespmem:s16], [sflag:$0x4], $0x80, s9, s15, $0xb8;
	[tilespmem:$0x1D000] =	vst v63  }
0x17f: {  	_ =	swait.ge [sflag:s19], $0x4000  }
0x180: {  	[sflag:s19] =	ssyncset.done $0x0  }
0x181: {  	s10 =	rddreg [dreg:$0xb];
	[sflag:s19] =	ssyncadd.s32 $0xFFFFC000  }
0x182: {  	[tilespmem:s12], [sflag:$0x1] =	stream.indirect.gather [hbm4b:s4+s15], $0x80, s10, s15, $0xb8;
	[tilespmem:$0x1D000] =	vst v63  }
0x183: {  	_ =	swait.ge [sflag:s20], $0x4000  }
0x184: {  	[sflag:s20] =	ssyncset.done $0x0  }
0x185: {  	s11 =	rddreg [dreg:$0xc];
	[sflag:s20] =	ssyncadd.s32 $0xFFFFC000  }
0x186: {  	[tilespmem:s16], [sflag:$0x2] =	stream.indirect.gather [hbm4b:s4+s15], $0x80, s11, s15, $0xb8;
	[tilespmem:$0x1D000] =	vst v63  }
0x187: {  	_ =	swait.ge [sflag:s17], $0x4000  }
0x188: {  	[sflag:s17] =	ssyncset.done $0x0  }
0x189: {  	s9 =	rddreg [dreg:$0xd];
	[sflag:s17] =	ssyncadd.s32 $0xFFFFC000  }
0x18a: {  	[spmem:s2] =	stream.indirect.scatter.add.f32 [tilespmem:s12], [sflag:$0x3], $0x80, s9, s15, $0xb8;
	[tilespmem:$0x1D000] =	vst v63  }
0x18b: {  	_ =	swait.ge [sflag:s18], $0x4000  }
0x18c: {  	[sflag:s18] =	ssyncset.done $0x0  }
0x18d: {  	s10 =	rddreg [dreg:$0xe];
	[sflag:s18] =	ssyncadd.s32 $0xFFFFC000  }
0x18e: {  	[spmem:s2] =	stream.indirect.scatter.add.f32 [tilespmem:s16], [sflag:$0x4], $0x80, s10, s15, $0xb8;
	[tilespmem:$0x1D000] =	vst v63  }
0x18f: {  	_ =	swait.ge [sflag:s19], $0x4000  }
0x190: {  	[sflag:s19] =	ssyncset.done $0x0  }
0x191: {  	s11 =	rddreg [dreg:$0xf];
	[sflag:s19] =	ssyncadd.s32 $0xFFFFC000  }
0x192: {  	[tilespmem:s12], [sflag:$0x1] =	stream.indirect.gather [hbm4b:s4+s15], $0x80, s11, s15, $0xb8;
	[tilespmem:$0x1D000] =	vst v63  }
0x193: {  	_ =	swait.ge [sflag:s20], $0x4000  }
0x194: {  	[sflag:s20] =	ssyncset.done $0x0  }
0x195: {  	s9 =	rddreg [dreg:$0x10];
	[sflag:s20] =	ssyncadd.s32 $0xFFFFC000  }
0x196: {  	[tilespmem:s16], [sflag:$0x2] =	stream.indirect.gather [hbm4b:s4+s15], $0x80, s9, s15, $0xb8;
	[tilespmem:$0x1D000] =	vst v63  }
0x197: {  	_ =	swait.ge [sflag:s17], $0x4000  }
0x198: {  	[sflag:s17] =	ssyncset.done $0x0  }
0x199: {  	s10 =	rddreg [dreg:$0x11];
	[sflag:s17] =	ssyncadd.s32 $0xFFFFC000  }
0x19a: {  	[spmem:s2] =	stream.indirect.scatter.add.f32 [tilespmem:s12], [sflag:$0x3], $0x80, s10, s15, $0xb8;
	[tilespmem:$0x1D000] =	vst v63  }
0x19b: {  	_ =	swait.ge [sflag:s18], $0x4000  }
0x19c: {  	[sflag:s18] =	ssyncset.done $0x0  }
0x19d: {  	s11 =	rddreg [dreg:$0x12];
	[sflag:s18] =	ssyncadd.s32 $0xFFFFC000  }
0x19e: {  	[spmem:s2] =	stream.indirect.scatter.add.f32 [tilespmem:s16], [sflag:$0x4], $0x80, s11, s15, $0xb8;
	[tilespmem:$0x1D000] =	vst v63  }
0x19f: {  	_ =	swait.ge [sflag:s19], $0x4000  }
0x1a0: {  	[sflag:s19] =	ssyncset.done $0x0  }
0x1a1: {  	s9 =	rddreg [dreg:$0x13];
	[sflag:s19] =	ssyncadd.s32 $0xFFFFC000  }
0x1a2: {  	[tilespmem:s12], [sflag:$0x1] =	stream.indirect.gather [hbm4b:s4+s15], $0x80, s9, s15, $0xb8;
	[tilespmem:$0x1D000] =	vst v63  }
0x1a3: {  	_ =	swait.ge [sflag:s20], $0x4000  }
0x1a4: {  	[sflag:s20] =	ssyncset.done $0x0  }
0x1a5: {  	[sflag:s20] =	ssyncadd.s32 $0xFFFFC000  }
0x1a6: {  	[tilespmem:s16], [sflag:$0x2] =	stream.indirect.gather [hbm4b:s4+s15], $0x80, s21, s15, $0xb8;
	[tilespmem:$0x1D000] =	vst v63  }
0x1a7: {  	_ =	swait.ge [sflag:s17], $0x4000  }
0x1a8: {  	[sflag:s17] =	ssyncset.done $0x0  }
0x1a9: {  	[sflag:s17] =	ssyncadd.s32 $0xFFFFC000  }
0x1aa: {  	[spmem:s2] =	stream.indirect.scatter.add.f32 [tilespmem:s12], [sflag:$0x3], $0x80, s22, s15, $0xb8;
	[tilespmem:$0x1D000] =	vst v63  }
0x1ab: {  	_ =	swait.ge [sflag:s18], $0x4000  }
0x1ac: {  	[sflag:s18] =	ssyncset.done $0x0  }
0x1ad: {  	[sflag:s18] =	ssyncadd.s32 $0xFFFFC000  }
0x1ae: {  	[spmem:s2] =	stream.indirect.scatter.add.f32 [tilespmem:s16], [sflag:$0x4], $0x80, s23, s15, $0xb8;
	[tilespmem:$0x1D000] =	vst v63  }
0x1af: {  	_ =	swait.ge [sflag:s19], $0x4000  }
0x1b0: {  	[sflag:s19] =	ssyncset.done $0x0  }
0x1b1: {  	[sflag:s19] =	ssyncadd.s32 $0xFFFFC000  }
0x1b2: {  	[tilespmem:s12], [sflag:$0x1] =	stream.indirect.gather [hbm4b:s4+s15], $0x80, s24, s15, $0xb8;
	[tilespmem:$0x1D000] =	vst v63  }
0x1b3: {  	_ =	swait.ge [sflag:s20], $0x4000  }
0x1b4: {  	[sflag:s20] =	ssyncset.done $0x0  }
0x1b5: {  	[sflag:s20] =	ssyncadd.s32 $0xFFFFC000  }
0x1b6: {  	[tilespmem:s16], [sflag:$0x2] =	stream.indirect.gather [hbm4b:s4+s15], $0x80, s25, s15, $0xb8;
	[tilespmem:$0x1D000] =	vst v63  }
0x1b7: {  	_ =	swait.ge [sflag:s17], $0x4000  }
0x1b8: {  	[sflag:s17] =	ssyncset.done $0x0  }
0x1b9: {  	[sflag:s17] =	ssyncadd.s32 $0xFFFFC000  }
0x1ba: {  	[spmem:s2] =	stream.indirect.scatter.add.f32 [tilespmem:s12], [sflag:$0x3], $0x80, s26, s15, $0xb8;
	[tilespmem:$0x1D000] =	vst v63  }
0x1bb: {  	_ =	swait.ge [sflag:s18], $0x4000  }
0x1bc: {  	[sflag:s18] =	ssyncset.done $0x0  }
0x1bd: {  	[sflag:s18] =	ssyncadd.s32 $0xFFFFC000  }
0x1be: {  	[spmem:s2] =	stream.indirect.scatter.add.f32 [tilespmem:s16], [sflag:$0x4], $0x80, s28, s15, $0xb8;
	[tilespmem:$0x1D000] =	vst v63  }
0x1bf: {  	_ =	swait.ge [sflag:s19], $0x4000  }
0x1c0: {  	[sflag:s19] =	ssyncset.done $0x0  }
0x1c1: {  	[sflag:s19] =	ssyncadd.s32 $0xFFFFC000  }
0x1c2: {  	[tilespmem:s12], [sflag:$0x1] =	stream.indirect.gather [hbm4b:s4+s15], $0x80, s29, s15, $0xb8;
	[tilespmem:$0x1D000] =	vst v63  }
0x1c3: {  	_ =	swait.ge [sflag:s20], $0x4000  }
0x1c4: {  	[sflag:s20] =	ssyncset.done $0x0  }
0x1c5: {  	[sflag:s20] =	ssyncadd.s32 $0xFFFFC000  }
0x1c6: {  	[tilespmem:s16], [sflag:$0x2] =	stream.indirect.gather [hbm4b:s4+s15], $0x80, s30, s15, $0xb8;
	[tilespmem:$0x1D000] =	vst v63  }
0x1c7: {  	_ =	swait.ge [sflag:s17], $0x4000  }
0x1c8: {  	[sflag:s17] =	ssyncset.done $0x0  }
0x1c9: {  	[sflag:s17] =	ssyncadd.s32 $0xFFFFC000  }
0x1ca: {  	[spmem:s2] =	stream.indirect.scatter.add.f32 [tilespmem:s12], [sflag:$0x3], $0x80, s31, s15, $0xb8;
	[tilespmem:$0x1D000] =	vst v63  }
0x1cb: {  	_ =	swait.ge [sflag:s18], $0x4000  }
0x1cc: {  	[sflag:s18] =	ssyncset.done $0x0  }
0x1cd: {  	[sflag:s18] =	ssyncadd.s32 $0xFFFFC000  }
0x1ce: {  	[spmem:s2] =	stream.indirect.scatter.add.f32 [tilespmem:s16], [sflag:$0x4], $0x80, s1, s15, $0xb8;
	[tilespmem:$0x1D000] =	vst v63  }
0x1cf: {  	_ =	swait.ge [sflag:s19], $0x4000  }
0x1d0: {  	[sflag:s19] =	ssyncset.done $0x0  }
0x1d1: {  	[sflag:s19] =	ssyncadd.s32 $0xFFFFC000  }
0x1d2: {  	[tilespmem:s12], [sflag:$0x1] =	stream.indirect.gather [hbm4b:s4+s15], $0x80, s0, s15, $0xb8;
	[tilespmem:$0x1D000] =	vst v63  }
0x1d3: {  	_ =	swait.ge [sflag:s20], $0x4000  }
0x1d4: {  	[sflag:s20] =	ssyncset.done $0x0  }
0x1d5: {  	[sflag:s20] =	ssyncadd.s32 $0xFFFFC000  }
0x1d6: {  	[tilespmem:s16], [sflag:$0x2] =	stream.indirect.gather [hbm4b:s4+s15], $0x80, s6, s15, $0xb8;
	[tilespmem:$0x1D000] =	vst v63  }
0x1d7: {  	_ =	swait.ge [sflag:s17], $0x4000  }
0x1d8: {  	[sflag:s17] =	ssyncset.done $0x0  }
0x1d9: {  	[sflag:s17] =	ssyncadd.s32 $0xFFFFC000  }
0x1da: {  	[spmem:s2] =	stream.indirect.scatter.add.f32 [tilespmem:s12], [sflag:$0x3], $0x80, s7, s15, $0xb8;
	[tilespmem:$0x1D000] =	vst v63  }
0x1db: {  	_ =	swait.ge [sflag:s18], $0x4000  }
0x1dc: {  	[sflag:s18] =	ssyncset.done $0x0  }
0x1dd: {  	[sflag:s18] =	ssyncadd.s32 $0xFFFFC000  }
0x1de: {  	[spmem:s2] =	stream.indirect.scatter.add.f32 [tilespmem:s16], [sflag:$0x4], $0x80, s8, s15, $0xb8;
	[tilespmem:$0x1D000] =	vst v63  }
0x1df: {  	_ =	swait.ge [sflag:s19], $0x4000  }
0x1e0: {  	[sflag:s19] =	ssyncset.done $0x0  }
0x1e1: {  	[sflag:s19] =	ssyncadd.s32 $0xFFFFC000  }
0x1e2: {  	_ =	swait.ge [sflag:s20], $0x4000  }
0x1e3: {  	[sflag:s20] =	ssyncset.done $0x0  }
0x1e4: {  	[sflag:s20] =	ssyncadd.s32 $0xFFFFC000  }
0x1e5: {  	s10 =	stileid.u32;
	[bflag:$0x0] =	sbarrier.arrive $0xFFFF  }
0x1e6: {  	s5 =	sshll.u32 s10, $0x6;
	s9 =	rddreg [dreg:$0x14]  }
0x1e7: {  	s5 =	sor.u32 $0x1C05, s5;
	s11 =	rddreg [dreg:$0x19];
	s9 =	sshrl.u32 s9, $0x3  }
0x1e8: {  	[hbm:s11], [sflag:s5] =	dma.local [spmem:s9], $0x2800  }
0x1e9: {  	_ =	swait.ge [sflag:s13], $0x2800  }
0x1ea: {  	s10 =	rddreg [dreg:$0x1b]  }
0x1eb: {  	s11 =	rddreg [dreg:$0x1a];
	s9 =	sadd.s32 $0x1, s10  }
0x1ec: {  	p0 =	sne.s32 s9, s11  }
.Ltmp2:
0x1ed: {  	_ = 	snop;
	(pc) =	sbr.rel @p0 .LBB2_1-.Ltmp2, $3  }
0x1ee: {  	_ =	sdelay $0x1  }
0x1ef: {  	[sflag:s13] =	ssyncset.done $0x0  }
0x1f0: {  	[sflag:s13] =	ssyncadd.s32 $0xFFFFD800  }
0x1f1: {  	_ =	sfence.sel $0x180000  }
0x1f2: {  	[bflag:$0x0] =	sbarrier.arrive $0xFFFF  }
0x1f3: {  	_ =	strace $0x9000004D  }
0x1f4: {  	s0 =	stileid.u32;
	[bflag:$0x2] =	sbarrier.arrive $0xFFFF  }
0x1f5: {  	p0 =	sne.s32 s0, $0x0;
	s0 =	rddreg [dreg:$0x3]  }
0x1f6: {  	s0 =	sadd.s32 @!p0 $0x100000, s0  }
0x1f7: {  	[sflag:s0] =	ssyncadd.tile.s32 @!p0 $0x1;
	_ =	shalt  }
.Lfunc_end2:
_tile_overlayer_lowered:
.L_overlay_start_2:
0x1f8: {  	(tag) =	ssettag $0x2  }
0x1f9: {  	s0 =	rddreg [dreg:$0x0];
	s2 =	stileid.u32  }
0x1fa: {  	s1 =	rddreg [dreg:$0x1];
	p0 =	sne.s32 s2, $0x0  }
0x1fb: {  	s3 =	rddreg [dreg:$0x2];
	[bflag:$0x3] =	sbarrier.arrive $0xFFFF;
	s2 =	simm.s32 @!p0 $0x1C05  }
0x1fc: {  	[timem:s3], [sflag:s2] =	dma.local @!p0 [hbm:s0], s1  }
0x1fd: {  	s0 =	simm.s32 @!p0 $0x5  }
0x1fe: {  	_ =	swait.ge @!p0 [sflag:s0], s1  }
0x1ff: {  	s1 =	ssub.s32 @!p0 $0x0, s1;
	[sflag:s0] =	ssyncset.done @!p0 $0x0  }
0x200: {  	[sflag:s0] =	ssyncadd.s32 @!p0 s1  }
0x201: {  	[bflag:$0x3] =	sbarrier.arrive $0xFFFF  }
0x202: {  	_ =	shalt  }

// kernel: kernel.8.cloned.1.call-start
scs
__scs_entry_jumppad:
0x0: {  	(pc) =	sbr.rel $0x88, $3  }
0x1: {  	(tag) =	ssettag $0x0;
	lr =	simm.s32 $0x1  }
0x2: {  	[smem:$0x3F9B] =	sst lr;
	_ =	strace $0xD0000000  }
0x3: {  	_ = 	snop  }
0x4: {  	_ = 	snop  }
0x5: {  	_ = 	snop  }
0x6: {  	_ = 	snop  }
0x7: {  	_ = 	snop  }
__scs_overlays_trampoline_lowered:
0x8: {  	[smem:$0x3FAA] =	sst s0  }
0x9: {  	[smem:$0x3FAB] =	sst s1  }
0xa: {  	[smem:$0x3FAC] =	sst s2  }
0xb: {  	[smem:$0x3FAD] =	sst s3  }
0xc: {  	[smem:$0x3FAE] =	sst s4  }
0xd: {  	[smem:$0x3FAF] =	sst s5  }
0xe: {  	[smem:$0x3FB0] =	sst s6  }
0xf: {  	[smem:$0x3FB1] =	sst s7  }
0x10: {  	[smem:$0x3FB2] =	sst s8  }
0x11: {  	[smem:$0x3FB3] =	sst s9;
	s0 =	simm.s32 @!p0 $0x0  }
0x12: {  	s1 =	sld [smem:$0x3F99];
	s0 =	simm.s32 @p0 $0x1  }
0x13: {  	[smem:$0x3FB4] =	sst s0;
	s0 =	simm.s32 @!p1 $0x0  }
0x14: {  	s2 =	sld [smem:$0x3F98];
	s0 =	simm.s32 @p1 $0x1  }
0x15: {  	[smem:$0x3FB5] =	sst s0;
	s0 =	simm.s32 @!p2 $0x0  }
0x16: {  	s3 =	sld [smem:$0x3FDB];
	s0 =	simm.s32 @p2 $0x1  }
0x17: {  	s4 =	simm.s32 $0x1BF5;
	[smem:$0x3FB7] =	sst s0  }
0x18: {  	s0 =	sld [smem:$0x3F9A];
	_ =	swait.ge [sflag:s4], $0x0  }
0x19: {  	s7 =	sld [smem:$0x3F9B]  }
0x1a: {  	s8 =	sadd.s32 $0xFFFFE003, lr  }
0x1b: {  	s9 =	sadd.s32 $0xFFFFFEF7, lr;
	s5 =	simm.s32 $0xFFFFFFFF;
	p2 =	slt.u32 s8, $0xFFFFF086  }
0x1c: {  	p1 =	slt.u32 s9, $0xF7A;
	s5 =	simm.s32 @!p2 $0x0  }
0x1d: {  	s5 =	simm.s32 @p1 $0x1;
	p0 =	seq.s32 s7, s2  }
0x1e: {  	s7 =	smul.u32 @!p0 $0xF7A, s2;
	p2 =	seq.s32 @!p0 s5, $0x0  }
0x1f: {  	s9 =	smul.u32 $0xF7A, s1;
	s8 =	simm.s32 @!p0 $0x1BF5;
	p2 =	por !p2, p0  }
0x20: {  	[sflag:s8] =	ssyncset.s32 @!p0 $0xFFFFF086;
	s6 =	sadd.s32 @!p0 s3, s7;
	s7 =	simm.s32 @!p0 $0x108  }
0x21: {  	s3 =	sadd.s32 s3, s9;
	s6 =	sadd.s32 @!p0 $0x88, s6;
	s7 =	simm.s32 @p2 $0x1082  }
0x22: {  	[simem:s7], [sflag:s8] =	dma.local @!p0 [hbm:s6], $0xF7A  }
0x23: {  	s9 =	sor.u32 $0xD0000000, s2;
	s6 =	simm.s32 $0x108;
	_ =	swait.ge @!p0 [sflag:s8], $0x0  }
0x24: {  	s3 =	sadd.s32 $0x88, s3;
	s6 =	simm.s32 @!p1 $0x1082;
	[sflag:s4] =	ssyncset.s32 $0xFFFFF086  }
0x25: {  	[simem:s6], [sflag:s4] =	dma.local [hbm:s3], $0xF7A  }
0x26: {  	[smem:$0x3F9B] =	sst s1;
	(tag) =	ssettag s2;
	_ =	strace s9  }
0x27: {  	s1 =	sld [smem:$0x3FAB]  }
0x28: {  	s2 =	sld [smem:$0x3FAC]  }
0x29: {  	s4 =	sld [smem:$0x3FAE]  }
0x2a: {  	p0 =	seq.s32 s5, $0x0;
	s5 =	sld [smem:$0x3FAF]  }
0x2b: {  	s6 =	sld [smem:$0x3FB0]  }
0x2c: {  	s7 =	sld [smem:$0x3FB1]  }
0x2d: {  	s3 =	simm.s32 $0x108;
	s8 =	sld [smem:$0x3FB2]  }
0x2e: {  	s3 =	simm.s32 @!p0 $0x1082;
	s9 =	sld [smem:$0x3FB3]  }
0x2f: {  	lr =	sadd.s32 s0, s3;
	s0 =	sld [smem:$0x3FAA]  }
0x30: {  	s3 =	sld [smem:$0x3FAD]  }
0x31: {  	[smem:$0x3FB6] =	sst s10  }
0x32: {  	s10 =	sld [smem:$0x3FB4];
	_ =	sdelay $0x3  }
0x33: {  	p0 =	seq.s32 s10, $0x1;
	s10 =	sld [smem:$0x3FB6];
	_ =	sdelay $0x3  }
0x34: {  	[smem:$0x3FB6] =	sst s10  }
0x35: {  	s10 =	sld [smem:$0x3FB5];
	_ =	sdelay $0x3  }
0x36: {  	p1 =	seq.s32 s10, $0x1;
	s10 =	sld [smem:$0x3FB6];
	_ =	sdelay $0x3  }
0x37: {  	[smem:$0x3FB6] =	sst s10  }
0x38: {  	s10 =	sld [smem:$0x3FB7]  }
0x39: {  	_ = 	snop;
	(pc) =	sbr.ind lr, $3  }
0x3a: {  	_ = 	snop  }
0x3b: {  	_ = 	snop  }
0x3c: {  	p2 =	seq.s32 s10, $0x1;
	s10 =	sld [smem:$0x3FB6]  }
0x3d: {  	_ =	shalt  }
0x3e: {  	_ =	shalt  }
0x3f: {  	_ =	shalt  }
0x40: {  	_ =	shalt  }
0x41: {  	_ =	shalt  }
0x42: {  	_ =	shalt  }
0x43: {  	_ =	shalt  }
0x44: {  	_ =	shalt  }
0x45: {  	_ =	shalt  }
0x46: {  	_ =	shalt  }
0x47: {  	_ =	shalt  }
0x48: {  	_ =	shalt  }
0x49: {  	_ =	shalt  }
0x4a: {  	_ =	shalt  }
0x4b: {  	_ =	shalt  }
0x4c: {  	_ =	shalt  }
0x4d: {  	_ =	shalt  }
0x4e: {  	_ =	shalt  }
0x4f: {  	_ =	shalt  }
0x50: {  	_ =	shalt  }
0x51: {  	_ =	shalt  }
0x52: {  	_ =	shalt  }
0x53: {  	_ =	shalt  }
0x54: {  	_ =	shalt  }
0x55: {  	_ =	shalt  }
0x56: {  	_ =	shalt  }
0x57: {  	_ =	shalt  }
0x58: {  	_ =	shalt  }
0x59: {  	_ =	shalt  }
0x5a: {  	_ =	shalt  }
0x5b: {  	_ =	shalt  }
0x5c: {  	_ =	shalt  }
0x5d: {  	_ =	shalt  }
0x5e: {  	_ =	shalt  }
0x5f: {  	_ =	shalt  }
0x60: {  	_ =	shalt  }
0x61: {  	_ =	shalt  }
0x62: {  	_ =	shalt  }
0x63: {  	_ =	shalt  }
0x64: {  	_ =	shalt  }
0x65: {  	_ =	shalt  }
0x66: {  	_ =	shalt  }
0x67: {  	_ =	shalt  }
0x68: {  	_ =	shalt  }
0x69: {  	_ =	shalt  }
0x6a: {  	_ =	shalt  }
0x6b: {  	_ =	shalt  }
0x6c: {  	_ =	shalt  }
0x6d: {  	_ =	shalt  }
0x6e: {  	_ =	shalt  }
0x6f: {  	_ =	shalt  }
0x70: {  	_ =	shalt  }
0x71: {  	_ =	shalt  }
0x72: {  	_ =	shalt  }
0x73: {  	_ =	shalt  }
0x74: {  	_ =	shalt  }
0x75: {  	_ =	shalt  }
0x76: {  	_ =	shalt  }
0x77: {  	_ =	shalt  }
0x78: {  	_ =	shalt  }
0x79: {  	_ =	shalt  }
0x7a: {  	_ =	shalt  }
0x7b: {  	_ =	shalt  }
0x7c: {  	_ =	shalt  }
0x7d: {  	_ =	shalt  }
0x7e: {  	_ =	shalt  }
0x7f: {  	_ =	shalt  }
0x80: {  	_ =	shalt  }
0x81: {  	_ =	shalt  }
0x82: {  	_ =	shalt  }
0x83: {  	_ =	shalt  }
0x84: {  	_ =	shalt  }
0x85: {  	_ =	shalt  }
0x86: {  	_ =	shalt  }
0x87: {  	_ =	shalt  }
.Lfunc_end0:
.L_simem_size_0:
called_computation_lowered:
.L_overlay_start_0:
0x88: {  	s2 =	sld [smem:$0x3FD9]  }
0x89: {  	s3 =	sld [smem:$0x3FFE];
	_ =	sdelay $0x1  }
0x8a: {  	s1 =	srdreg.scid  }
0x8b: {  	s0 =	sand.u32 $0x1, s1  }
0x8c: {  	s17 =	sshll.u32 s0, $0xA;
	s2 =	sadd.s32 s3, s2  }
0x8d: {  	s2 =	sadd.s32 s2, s17  }
0x8e: {  	[smem:$0x3FC2] =	sst s2  }
0x8f: {  	_ = 	snop  }
0x90: {  	s2 =	sld [smem:$0x3FD0];
	(tm) =	ssettm $0x1  }
0x91: {  	s18 =	sld [smem:$0x3FFB];
	_ =	sdelay $0x3  }
0x92: {  	_ =	strace s18  }
0x93: {  	s3 =	sld [smem:$0x3FFC];
	_ =	sdelay $0x3  }
0x94: {  	_ =	strace s3  }
0x95: {  	s3 =	sld [smem:$0x3FFD];
	_ =	sdelay $0x3  }
0x96: {  	_ =	strace s3  }
0x97: {  	_ =	strace $0x8FFFFFFF  }
0x98: {  	s19 =	sld [smem:$0x3FDB];
	_ =	sdelay $0x1  }
0x99: {  	s4 =	simm.s32 $_scs_section_size  }
0x9a: {  	s5 =	simm.s32 $_size__tile_overlayer_lowered;
	s6 =	simm.s32 $_tile_overlayer_lowered  }
0x9b: {  	s22 =	simm.s32 $0x1BFF;
	s21 =	sshll.u32 s6, $0x1;
	s3 =	sadd.s32 s4, s19  }
0x9c: {  	s7 =	simm.s32 $0x0;
	s20 =	sshll.u32 s5, $0x1;
	s5 =	sadd.s32 s21, s3  }
0x9d: {  	[timem:s7], [sflag:s22] =	dma.local [hbm:s5], s20  }
0x9e: {  	_ =	swait.ge [sflag:s22], s20  }
0x9f: {  	s4 =	ssub.s32 $0x0, s20;
	[sflag:s22] =	ssyncset.done $0x0  }
0xa0: {  	[sflag:s22] =	ssyncadd.s32 s4;
	_ =	sdelay $0x1  }
0xa1: {  	s23 =	simm.s32 $0x1B8B  }
0xa2: {  	_ =	swait.ge [sflag:s23], $0x1  }
0xa3: {  	[sflag:s23] =	ssyncset.done $0x0  }
0xa4: {  	s25 =	simm.s32 $0x1B8E;
	s24 =	sld [smem:$0x3FFE];
	[sflag:s23] =	ssyncadd.s32 $0xFFFFFFFF  }
0xa5: {  	s26 =	simm.s32 $execute0_lowered;
	[smem:$0x3FD2] =	sst s25  }
0xa6: {  	s5 =	sshll.u32 s26, $0x1;
	_ =	strace $0x80000046;
	[dreg:$0x1] =	wrdreg $0xFFFFFFFF  }
0xa7: {  	s28 =	simm.s32 $_size_execute0_lowered;
	s3 =	sadd.s32 s3, s5;
	[dreg:$0x0] =	wrdreg $0x0  }
0xa8: {  	s5 =	sshll.u32 s28, $0x1;
	[dreg:$0x2] =	wrdreg s3  }
0xa9: {  	[dreg:$0x3] =	wrdreg s5  }
0xaa: {  	[dreg:$0x4] =	wrdreg $0xC0  }
0xab: {  	_ =	task [dreg:s7], $0x5FFFF  }
0xac: {  	[dreg:$0x1] =	wrdreg $0xFFFFFFFF  }
0xad: {  	[dreg:$0x0] =	wrdreg $0x60  }
0xae: {  	[dreg:$0x2] =	wrdreg s2  }
0xaf: {  	[dreg:$0x3] =	wrdreg s24  }
0xb0: {  	[dreg:$0x4] =	wrdreg $0x48000  }
0xb1: {  	[dreg:$0x5] =	wrdreg $0x9  }
0xb2: {  	_ =	task.clear_ibuf [dreg:s7], $0x6FFFF;
	_ =	strace $0x90000046  }
0xb3: {  	s29 =	simm.s32 $0x9;
	_ =	strace $0x80000048  }
0xb4: {  	_ =	swait.ge [sflag:s29], $0x1  }
0xb5: {  	[sflag:s29] =	ssyncadd.s32 $0xFFFFFFFF  }
0xb6: {  	_ =	strace $0x90000048  }
0xb7: {  	_ =	sfence  }
0xb8: {  	s30 =	sld [smem:$0x0];
	_ =	sdelay $0x2  }
0xb9: {  	s31 =	sshll.u32 s1, $0xD;
	s1 =	sshrl.u32 s1, $0x2  }
0xba: {  	s3 =	sand.u32 $0x4000, s31;
	s1 =	sadd.s32 s1, s30  }
0xbb: {  	s0 =	sor.u32 s3, s0;
	s1 =	sshll.u32 s1, $0x11  }
0xbc: {  	s0 =	sor.u32 s1, s0  }
0xbd: {  	s0 =	sadd.s32 $0x8F2B, s0  }
0xbe: {  	[sflag:s0] =	ssyncadd.remote.s32 $0x1  }
0xbf: {  	_ =	sfence.sel $0xFFFF  }
0xc0: {  	[dreg:$0x0] =	wrdreg $0xFFFFFFFF;
	(pc) =	sbr.abs _section_cstart, $3  }
0xc1: {  	[dreg:$0x1] =	wrdreg $0xFFFFFFFF  }
0xc2: {  	_ =	task.clear_ibuf [dreg:s7], $0x2FFFF;
	_ =	strace $0x9FFFFFFF  }
0xc3: {  	(tm) =	ssettm $0x7FFFFFFF  }
tec
execute0_lowered:
.L_overlay_start_1:
0x0: {  	(tag) =	ssettag $0x1  }
0x1: {  	s0 =	rddreg [dreg:$0x0]  }
0x2: {  	s1 =	rddreg [dreg:$0x1];
	s3 =	srdreg.scid  }
0x3: {  	s2 =	rddreg [dreg:$0x2];
	s8 =	stileid.u32  }
0x4: {  	s13 =	simm.s32 $0x1;
	s14 =	simm.s32 $0x80;
	s15 =	simm.s32 $0x100  }
0x5: {  	s16 =	simm.s32 $0x180;
	s17 =	simm.s32 $0x200;
	s18 =	simm.s32 $0x280  }
0x6: {  	s19 =	simm.s32 $0x300;
	s20 =	simm.s32 $0x380;
	s21 =	simm.s32 $0x400  }
0x7: {  	s22 =	simm.s32 $0x480;
	s23 =	simm.s32 $0x500;
	s6 =	smul.u32 $0x14000, s8  }
0x8: {  	s24 =	simm.s32 $0x580;
	s28 =	simm.s32 $0x700;
	s25 =	smul.u32 $0x50000, s8  }
0x9: {  	s29 =	simm.s32 $0x780;
	s4 =	sand.u32 $0x1, s3;
	s8 =	smul.u32 $0x5000, s8  }
0xa: {  	s30 =	simm.s32 $0x0;
	s3 =	simm.s32 $0x0;
	s5 =	smul.u32 $0x140000, s4  }
0xb: {  	[smem:$0x7FF] =	sst s3;
	s7 =	ssub.s32 $0x2, s4;
	s10 =	smul.u32 $0x2800, s4  }
0xc: {  	_ =	strace $0x80000047;
	s9 =	sshrl.u32 s7, $0x1;
	s5 =	sadd.s32 s6, s5  }
0xd: {  	s6 =	sshrl.u32 s25, $0x2;
	s11 =	ssub.s32 s7, s9;
	s31 =	sadd.s32 s10, s8  }
0xe: {  	s25 =	simm.s32 $0x600;
	s5 =	sshrl.u32 s5, $0x3;
	s4 =	sadd.s32 s6, s2  }
0xf: {  	s12 =	sshrl.u32 s31, $0x3;
	s10 =	smax.u32 s11, $0x1;
	s1 =	sadd.s32 s5, s1  }
0x10: {  	s26 =	sadd.s32 $0x4000, s4;
	s6 =	sadd.s32 $0x8000, s4;
	s7 =	sadd.s32 $0xC000, s4  }
0x11: {  	s8 =	sadd.s32 $0x10000, s4;
	s11 =	sadd.s32 s12, s0;
	s12 =	simm.s32 $0x800  }
0x12: {  	v0 =	vimm.f32 $0.0e+00;
	v1 =	vimm.f32 $1.000000000e+00;
	[dreg:$0x4] =	wrdreg s26;
	s9 =	sadd.s32 $0x2800, s1;
	s26 =	simm.s32 $0x680  }
.LBB2_1:
0x13: {  	s0 =	simm.s32 $0x200;
	s1 =	simm.s32 $0x0  }
.LBB2_2:
0x14: {  	p0 =	sne.s32 s0, $0xFE00;
	[tilespmem:s1+$0x800] =	vst v0;
	s1 =	smov.u32 s0;
	s0 =	sadd.s32 $0x200, s0  }
.Ltmp0:
0x15: {  	(pc) =	sbr.rel @p0 .LBB2_2-.Ltmp0, $2  }
0x16: {  	_ =	sdelay $0x2  }
0x17: {  	s1 =	sshra.s32 s1, $0x2  }
0x18: {  	[tilespmem:s1+$0x800] =	vst v0  }
0x19: {  	[spmem:s4] =	stream.linear.scatter [tilespmem:s12], [sflag:$0x1], $0x4000, $0x38;
	[tilespmem:$0x7000] =	vst v63  }
0x1a: {  	_ =	swait.ge [sflag:s13], $0x4000  }
0x1b: {  	[sflag:s13] =	ssyncset.done $0x0  }
0x1c: {  	s0 =	rddreg [dreg:$0x4];
	[sflag:s13] =	ssyncadd.s32 $0xFFFFC000  }
0x1d: {  	[spmem:s0] =	stream.linear.scatter [tilespmem:s12], [sflag:$0x1], $0x4000, $0x38;
	[tilespmem:$0x7000] =	vst v63  }
0x1e: {  	_ =	swait.ge [sflag:s13], $0x4000  }
0x1f: {  	[sflag:s13] =	ssyncset.done $0x0  }
0x20: {  	[sflag:s13] =	ssyncadd.s32 $0xFFFFC000  }
0x21: {  	[spmem:s6] =	stream.linear.scatter [tilespmem:s12], [sflag:$0x1], $0x4000, $0x38;
	[tilespmem:$0x7000] =	vst v63  }
0x22: {  	_ =	swait.ge [sflag:s13], $0x4000  }
0x23: {  	[sflag:s13] =	ssyncset.done $0x0  }
0x24: {  	[sflag:s13] =	ssyncadd.s32 $0xFFFFC000  }
0x25: {  	[spmem:s7] =	stream.linear.scatter [tilespmem:s12], [sflag:$0x1], $0x4000, $0x38;
	[tilespmem:$0x7000] =	vst v63  }
0x26: {  	_ =	swait.ge [sflag:s13], $0x4000  }
0x27: {  	[sflag:s13] =	ssyncset.done $0x0  }
0x28: {  	[sflag:s13] =	ssyncadd.s32 $0xFFFFC000  }
0x29: {  	[spmem:s8] =	stream.linear.scatter [tilespmem:s12], [sflag:$0x1], $0x4000, $0x38;
	[tilespmem:$0x7000] =	vst v63  }
0x2a: {  	_ =	swait.ge [sflag:s13], $0x4000  }
0x2b: {  	[sflag:s13] =	ssyncset.done $0x0  }
0x2c: {  	s1 =	simm.s32 $0x0;
	s0 =	simm.s32 $0x200;
	[sflag:s13] =	ssyncadd.s32 $0xFFFFC000  }
.LBB2_4:
0x2d: {  	p0 =	sne.s32 s0, $0xFE00;
	[tilespmem:s1+$0x800] =	vst v1;
	s1 =	smov.u32 s0;
	s0 =	sadd.s32 $0x200, s0  }
.Ltmp1:
0x2e: {  	(pc) =	sbr.rel @p0 .LBB2_4-.Ltmp1, $2  }
0x2f: {  	_ =	sdelay $0x2  }
0x30: {  	s1 =	sshra.s32 s1, $0x2  }
0x31: {  	[tilespmem:s1+$0x800] =	vst v1  }
0x32: {  	s0 =	sadd.s32 $0x0, s11;
	[bflag:$0x0] =	sbarrier.arrive $0xFFFF  }
0x33: {  	[tilespmem:s3], [sflag:$0x1] =	stream.linear.gather [hbm4b:s0+s3], $0x800, $0x38;
	[tilespmem:$0x7000] =	vst v63  }
0x34: {  	_ =	swait.ge [sflag:s13], $0x800  }
0x35: {  	[sflag:s13] =	ssyncset.done $0x0  }
0x36: {  	[sflag:s13] =	ssyncadd.s32 $0xFFFFF800  }
0x37: {  	[spmem:s2] =	stream.indirect.scatter.add.f32 [tilespmem:s12], [sflag:$0x1], $0x10, s3, s14, $0xb8;
	[tilespmem:$0x7000] =	vst v63  }
0x38: {  	_ =	swait.ge [sflag:s13], $0x800  }
0x39: {  	[sflag:s13] =	ssyncset.done $0x0  }
0x3a: {  	[sflag:s13] =	ssyncadd.s32 $0xFFFFF800  }
0x3b: {  	[spmem:s2] =	stream.indirect.scatter.add.f32 [tilespmem:s12], [sflag:$0x1], $0x10, s14, s14, $0xb8;
	[tilespmem:$0x7000] =	vst v63  }
0x3c: {  	_ =	swait.ge [sflag:s13], $0x800  }
0x3d: {  	[sflag:s13] =	ssyncset.done $0x0  }
0x3e: {  	[sflag:s13] =	ssyncadd.s32 $0xFFFFF800  }
0x3f: {  	[spmem:s2] =	stream.indirect.scatter.add.f32 [tilespmem:s12], [sflag:$0x1], $0x10, s15, s14, $0xb8;
	[tilespmem:$0x7000] =	vst v63  }
0x40: {  	_ =	swait.ge [sflag:s13], $0x800  }
0x41: {  	[sflag:s13] =	ssyncset.done $0x0  }
0x42: {  	[sflag:s13] =	ssyncadd.s32 $0xFFFFF800  }
0x43: {  	[spmem:s2] =	stream.indirect.scatter.add.f32 [tilespmem:s12], [sflag:$0x1], $0x10, s16, s14, $0xb8;
	[tilespmem:$0x7000] =	vst v63  }
0x44: {  	_ =	swait.ge [sflag:s13], $0x800  }
0x45: {  	[sflag:s13] =	ssyncset.done $0x0  }
0x46: {  	[sflag:s13] =	ssyncadd.s32 $0xFFFFF800  }
0x47: {  	[spmem:s2] =	stream.indirect.scatter.add.f32 [tilespmem:s12], [sflag:$0x1], $0x10, s17, s14, $0xb8;
	[tilespmem:$0x7000] =	vst v63  }
0x48: {  	_ =	swait.ge [sflag:s13], $0x800  }
0x49: {  	[sflag:s13] =	ssyncset.done $0x0  }
0x4a: {  	[sflag:s13] =	ssyncadd.s32 $0xFFFFF800  }
0x4b: {  	[spmem:s2] =	stream.indirect.scatter.add.f32 [tilespmem:s12], [sflag:$0x1], $0x10, s18, s14, $0xb8;
	[tilespmem:$0x7000] =	vst v63  }
0x4c: {  	_ =	swait.ge [sflag:s13], $0x800  }
0x4d: {  	[sflag:s13] =	ssyncset.done $0x0  }
0x4e: {  	[sflag:s13] =	ssyncadd.s32 $0xFFFFF800  }
0x4f: {  	[spmem:s2] =	stream.indirect.scatter.add.f32 [tilespmem:s12], [sflag:$0x1], $0x10, s19, s14, $0xb8;
	[tilespmem:$0x7000] =	vst v63  }
0x50: {  	_ =	swait.ge [sflag:s13], $0x800  }
0x51: {  	[sflag:s13] =	ssyncset.done $0x0  }
0x52: {  	[sflag:s13] =	ssyncadd.s32 $0xFFFFF800  }
0x53: {  	[spmem:s2] =	stream.indirect.scatter.add.f32 [tilespmem:s12], [sflag:$0x1], $0x10, s20, s14, $0xb8;
	[tilespmem:$0x7000] =	vst v63  }
0x54: {  	_ =	swait.ge [sflag:s13], $0x800  }
0x55: {  	[sflag:s13] =	ssyncset.done $0x0  }
0x56: {  	[sflag:s13] =	ssyncadd.s32 $0xFFFFF800  }
0x57: {  	[spmem:s2] =	stream.indirect.scatter.add.f32 [tilespmem:s12], [sflag:$0x1], $0x10, s21, s14, $0xb8;
	[tilespmem:$0x7000] =	vst v63  }
0x58: {  	_ =	swait.ge [sflag:s13], $0x800  }
0x59: {  	[sflag:s13] =	ssyncset.done $0x0  }
0x5a: {  	[sflag:s13] =	ssyncadd.s32 $0xFFFFF800  }
0x5b: {  	[spmem:s2] =	stream.indirect.scatter.add.f32 [tilespmem:s12], [sflag:$0x1], $0x10, s22, s14, $0xb8;
	[tilespmem:$0x7000] =	vst v63  }
0x5c: {  	_ =	swait.ge [sflag:s13], $0x800  }
0x5d: {  	[sflag:s13] =	ssyncset.done $0x0  }
0x5e: {  	[sflag:s13] =	ssyncadd.s32 $0xFFFFF800  }
0x5f: {  	[spmem:s2] =	stream.indirect.scatter.add.f32 [tilespmem:s12], [sflag:$0x1], $0x10, s23, s14, $0xb8;
	[tilespmem:$0x7000] =	vst v63  }
0x60: {  	_ =	swait.ge [sflag:s13], $0x800  }
0x61: {  	[sflag:s13] =	ssyncset.done $0x0  }
0x62: {  	[sflag:s13] =	ssyncadd.s32 $0xFFFFF800  }
0x63: {  	[spmem:s2] =	stream.indirect.scatter.add.f32 [tilespmem:s12], [sflag:$0x1], $0x10, s24, s14, $0xb8;
	[tilespmem:$0x7000] =	vst v63  }
0x64: {  	_ =	swait.ge [sflag:s13], $0x800  }
0x65: {  	[sflag:s13] =	ssyncset.done $0x0  }
0x66: {  	[sflag:s13] =	ssyncadd.s32 $0xFFFFF800  }
0x67: {  	[spmem:s2] =	stream.indirect.scatter.add.f32 [tilespmem:s12], [sflag:$0x1], $0x10, s25, s14, $0xb8;
	[tilespmem:$0x7000] =	vst v63  }
0x68: {  	_ =	swait.ge [sflag:s13], $0x800  }
0x69: {  	[sflag:s13] =	ssyncset.done $0x0  }
0x6a: {  	[sflag:s13] =	ssyncadd.s32 $0xFFFFF800  }
0x6b: {  	[spmem:s2] =	stream.indirect.scatter.add.f32 [tilespmem:s12], [sflag:$0x1], $0x10, s26, s14, $0xb8;
	[tilespmem:$0x7000] =	vst v63  }
0x6c: {  	_ =	swait.ge [sflag:s13], $0x800  }
0x6d: {  	[sflag:s13] =	ssyncset.done $0x0  }
0x6e: {  	[sflag:s13] =	ssyncadd.s32 $0xFFFFF800  }
0x6f: {  	[spmem:s2] =	stream.indirect.scatter.add.f32 [tilespmem:s12], [sflag:$0x1], $0x10, s28, s14, $0xb8;
	[tilespmem:$0x7000] =	vst v63  }
0x70: {  	_ =	swait.ge [sflag:s13], $0x800  }
0x71: {  	[sflag:s13] =	ssyncset.done $0x0  }
0x72: {  	[sflag:s13] =	ssyncadd.s32 $0xFFFFF800  }
0x73: {  	[spmem:s2] =	stream.indirect.scatter.add.f32 [tilespmem:s12], [sflag:$0x1], $0x10, s29, s14, $0xb8;
	[tilespmem:$0x7000] =	vst v63  }
0x74: {  	_ =	swait.ge [sflag:s13], $0x800  }
0x75: {  	s31 =	simm.s32 $0x100;
	s0 =	simm.s32 $0x200;
	[sflag:s13] =	ssyncset.done $0x0  }
.LBB2_6:
0x76: {  	s5 =	sadd.s32 s31, s11  }
0x77: {  	[sflag:s13] =	ssyncadd.s32 $0xFFFFF800;
	s31 =	smov.u32 s0;
	s1 =	sadd.s32 $0x100, s0  }
0x78: {  	[tilespmem:s3], [sflag:$0x1] =	stream.linear.gather [hbm4b:s5+s3], $0x800, $0x38;
	[tilespmem:$0x7000] =	vst v63  }
0x79: {  	p0 =	sne.s32 s0, $0x400;
	_ =	swait.ge [sflag:s13], $0x800  }
0x7a: {  	[sflag:s13] =	ssyncset.done $0x0  }
0x7b: {  	[sflag:s13] =	ssyncadd.s32 $0xFFFFF800  }
0x7c: {  	[spmem:s2] =	stream.indirect.scatter.add.f32 [tilespmem:s12], [sflag:$0x1], $0x10, s3, s14, $0xb8;
	[tilespmem:$0x7000] =	vst v63  }
0x7d: {  	_ =	swait.ge [sflag:s13], $0x800  }
0x7e: {  	[sflag:s13] =	ssyncset.done $0x0  }
0x7f: {  	[sflag:s13] =	ssyncadd.s32 $0xFFFFF800  }
0x80: {  	[spmem:s2] =	stream.indirect.scatter.add.f32 [tilespmem:s12], [sflag:$0x1], $0x10, s14, s14, $0xb8;
	[tilespmem:$0x7000] =	vst v63  }
0x81: {  	_ =	swait.ge [sflag:s13], $0x800  }
0x82: {  	[sflag:s13] =	ssyncset.done $0x0  }
0x83: {  	[sflag:s13] =	ssyncadd.s32 $0xFFFFF800  }
0x84: {  	[spmem:s2] =	stream.indirect.scatter.add.f32 [tilespmem:s12], [sflag:$0x1], $0x10, s15, s14, $0xb8;
	[tilespmem:$0x7000] =	vst v63  }
0x85: {  	_ =	swait.ge [sflag:s13], $0x800  }
0x86: {  	[sflag:s13] =	ssyncset.done $0x0  }
0x87: {  	[sflag:s13] =	ssyncadd.s32 $0xFFFFF800  }
0x88: {  	[spmem:s2] =	stream.indirect.scatter.add.f32 [tilespmem:s12], [sflag:$0x1], $0x10, s16, s14, $0xb8;
	[tilespmem:$0x7000] =	vst v63  }
0x89: {  	_ =	swait.ge [sflag:s13], $0x800  }
0x8a: {  	[sflag:s13] =	ssyncset.done $0x0  }
0x8b: {  	[sflag:s13] =	ssyncadd.s32 $0xFFFFF800  }
0x8c: {  	[spmem:s2] =	stream.indirect.scatter.add.f32 [tilespmem:s12], [sflag:$0x1], $0x10, s17, s14, $0xb8;
	[tilespmem:$0x7000] =	vst v63  }
0x8d: {  	_ =	swait.ge [sflag:s13], $0x800  }
0x8e: {  	[sflag:s13] =	ssyncset.done $0x0  }
0x8f: {  	[sflag:s13] =	ssyncadd.s32 $0xFFFFF800  }
0x90: {  	[spmem:s2] =	stream.indirect.scatter.add.f32 [tilespmem:s12], [sflag:$0x1], $0x10, s18, s14, $0xb8;
	[tilespmem:$0x7000] =	vst v63  }
0x91: {  	_ =	swait.ge [sflag:s13], $0x800  }
0x92: {  	[sflag:s13] =	ssyncset.done $0x0  }
0x93: {  	[sflag:s13] =	ssyncadd.s32 $0xFFFFF800  }
0x94: {  	[spmem:s2] =	stream.indirect.scatter.add.f32 [tilespmem:s12], [sflag:$0x1], $0x10, s19, s14, $0xb8;
	[tilespmem:$0x7000] =	vst v63  }
0x95: {  	_ =	swait.ge [sflag:s13], $0x800  }
0x96: {  	[sflag:s13] =	ssyncset.done $0x0  }
0x97: {  	[sflag:s13] =	ssyncadd.s32 $0xFFFFF800  }
0x98: {  	[spmem:s2] =	stream.indirect.scatter.add.f32 [tilespmem:s12], [sflag:$0x1], $0x10, s20, s14, $0xb8;
	[tilespmem:$0x7000] =	vst v63  }
0x99: {  	_ =	swait.ge [sflag:s13], $0x800  }
0x9a: {  	[sflag:s13] =	ssyncset.done $0x0  }
0x9b: {  	[sflag:s13] =	ssyncadd.s32 $0xFFFFF800  }
0x9c: {  	[spmem:s2] =	stream.indirect.scatter.add.f32 [tilespmem:s12], [sflag:$0x1], $0x10, s21, s14, $0xb8;
	[tilespmem:$0x7000] =	vst v63  }
0x9d: {  	_ =	swait.ge [sflag:s13], $0x800  }
0x9e: {  	[sflag:s13] =	ssyncset.done $0x0  }
0x9f: {  	[sflag:s13] =	ssyncadd.s32 $0xFFFFF800  }
0xa0: {  	[spmem:s2] =	stream.indirect.scatter.add.f32 [tilespmem:s12], [sflag:$0x1], $0x10, s22, s14, $0xb8;
	[tilespmem:$0x7000] =	vst v63  }
0xa1: {  	_ =	swait.ge [sflag:s13], $0x800  }
0xa2: {  	[sflag:s13] =	ssyncset.done $0x0  }
0xa3: {  	[sflag:s13] =	ssyncadd.s32 $0xFFFFF800  }
0xa4: {  	[spmem:s2] =	stream.indirect.scatter.add.f32 [tilespmem:s12], [sflag:$0x1], $0x10, s23, s14, $0xb8;
	[tilespmem:$0x7000] =	vst v63  }
0xa5: {  	_ =	swait.ge [sflag:s13], $0x800  }
0xa6: {  	[sflag:s13] =	ssyncset.done $0x0  }
0xa7: {  	[sflag:s13] =	ssyncadd.s32 $0xFFFFF800  }
0xa8: {  	[spmem:s2] =	stream.indirect.scatter.add.f32 [tilespmem:s12], [sflag:$0x1], $0x10, s24, s14, $0xb8;
	[tilespmem:$0x7000] =	vst v63  }
0xa9: {  	_ =	swait.ge [sflag:s13], $0x800  }
0xaa: {  	[sflag:s13] =	ssyncset.done $0x0  }
0xab: {  	[sflag:s13] =	ssyncadd.s32 $0xFFFFF800  }
0xac: {  	[spmem:s2] =	stream.indirect.scatter.add.f32 [tilespmem:s12], [sflag:$0x1], $0x10, s25, s14, $0xb8;
	[tilespmem:$0x7000] =	vst v63  }
0xad: {  	_ =	swait.ge [sflag:s13], $0x800  }
0xae: {  	[sflag:s13] =	ssyncset.done $0x0  }
0xaf: {  	[sflag:s13] =	ssyncadd.s32 $0xFFFFF800  }
0xb0: {  	[spmem:s2] =	stream.indirect.scatter.add.f32 [tilespmem:s12], [sflag:$0x1], $0x10, s26, s14, $0xb8;
	[tilespmem:$0x7000] =	vst v63  }
0xb1: {  	_ =	swait.ge [sflag:s13], $0x800  }
0xb2: {  	[sflag:s13] =	ssyncset.done $0x0  }
0xb3: {  	[sflag:s13] =	ssyncadd.s32 $0xFFFFF800  }
0xb4: {  	[spmem:s2] =	stream.indirect.scatter.add.f32 [tilespmem:s12], [sflag:$0x1], $0x10, s28, s14, $0xb8;
	[tilespmem:$0x7000] =	vst v63  }
0xb5: {  	_ =	swait.ge [sflag:s13], $0x800  }
.Ltmp2:
0xb6: {  	[sflag:s13] =	ssyncset.done $0x0;
	(pc) =	sbr.rel @p0 .LBB2_6-.Ltmp2, $4  }
0xb7: {  	[sflag:s13] =	ssyncadd.s32 $0xFFFFF800  }
0xb8: {  	[spmem:s2] =	stream.indirect.scatter.add.f32 [tilespmem:s12], [sflag:$0x1], $0x10, s29, s14, $0xb8;
	[tilespmem:$0x7000] =	vst v63  }
0xb9: {  	_ =	swait.ge [sflag:s13], $0x800  }
0xba: {  	s0 =	smov.u32 s1;
	[sflag:s13] =	ssyncset.done $0x0  }
0xbb: {  	s0 =	sadd.s32 s31, s11;
	[sflag:s13] =	ssyncadd.s32 $0xFFFFF800  }
0xbc: {  	[tilespmem:s3], [sflag:$0x1] =	stream.linear.gather [hbm4b:s0+s3], $0x800, $0x38;
	[tilespmem:$0x7000] =	vst v63  }
0xbd: {  	_ =	swait.ge [sflag:s13], $0x800  }
0xbe: {  	[sflag:s13] =	ssyncset.done $0x0  }
0xbf: {  	[sflag:s13] =	ssyncadd.s32 $0xFFFFF800  }
0xc0: {  	[spmem:s2] =	stream.indirect.scatter.add.f32 [tilespmem:s12], [sflag:$0x1], $0x10, s3, s14, $0xb8;
	[tilespmem:$0x7000] =	vst v63  }
0xc1: {  	_ =	swait.ge [sflag:s13], $0x800  }
0xc2: {  	[sflag:s13] =	ssyncset.done $0x0  }
0xc3: {  	[sflag:s13] =	ssyncadd.s32 $0xFFFFF800  }
0xc4: {  	[spmem:s2] =	stream.indirect.scatter.add.f32 [tilespmem:s12], [sflag:$0x1], $0x10, s14, s14, $0xb8;
	[tilespmem:$0x7000] =	vst v63  }
0xc5: {  	_ =	swait.ge [sflag:s13], $0x800  }
0xc6: {  	[sflag:s13] =	ssyncset.done $0x0  }
0xc7: {  	[sflag:s13] =	ssyncadd.s32 $0xFFFFF800  }
0xc8: {  	[spmem:s2] =	stream.indirect.scatter.add.f32 [tilespmem:s12], [sflag:$0x1], $0x10, s15, s14, $0xb8;
	[tilespmem:$0x7000] =	vst v63  }
0xc9: {  	_ =	swait.ge [sflag:s13], $0x800  }
0xca: {  	[sflag:s13] =	ssyncset.done $0x0  }
0xcb: {  	[sflag:s13] =	ssyncadd.s32 $0xFFFFF800  }
0xcc: {  	[spmem:s2] =	stream.indirect.scatter.add.f32 [tilespmem:s12], [sflag:$0x1], $0x10, s16, s14, $0xb8;
	[tilespmem:$0x7000] =	vst v63  }
0xcd: {  	_ =	swait.ge [sflag:s13], $0x800  }
0xce: {  	[sflag:s13] =	ssyncset.done $0x0  }
0xcf: {  	[sflag:s13] =	ssyncadd.s32 $0xFFFFF800  }
0xd0: {  	[spmem:s2] =	stream.indirect.scatter.add.f32 [tilespmem:s12], [sflag:$0x1], $0x10, s17, s14, $0xb8;
	[tilespmem:$0x7000] =	vst v63  }
0xd1: {  	_ =	swait.ge [sflag:s13], $0x800  }
0xd2: {  	[sflag:s13] =	ssyncset.done $0x0  }
0xd3: {  	[sflag:s13] =	ssyncadd.s32 $0xFFFFF800  }
0xd4: {  	[spmem:s2] =	stream.indirect.scatter.add.f32 [tilespmem:s12], [sflag:$0x1], $0x10, s18, s14, $0xb8;
	[tilespmem:$0x7000] =	vst v63  }
0xd5: {  	_ =	swait.ge [sflag:s13], $0x800  }
0xd6: {  	[sflag:s13] =	ssyncset.done $0x0  }
0xd7: {  	[sflag:s13] =	ssyncadd.s32 $0xFFFFF800  }
0xd8: {  	[spmem:s2] =	stream.indirect.scatter.add.f32 [tilespmem:s12], [sflag:$0x1], $0x10, s19, s14, $0xb8;
	[tilespmem:$0x7000] =	vst v63  }
0xd9: {  	_ =	swait.ge [sflag:s13], $0x800  }
0xda: {  	[sflag:s13] =	ssyncset.done $0x0  }
0xdb: {  	[sflag:s13] =	ssyncadd.s32 $0xFFFFF800  }
0xdc: {  	[spmem:s2] =	stream.indirect.scatter.add.f32 [tilespmem:s12], [sflag:$0x1], $0x10, s20, s14, $0xb8;
	[tilespmem:$0x7000] =	vst v63  }
0xdd: {  	_ =	swait.ge [sflag:s13], $0x800  }
0xde: {  	[sflag:s13] =	ssyncset.done $0x0  }
0xdf: {  	[sflag:s13] =	ssyncadd.s32 $0xFFFFF800  }
0xe0: {  	[spmem:s2] =	stream.indirect.scatter.add.f32 [tilespmem:s12], [sflag:$0x1], $0x10, s21, s14, $0xb8;
	[tilespmem:$0x7000] =	vst v63  }
0xe1: {  	_ =	swait.ge [sflag:s13], $0x800  }
0xe2: {  	[sflag:s13] =	ssyncset.done $0x0  }
0xe3: {  	[sflag:s13] =	ssyncadd.s32 $0xFFFFF800  }
0xe4: {  	[spmem:s2] =	stream.indirect.scatter.add.f32 [tilespmem:s12], [sflag:$0x1], $0x10, s22, s14, $0xb8;
	[tilespmem:$0x7000] =	vst v63  }
0xe5: {  	_ =	swait.ge [sflag:s13], $0x800  }
0xe6: {  	[sflag:s13] =	ssyncset.done $0x0  }
0xe7: {  	[sflag:s13] =	ssyncadd.s32 $0xFFFFF800  }
0xe8: {  	[spmem:s2] =	stream.indirect.scatter.add.f32 [tilespmem:s12], [sflag:$0x1], $0x10, s23, s14, $0xb8;
	[tilespmem:$0x7000] =	vst v63  }
0xe9: {  	_ =	swait.ge [sflag:s13], $0x800  }
0xea: {  	[sflag:s13] =	ssyncset.done $0x0  }
0xeb: {  	[sflag:s13] =	ssyncadd.s32 $0xFFFFF800  }
0xec: {  	[spmem:s2] =	stream.indirect.scatter.add.f32 [tilespmem:s12], [sflag:$0x1], $0x10, s24, s14, $0xb8;
	[tilespmem:$0x7000] =	vst v63  }
0xed: {  	_ =	swait.ge [sflag:s13], $0x800  }
0xee: {  	[sflag:s13] =	ssyncset.done $0x0  }
0xef: {  	[sflag:s13] =	ssyncadd.s32 $0xFFFFF800  }
0xf0: {  	[spmem:s2] =	stream.indirect.scatter.add.f32 [tilespmem:s12], [sflag:$0x1], $0x10, s25, s14, $0xb8;
	[tilespmem:$0x7000] =	vst v63  }
0xf1: {  	_ =	swait.ge [sflag:s13], $0x800  }
0xf2: {  	[sflag:s13] =	ssyncset.done $0x0  }
0xf3: {  	[sflag:s13] =	ssyncadd.s32 $0xFFFFF800  }
0xf4: {  	[spmem:s2] =	stream.indirect.scatter.add.f32 [tilespmem:s12], [sflag:$0x1], $0x10, s26, s14, $0xb8;
	[tilespmem:$0x7000] =	vst v63  }
0xf5: {  	_ =	swait.ge [sflag:s13], $0x800  }
0xf6: {  	[sflag:s13] =	ssyncset.done $0x0  }
0xf7: {  	[sflag:s13] =	ssyncadd.s32 $0xFFFFF800  }
0xf8: {  	[spmem:s2] =	stream.indirect.scatter.add.f32 [tilespmem:s12], [sflag:$0x1], $0x10, s28, s14, $0xb8;
	[tilespmem:$0x7000] =	vst v63  }
0xf9: {  	_ =	swait.ge [sflag:s13], $0x800  }
0xfa: {  	[sflag:s13] =	ssyncset.done $0x0  }
0xfb: {  	[sflag:s13] =	ssyncadd.s32 $0xFFFFF800  }
0xfc: {  	[spmem:s2] =	stream.indirect.scatter.add.f32 [tilespmem:s12], [sflag:$0x1], $0x10, s29, s14, $0xb8;
	[tilespmem:$0x7000] =	vst v63  }
0xfd: {  	s31 =	stileid.u32;
	_ =	swait.ge [sflag:s13], $0x800  }
0xfe: {  	s1 =	sshrl.u32 s4, $0x3;
	s30 =	sadd.s32 $0x1, s30;
	[sflag:s13] =	ssyncset.done $0x0  }
0xff: {  	s0 =	sshll.u32 s31, $0x6;
	p0 =	sne.s32 s30, s10;
	[sflag:s13] =	ssyncadd.s32 $0xFFFFF800  }
.Ltmp3:
0x100: {  	s0 =	sor.u32 $0x1C01, s0;
	[bflag:$0x0] =	sbarrier.arrive $0xFFFF;
	(pc) =	sbr.rel @p0 .LBB2_1-.Ltmp3, $4  }
0x101: {  	[hbm:s9], [sflag:s0] =	dma.local [spmem:s1], $0x2800  }
0x102: {  	_ =	swait.ge [sflag:s13], $0x2800  }
0x103: {  	[sflag:s13] =	ssyncset.done $0x0  }
0x104: {  	[sflag:s13] =	ssyncadd.s32 $0xFFFFD800  }
0x105: {  	_ =	sfence.sel $0x180000  }
0x106: {  	[bflag:$0x0] =	sbarrier.arrive $0xFFFF  }
0x107: {  	_ =	strace $0x90000047  }
0x108: {  	s0 =	stileid.u32;
	[bflag:$0x2] =	sbarrier.arrive $0xFFFF  }
0x109: {  	p0 =	sne.s32 s0, $0x0;
	s0 =	rddreg [dreg:$0x3]  }
0x10a: {  	s0 =	sadd.s32 @!p0 $0x100000, s0  }
0x10b: {  	[sflag:s0] =	ssyncadd.tile.s32 @!p0 $0x1;
	_ =	shalt  }
.Lfunc_end2:
_tile_overlayer_lowered:
.L_overlay_start_2:
0x10c: {  	(tag) =	ssettag $0x2  }
0x10d: {  	s0 =	rddreg [dreg:$0x0];
	s2 =	stileid.u32  }
0x10e: {  	s1 =	rddreg [dreg:$0x1];
	p0 =	sne.s32 s2, $0x0  }
0x10f: {  	s3 =	rddreg [dreg:$0x2];
	[bflag:$0x3] =	sbarrier.arrive $0xFFFF;
	s2 =	simm.s32 @!p0 $0x1C01  }
0x110: {  	[timem:s3], [sflag:s2] =	dma.local @!p0 [hbm:s0], s1  }
0x111: {  	s0 =	simm.s32 @!p0 $0x1  }
0x112: {  	_ =	swait.ge @!p0 [sflag:s0], s1  }
0x113: {  	s1 =	ssub.s32 @!p0 $0x0, s1;
	[sflag:s0] =	ssyncset.done @!p0 $0x0  }
0x114: {  	[sflag:s0] =	ssyncadd.s32 @!p0 s1  }
0x115: {  	[bflag:$0x3] =	sbarrier.arrive $0xFFFF  }
0x116: {  	_ =	shalt  }

</sc_bundles>
